<compile_context>
chip_gen: v7x
topology: tpu7x:2x2x1
jax: 0.10.2.dev20260603
libtpu: 0.0.44.dev20260713+nightly
codegen_flags: <defaults>
</compile_context>

<pallas_src>
import jax
import jax.numpy as jnp
from jax import lax
from jax.experimental import pallas as pl
from jax.experimental.pallas import tpu as pltpu
from jax.experimental.pallas import tpu_sc as plsc

N_NODES = 10000
E_EDGES = 320000
D = 128

NUM_WORKERS = 32
EDGES_PER_WORKER = E_EDGES // NUM_WORKERS
CHUNK = 80
NUM_CHUNKS = EDGES_PER_WORKER // CHUNK
LANES = 16


def _tables_body(x_ref, wl_ref, wr_ref, wc_ref, b_ref, t0_ref, t1_ref):
    x = x_ref[...]
    p_left = jnp.dot(x, wl_ref[...], preferred_element_type=jnp.float32)
    p_right = jnp.dot(x, wr_ref[...], preferred_element_type=jnp.float32)
    p_c = jnp.dot(x, wc_ref[...], preferred_element_type=jnp.float32)
    c = jnp.tanh(p_c + 0.5 * b_ref[...])
    t0_ref[:, :D] = jax.nn.sigmoid(p_left)
    t0_ref[:, D:] = c
    t1_ref[:, :D] = jax.nn.sigmoid(p_right)
    t1_ref[:, D:] = c


def _build_tables(node_embedding, wl_t, wr_t, wc_t, b2):
    bn = 2000
    grid = N_NODES // bn
    return pl.pallas_call(
        _tables_body,
        grid=(grid,),
        in_specs=[
            pl.BlockSpec((bn, D), lambda i: (i, 0)),
            pl.BlockSpec((D, D), lambda i: (0, 0)),
            pl.BlockSpec((D, D), lambda i: (0, 0)),
            pl.BlockSpec((D, D), lambda i: (0, 0)),
            pl.BlockSpec((1, D), lambda i: (0, 0)),
        ],
        out_specs=[
            pl.BlockSpec((bn, 2 * D), lambda i: (i, 0)),
            pl.BlockSpec((bn, 2 * D), lambda i: (i, 0)),
        ],
        out_shape=[
            jax.ShapeDtypeStruct((N_NODES, 2 * D), jnp.float32),
            jax.ShapeDtypeStruct((N_NODES, 2 * D), jnp.float32),
        ],
    )(node_embedding, wl_t, wr_t, wc_t, b2)


def _edge_body(t0_hbm, t1_hbm, i0_hbm, i1_hbm, out_hbm,
               idx0_v, idx1_v, a0_v, a1_v, b0_v, b1_v, o0_v, o1_v,
               sg0, sg1, sw0, sw1):
    wid = lax.axis_index("c") * 16 + lax.axis_index("s")
    worker_base = wid * EDGES_PER_WORKER

    pltpu.sync_copy(i0_hbm.at[pl.ds(worker_base, EDGES_PER_WORKER)], idx0_v)
    pltpu.sync_copy(i1_hbm.at[pl.ds(worker_base, EDGES_PER_WORKER)], idx1_v)

    a_bufs = (a0_v, a1_v)
    b_bufs = (b0_v, b1_v)
    o_bufs = (o0_v, o1_v)
    sg = (sg0, sg1)
    sw = (sw0, sw1)

    def start_gather(ci, buf):
        isl = pl.ds(ci * CHUNK, CHUNK)
        pltpu.async_copy(t0_hbm.at[idx0_v.at[isl]], a_bufs[buf], sg[buf])
        pltpu.async_copy(t1_hbm.at[idx1_v.at[isl]], b_bufs[buf], sg[buf])

    def wait_gather(ci, buf):
        isl = pl.ds(ci * CHUNK, CHUNK)
        pltpu.make_async_copy(t0_hbm.at[idx0_v.at[isl]], a_bufs[buf], sg[buf]).wait()
        pltpu.make_async_copy(t1_hbm.at[idx1_v.at[isl]], b_bufs[buf], sg[buf]).wait()

    def start_wb(ci, buf):
        pltpu.async_copy(
            o_bufs[buf], out_hbm.at[pl.ds(worker_base + ci * CHUNK, CHUNK)], sw[buf])

    def wait_wb(ci, buf):
        pltpu.make_async_copy(
            o_bufs[buf], out_hbm.at[pl.ds(worker_base + ci * CHUNK, CHUNK)],
            sw[buf]).wait()

    def compute(buf):
        a_v, b_v, o_v = a_bufs[buf], b_bufs[buf], o_bufs[buf]

        @plsc.parallel_loop(0, CHUNK, 1, unroll=2)
        def _edge_step(e):
            for j in range(D // LANES):
                sl_g = pl.ds(j * LANES, LANES)
                sl_c = pl.ds(D + j * LANES, LANES)
                g = a_v[e, sl_g] + b_v[e, sl_g]
                ta = a_v[e, sl_c]
                tb = b_v[e, sl_c]
                o_v[e, sl_g] = g * (ta + tb) / (1.0 + ta * tb)

    def half(p, parity):
        ci = 2 * p + parity
        start_gather(ci + 1, 1 - parity)
        wait_gather(ci, parity)

        @pl.when(ci >= 2)
        def _():
            wait_wb(ci - 2, parity)

        compute(parity)
        start_wb(ci, parity)

    def pair_body(p, carry):
        half(p, 0)
        half(p, 1)
        return carry

    start_gather(0, 0)
    lax.fori_loop(0, (NUM_CHUNKS - 1) // 2, pair_body, 0)
    ci_t = NUM_CHUNKS - 1
    wait_gather(ci_t, 0)
    wait_wb(ci_t - 2, 0)
    compute(0)
    start_wb(ci_t, 0)
    wait_wb(ci_t - 1, 1)
    wait_wb(ci_t, 0)


def _edge_combine(t0, t1, i0, i1):
    mesh = plsc.VectorSubcoreMesh(core_axis_name="c", subcore_axis_name="s")
    return pl.kernel(
        _edge_body,
        out_type=jax.ShapeDtypeStruct((E_EDGES, D), jnp.float32),
        mesh=mesh,
        compiler_params=pltpu.CompilerParams(needs_layout_passes=False),
        scratch_types=[
            pltpu.VMEM((EDGES_PER_WORKER,), jnp.int32),
            pltpu.VMEM((EDGES_PER_WORKER,), jnp.int32),
            pltpu.VMEM((CHUNK, 2 * D), jnp.float32),
            pltpu.VMEM((CHUNK, 2 * D), jnp.float32),
            pltpu.VMEM((CHUNK, 2 * D), jnp.float32),
            pltpu.VMEM((CHUNK, 2 * D), jnp.float32),
            pltpu.VMEM((CHUNK, D), jnp.float32),
            pltpu.VMEM((CHUNK, D), jnp.float32),
            pltpu.SemaphoreType.DMA,
            pltpu.SemaphoreType.DMA,
            pltpu.SemaphoreType.DMA,
            pltpu.SemaphoreType.DMA,
        ],
    )(t0, t1, i0, i1)


def kernel(package, next_size, node_embedding, use_divce, W_left, W_right, W_c, b_c):
    pairs = package[2]
    i0 = pairs[:, 0].astype(jnp.int32)
    i1 = pairs[:, 1].astype(jnp.int32)
    t0, t1 = _build_tables(
        node_embedding,
        W_left.T, W_right.T, W_c.T,
        b_c.reshape(1, D),
    )
    return _edge_combine(t0, t1, i0, i1)

# --- scband reference (transcript-rebuilt; emitter-appended) ---
"""Pipeline reference for scband-conduit-node-learning-9852654977699 (READ-ONLY COPY).

The authoritative reference and input builder live on the scoring server;
editing this copy changes nothing except your own understanding.
"""

import jax, jax.numpy as jnp
import numpy as np


def setup_inputs(seed: int = 0) -> dict:
    key = jax.random.key(seed)
    ks = jax.random.split(key, 6)
    N, E, pre, nxt = 10000, 320000, 128, 128
    package = jax.random.randint(ks[0], (3, E, 2), 0, N, dtype=jnp.int64 if jax.config.jax_enable_x64 else jnp.int32)
    node_embedding = jax.random.normal(ks[1], (N, pre), dtype=jnp.float32)
    W_left = jax.random.normal(ks[2], (nxt, pre), dtype=jnp.float32) * 0.05
    W_right = jax.random.normal(ks[3], (nxt, pre), dtype=jnp.float32) * 0.05
    W_c = jax.random.normal(ks[4], (nxt, pre), dtype=jnp.float32) * 0.05
    b_c = jax.random.normal(ks[5], (nxt,), dtype=jnp.float32) * 0.05
    return {
        "package": package,
        "next_size": nxt,
        "node_embedding": node_embedding,
        "use_divce": 0,
        "W_left": W_left,
        "W_right": W_right,
        "W_c": W_c,
        "b_c": b_c,
    }


def reference(package, next_size, node_embedding, use_divce, W_left, W_right, W_c, b_c):
    # package[2] is the conduit (edge) sample: [E, 2] pairs of node indices.
    # Vectorized translation of the original per-edge Python loop:
    #   gather_information = node_emb[i0] + node_emb[i1]
    #   left  = sigmoid(node_emb[i0] @ W_left.T)
    #   right = sigmoid(node_emb[i1] @ W_right.T)
    #   mid   = tanh(gather_information @ W_c.T + b_c)
    #   out   = left*mid + right*mid
    pairs = package[2]
    src = jnp.take(node_embedding, pairs[:, 0], axis=0)
    dst = jnp.take(node_embedding, pairs[:, 1], axis=0)
    gather_information = src + dst
    left_gate = jax.nn.sigmoid(src @ W_left.T)
    right_gate = jax.nn.sigmoid(dst @ W_right.T)
    middle_state = jnp.tanh(gather_information @ W_c.T + b_c)
    new_conduit_embedding = left_gate * middle_state + right_gate * middle_state
    return new_conduit_embedding

if __name__ == "__main__":
    import jax
    _d = setup_inputs()
    print(jax.jit(kernel)(*tuple(_d.values())))

</pallas_src>

<mosaic_0001>
#map = affine_map<(d0, d1) -> (0, 0)>
#map1 = affine_map<(d0, d1) -> (0)>
module attributes {stable_mosaic.version = 14 : i64} {
  func.func @_edge_body(%arg0: i32, %arg1: i32, %arg2: memref<10000x256xf32, #tpu.memory_space<hbm>>, %arg3: memref<10000x256xf32, #tpu.memory_space<hbm>>, %arg4: memref<320000xi32, #tpu.memory_space<hbm>>, %arg5: memref<320000xi32, #tpu.memory_space<hbm>>, %arg6: memref<320000x128xf32, #tpu.memory_space<hbm>>, %arg7: memref<10000xi32, #tpu.memory_space<vmem>>, %arg8: memref<10000xi32, #tpu.memory_space<vmem>>, %arg9: memref<80x256xf32, #tpu.memory_space<vmem>>, %arg10: memref<80x256xf32, #tpu.memory_space<vmem>>, %arg11: memref<80x256xf32, #tpu.memory_space<vmem>>, %arg12: memref<80x256xf32, #tpu.memory_space<vmem>>, %arg13: memref<80x128xf32, #tpu.memory_space<vmem>>, %arg14: memref<80x128xf32, #tpu.memory_space<vmem>>, %arg15: memref<!tpu.dma_semaphore, #tpu.memory_space<semaphore_mem>>, %arg16: memref<!tpu.dma_semaphore, #tpu.memory_space<semaphore_mem>>, %arg17: memref<!tpu.dma_semaphore, #tpu.memory_space<semaphore_mem>>, %arg18: memref<!tpu.dma_semaphore, #tpu.memory_space<semaphore_mem>>) attributes {dimension_semantics = [#tpu.dimension_semantics<core_parallel>, #tpu.dimension_semantics<subcore_parallel>], iteration_bounds = array<i64: 2, 16>, scalar_prefetch = 0 : i64, scratch_operands = 12 : i64, tpu.core_type = #tpu.core_type<sc_vector_subcore>, window_params = [{transform_indices = #map}, {transform_indices = #map}, {transform_indices = #map1}, {transform_indices = #map1}, {transform_indices = #map}]} {
    %mul3A = arith.constant 16 : i32
    %mul3A_0 = arith.muli %arg0, %mul3A : i32
    %add3A = arith.addi %mul3A_0, %arg1 : i32
    %mul3A_1 = arith.constant 10000 : i32
    %mul3A_2 = arith.muli %add3A, %mul3A_1 : i32
    "tpu.region"() ({
      %run_scoped3A = tpu.sem_alloc : memref<!tpu.dma_semaphore, #tpu.memory_space<semaphore_mem>>
      %dma_start3A_52 = tpu.memref_slice %arg4[%mul3A_2] : memref<320000xi32, #tpu.memory_space<hbm>> -> memref<10000xi32, #tpu.memory_space<hbm>>
      %dma_start3A_53 = tpu.memref_slice %arg4[%mul3A_2] : memref<320000xi32, #tpu.memory_space<hbm>> -> memref<10000xi32, #tpu.memory_space<hbm>>
      tpu.enqueue_dma source(%dma_start3A_53 : memref<10000xi32, #tpu.memory_space<hbm>>) target(%arg7 : memref<10000xi32, #tpu.memory_space<vmem>>) target_semaphore(%run_scoped3A : memref<!tpu.dma_semaphore, #tpu.memory_space<semaphore_mem>>)
      %dma_wait3A_54 = tpu.memref_slice %arg4[%mul3A_2] : memref<320000xi32, #tpu.memory_space<hbm>> -> memref<10000xi32, #tpu.memory_space<hbm>>
      %dma_wait3A_55 = tpu.memref_slice %arg4[%mul3A_2] : memref<320000xi32, #tpu.memory_space<hbm>> -> memref<10000xi32, #tpu.memory_space<hbm>>
      tpu.wait_dma2 semaphore(%run_scoped3A : memref<!tpu.dma_semaphore, #tpu.memory_space<semaphore_mem>>) src(%dma_wait3A_55 : memref<10000xi32, #tpu.memory_space<hbm>>) dst(%arg7 : memref<10000xi32, #tpu.memory_space<vmem>>)
      tpu.yield
    }) : () -> ()
    "tpu.region"() ({
      %run_scoped3A = tpu.sem_alloc : memref<!tpu.dma_semaphore, #tpu.memory_space<semaphore_mem>>
      %dma_start3A_52 = tpu.memref_slice %arg5[%mul3A_2] : memref<320000xi32, #tpu.memory_space<hbm>> -> memref<10000xi32, #tpu.memory_space<hbm>>
      %dma_start3A_53 = tpu.memref_slice %arg5[%mul3A_2] : memref<320000xi32, #tpu.memory_space<hbm>> -> memref<10000xi32, #tpu.memory_space<hbm>>
      tpu.enqueue_dma source(%dma_start3A_53 : memref<10000xi32, #tpu.memory_space<hbm>>) target(%arg8 : memref<10000xi32, #tpu.memory_space<vmem>>) target_semaphore(%run_scoped3A : memref<!tpu.dma_semaphore, #tpu.memory_space<semaphore_mem>>)
      %dma_wait3A_54 = tpu.memref_slice %arg5[%mul3A_2] : memref<320000xi32, #tpu.memory_space<hbm>> -> memref<10000xi32, #tpu.memory_space<hbm>>
      %dma_wait3A_55 = tpu.memref_slice %arg5[%mul3A_2] : memref<320000xi32, #tpu.memory_space<hbm>> -> memref<10000xi32, #tpu.memory_space<hbm>>
      tpu.wait_dma2 semaphore(%run_scoped3A : memref<!tpu.dma_semaphore, #tpu.memory_space<semaphore_mem>>) src(%dma_wait3A_55 : memref<10000xi32, #tpu.memory_space<hbm>>) dst(%arg8 : memref<10000xi32, #tpu.memory_space<vmem>>)
      tpu.yield
    }) : () -> ()
    %dma_start3A = arith.constant 0 : i32
    %dma_start3A_3 = tpu.memref_slice %arg7[%dma_start3A] : memref<10000xi32, #tpu.memory_space<vmem>> -> memref<80xi32, #tpu.memory_space<vmem>>
    %dma_start3A_4 = arith.constant 0 : i32
    %dma_start3A_5 = arith.constant 0 : i32
    %dma_start3A_6 = tpu.memref_slice %arg2[%dma_start3A_4, %dma_start3A_5] : memref<10000x256xf32, #tpu.memory_space<hbm>> -> memref<10000x256xf32, #tpu.memory_space<hbm>>
    tpu.enqueue_indirect_dma source(%dma_start3A_6 : memref<10000x256xf32, #tpu.memory_space<hbm>>) target(%arg9 : memref<80x256xf32, #tpu.memory_space<vmem>>) offsets(%dma_start3A_3 : memref<80xi32, #tpu.memory_space<vmem>>) semaphore(%arg15 : memref<!tpu.dma_semaphore, #tpu.memory_space<semaphore_mem>>)
    %dma_start3A_7 = arith.constant 0 : i32
    %dma_start3A_8 = tpu.memref_slice %arg8[%dma_start3A_7] : memref<10000xi32, #tpu.memory_space<vmem>> -> memref<80xi32, #tpu.memory_space<vmem>>
    %dma_start3A_9 = arith.constant 0 : i32
    %dma_start3A_10 = arith.constant 0 : i32
    %dma_start3A_11 = tpu.memref_slice %arg3[%dma_start3A_9, %dma_start3A_10] : memref<10000x256xf32, #tpu.memory_space<hbm>> -> memref<10000x256xf32, #tpu.memory_space<hbm>>
    tpu.enqueue_indirect_dma source(%dma_start3A_11 : memref<10000x256xf32, #tpu.memory_space<hbm>>) target(%arg11 : memref<80x256xf32, #tpu.memory_space<vmem>>) offsets(%dma_start3A_8 : memref<80xi32, #tpu.memory_space<vmem>>) semaphore(%arg15 : memref<!tpu.dma_semaphore, #tpu.memory_space<semaphore_mem>>)
    %scan3A = arith.constant 0 : i32
    %scan3A_12 = arith.constant 0 : i32
    %scan3A_13 = arith.constant 62 : i32
    %scan3A_14 = arith.addi %scan3A_12, %scan3A_13 : i32
    %scan3A_15 = arith.constant 1 : i32
    scf.for %scan3A_52 = %scan3A_12 to %scan3A_14 step %scan3A_15  : i32 {
      %mul3A_53 = arith.constant 2 : i32
      %mul3A_54 = arith.muli %mul3A_53, %scan3A_52 : i32
      %add3A_55 = arith.constant 0 : i32
      %add3A_56 = arith.addi %mul3A_54, %add3A_55 : i32
      %add3A_57 = arith.constant 1 : i32
      %add3A_58 = arith.addi %add3A_56, %add3A_57 : i32
      %mul3A_59 = arith.constant 80 : i32
      %mul3A_60 = arith.muli %add3A_58, %mul3A_59 : i32
      %dma_start3A_61 = tpu.memref_slice %arg7[%mul3A_60] : memref<10000xi32, #tpu.memory_space<vmem>> -> memref<80xi32, #tpu.memory_space<vmem>>
      %dma_start3A_62 = arith.constant 0 : i32
      %dma_start3A_63 = arith.constant 0 : i32
      %dma_start3A_64 = tpu.memref_slice %arg2[%dma_start3A_62, %dma_start3A_63] : memref<10000x256xf32, #tpu.memory_space<hbm>> -> memref<10000x256xf32, #tpu.memory_space<hbm>>
      tpu.enqueue_indirect_dma source(%dma_start3A_64 : memref<10000x256xf32, #tpu.memory_space<hbm>>) target(%arg10 : memref<80x256xf32, #tpu.memory_space<vmem>>) offsets(%dma_start3A_61 : memref<80xi32, #tpu.memory_space<vmem>>) semaphore(%arg16 : memref<!tpu.dma_semaphore, #tpu.memory_space<semaphore_mem>>)
      %dma_start3A_65 = tpu.memref_slice %arg8[%mul3A_60] : memref<10000xi32, #tpu.memory_space<vmem>> -> memref<80xi32, #tpu.memory_space<vmem>>
      %dma_start3A_66 = arith.constant 0 : i32
      %dma_start3A_67 = arith.constant 0 : i32
      %dma_start3A_68 = tpu.memref_slice %arg3[%dma_start3A_66, %dma_start3A_67] : memref<10000x256xf32, #tpu.memory_space<hbm>> -> memref<10000x256xf32, #tpu.memory_space<hbm>>
      tpu.enqueue_indirect_dma source(%dma_start3A_68 : memref<10000x256xf32, #tpu.memory_space<hbm>>) target(%arg12 : memref<80x256xf32, #tpu.memory_space<vmem>>) offsets(%dma_start3A_65 : memref<80xi32, #tpu.memory_space<vmem>>) semaphore(%arg16 : memref<!tpu.dma_semaphore, #tpu.memory_space<semaphore_mem>>)
      %mul3A_69 = arith.constant 80 : i32
      %mul3A_70 = arith.muli %add3A_56, %mul3A_69 : i32
      %dma_wait3A_71 = tpu.memref_slice %arg7[%mul3A_70] : memref<10000xi32, #tpu.memory_space<vmem>> -> memref<80xi32, #tpu.memory_space<vmem>>
      %dma_wait3A_72 = arith.constant 0 : i32
      %dma_wait3A_73 = arith.constant 0 : i32
      %dma_wait3A_74 = tpu.memref_slice %arg2[%dma_wait3A_72, %dma_wait3A_73] : memref<10000x256xf32, #tpu.memory_space<hbm>> -> memref<10000x256xf32, #tpu.memory_space<hbm>>
      tpu.wait_indirect_dma semaphore(%arg15 : memref<!tpu.dma_semaphore, #tpu.memory_space<semaphore_mem>>) src(%dma_wait3A_74 : memref<10000x256xf32, #tpu.memory_space<hbm>>) dst(%arg9 : memref<80x256xf32, #tpu.memory_space<vmem>>)
      %dma_wait3A_75 = tpu.memref_slice %arg8[%mul3A_70] : memref<10000xi32, #tpu.memory_space<vmem>> -> memref<80xi32, #tpu.memory_space<vmem>>
      %dma_wait3A_76 = arith.constant 0 : i32
      %dma_wait3A_77 = arith.constant 0 : i32
      %dma_wait3A_78 = tpu.memref_slice %arg3[%dma_wait3A_76, %dma_wait3A_77] : memref<10000x256xf32, #tpu.memory_space<hbm>> -> memref<10000x256xf32, #tpu.memory_space<hbm>>
      tpu.wait_indirect_dma semaphore(%arg15 : memref<!tpu.dma_semaphore, #tpu.memory_space<semaphore_mem>>) src(%dma_wait3A_78 : memref<10000x256xf32, #tpu.memory_space<hbm>>) dst(%arg11 : memref<80x256xf32, #tpu.memory_space<vmem>>)
      %ge3A = arith.constant 2 : i32
      %ge3A_79 = arith.cmpi sge, %add3A_56, %ge3A : i32
      %convert_element_type3A = arith.extui %ge3A_79 : i1 to i32
      %cond3A = arith.constant 0 : i32
      %cond3A_80 = arith.cmpi ne, %convert_element_type3A, %cond3A : i32
      scf.if %cond3A_80 {
        %sub3A = arith.constant 2 : i32
        %sub3A_132 = arith.subi %add3A_56, %sub3A : i32
        %mul3A_133 = arith.constant 80 : i32
        %mul3A_134 = arith.muli %sub3A_132, %mul3A_133 : i32
        %add3A_135 = arith.addi %mul3A_2, %mul3A_134 : i32
        %dma_wait3A_136 = arith.constant 0 : i32
        %dma_wait3A_137 = tpu.memref_slice %arg6[%add3A_135, %dma_wait3A_136] : memref<320000x128xf32, #tpu.memory_space<hbm>> -> memref<80x128xf32, #tpu.memory_space<hbm>>
        %dma_wait3A_138 = arith.constant 0 : i32
        %dma_wait3A_139 = tpu.memref_slice %arg6[%add3A_135, %dma_wait3A_138] : memref<320000x128xf32, #tpu.memory_space<hbm>> -> memref<80x128xf32, #tpu.memory_space<hbm>>
        tpu.wait_dma2 semaphore(%arg17 : memref<!tpu.dma_semaphore, #tpu.memory_space<semaphore_mem>>) src(%arg13 : memref<80x128xf32, #tpu.memory_space<vmem>>) dst(%dma_wait3A_139 : memref<80x128xf32, #tpu.memory_space<hbm>>)
      } else {
      }
      %parallel_loop3A_81 = arith.constant 0 : i32
      %parallel_loop3A_82 = arith.constant 80 : i32
      %parallel_loop3A_83 = arith.constant 1 : i32
      scf.for %parallel_loop3A_132 = %parallel_loop3A_81 to %parallel_loop3A_82 step %parallel_loop3A_83  : i32 {
        %parallel_loop3A_133 = arith.index_cast %parallel_loop3A_132 : i32 to index
        %parallel_loop3A_134 = arith.constant 0 : index
        %parallel_loop3A_135 = tpu.vector_load %arg9[%parallel_loop3A_133, %parallel_loop3A_134] {strides = array<i32>} : memref<80x256xf32, #tpu.memory_space<vmem>>, vector<16xf32>,
        %parallel_loop3A_136 = arith.index_cast %parallel_loop3A_132 : i32 to index
        %parallel_loop3A_137 = arith.constant 0 : index
        %parallel_loop3A_138 = tpu.vector_load %arg11[%parallel_loop3A_136, %parallel_loop3A_137] {strides = array<i32>} : memref<80x256xf32, #tpu.memory_space<vmem>>, vector<16xf32>,
        %parallel_loop3A_139 = arith.addf %parallel_loop3A_135, %parallel_loop3A_138 : vector<16xf32>
        %parallel_loop3A_140 = arith.index_cast %parallel_loop3A_132 : i32 to index
        %parallel_loop3A_141 = arith.constant 128 : index
        %parallel_loop3A_142 = tpu.vector_load %arg9[%parallel_loop3A_140, %parallel_loop3A_141] {strides = array<i32>} : memref<80x256xf32, #tpu.memory_space<vmem>>, vector<16xf32>,
        %parallel_loop3A_143 = arith.index_cast %parallel_loop3A_132 : i32 to index
        %parallel_loop3A_144 = arith.constant 128 : index
        %parallel_loop3A_145 = tpu.vector_load %arg11[%parallel_loop3A_143, %parallel_loop3A_144] {strides = array<i32>} : memref<80x256xf32, #tpu.memory_space<vmem>>, vector<16xf32>,
        %parallel_loop3A_146 = arith.addf %parallel_loop3A_142, %parallel_loop3A_145 : vector<16xf32>
        %parallel_loop3A_147 = arith.mulf %parallel_loop3A_139, %parallel_loop3A_146 : vector<16xf32>
        %parallel_loop3A_148 = arith.mulf %parallel_loop3A_142, %parallel_loop3A_145 : vector<16xf32>
        %parallel_loop3A_149 = arith.constant 1.000000e+00 : f32
        %parallel_loop3A_150 = vector.broadcast %parallel_loop3A_149 : f32 to vector<16xf32>
        %parallel_loop3A_151 = arith.addf %parallel_loop3A_150, %parallel_loop3A_148 : vector<16xf32>
        %parallel_loop3A_152 = arith.divf %parallel_loop3A_147, %parallel_loop3A_151 : vector<16xf32>
        %parallel_loop3A_153 = arith.index_cast %parallel_loop3A_132 : i32 to index
        %parallel_loop3A_154 = arith.constant 0 : index
        %parallel_loop3A_155 = tpu.vector_load %arg13[%parallel_loop3A_153, %parallel_loop3A_154] {strides = array<i32>} : memref<80x128xf32, #tpu.memory_space<vmem>>, vector<16xf32>,
        tpu.vector_store %arg13[%parallel_loop3A_153, %parallel_loop3A_154], %parallel_loop3A_152 {strides = array<i32>} : memref<80x128xf32, #tpu.memory_space<vmem>>, vector<16xf32>,
        %parallel_loop3A_156 = arith.index_cast %parallel_loop3A_132 : i32 to index
        %parallel_loop3A_157 = arith.constant 16 : index
        %parallel_loop3A_158 = tpu.vector_load %arg9[%parallel_loop3A_156, %parallel_loop3A_157] {strides = array<i32>} : memref<80x256xf32, #tpu.memory_space<vmem>>, vector<16xf32>,
        %parallel_loop3A_159 = arith.index_cast %parallel_loop3A_132 : i32 to index
        %parallel_loop3A_160 = arith.constant 16 : index
        %parallel_loop3A_161 = tpu.vector_load %arg11[%parallel_loop3A_159, %parallel_loop3A_160] {strides = array<i32>} : memref<80x256xf32, #tpu.memory_space<vmem>>, vector<16xf32>,
        %parallel_loop3A_162 = arith.addf %parallel_loop3A_158, %parallel_loop3A_161 : vector<16xf32>
        %parallel_loop3A_163 = arith.index_cast %parallel_loop3A_132 : i32 to index
        %parallel_loop3A_164 = arith.constant 144 : index
        %parallel_loop3A_165 = tpu.vector_load %arg9[%parallel_loop3A_163, %parallel_loop3A_164] {strides = array<i32>} : memref<80x256xf32, #tpu.memory_space<vmem>>, vector<16xf32>,
        %parallel_loop3A_166 = arith.index_cast %parallel_loop3A_132 : i32 to index
        %parallel_loop3A_167 = arith.constant 144 : index
        %parallel_loop3A_168 = tpu.vector_load %arg11[%parallel_loop3A_166, %parallel_loop3A_167] {strides = array<i32>} : memref<80x256xf32, #tpu.memory_space<vmem>>, vector<16xf32>,
        %parallel_loop3A_169 = arith.addf %parallel_loop3A_165, %parallel_loop3A_168 : vector<16xf32>
        %parallel_loop3A_170 = arith.mulf %parallel_loop3A_162, %parallel_loop3A_169 : vector<16xf32>
        %parallel_loop3A_171 = arith.mulf %parallel_loop3A_165, %parallel_loop3A_168 : vector<16xf32>
        %parallel_loop3A_172 = arith.constant 1.000000e+00 : f32
        %parallel_loop3A_173 = vector.broadcast %parallel_loop3A_172 : f32 to vector<16xf32>
        %parallel_loop3A_174 = arith.addf %parallel_loop3A_173, %parallel_loop3A_171 : vector<16xf32>
        %parallel_loop3A_175 = arith.divf %parallel_loop3A_170, %parallel_loop3A_174 : vector<16xf32>
        %parallel_loop3A_176 = arith.index_cast %parallel_loop3A_132 : i32 to index
        %parallel_loop3A_177 = arith.constant 16 : index
        %parallel_loop3A_178 = tpu.vector_load %arg13[%parallel_loop3A_176, %parallel_loop3A_177] {strides = array<i32>} : memref<80x128xf32, #tpu.memory_space<vmem>>, vector<16xf32>,
        tpu.vector_store %arg13[%parallel_loop3A_176, %parallel_loop3A_177], %parallel_loop3A_175 {strides = array<i32>} : memref<80x128xf32, #tpu.memory_space<vmem>>, vector<16xf32>,
        %parallel_loop3A_179 = arith.index_cast %parallel_loop3A_132 : i32 to index
        %parallel_loop3A_180 = arith.constant 32 : index
        %parallel_loop3A_181 = tpu.vector_load %arg9[%parallel_loop3A_179, %parallel_loop3A_180] {strides = array<i32>} : memref<80x256xf32, #tpu.memory_space<vmem>>, vector<16xf32>,
        %parallel_loop3A_182 = arith.index_cast %parallel_loop3A_132 : i32 to index
        %parallel_loop3A_183 = arith.constant 32 : index
        %parallel_loop3A_184 = tpu.vector_load %arg11[%parallel_loop3A_182, %parallel_loop3A_183] {strides = array<i32>} : memref<80x256xf32, #tpu.memory_space<vmem>>, vector<16xf32>,
        %parallel_loop3A_185 = arith.addf %parallel_loop3A_181, %parallel_loop3A_184 : vector<16xf32>
        %parallel_loop3A_186 = arith.index_cast %parallel_loop3A_132 : i32 to index
        %parallel_loop3A_187 = arith.constant 160 : index
        %parallel_loop3A_188 = tpu.vector_load %arg9[%parallel_loop3A_186, %parallel_loop3A_187] {strides = array<i32>} : memref<80x256xf32, #tpu.memory_space<vmem>>, vector<16xf32>,
        %parallel_loop3A_189 = arith.index_cast %parallel_loop3A_132 : i32 to index
        %parallel_loop3A_190 = arith.constant 160 : index
        %parallel_loop3A_191 = tpu.vector_load %arg11[%parallel_loop3A_189, %parallel_loop3A_190] {strides = array<i32>} : memref<80x256xf32, #tpu.memory_space<vmem>>, vector<16xf32>,
        %parallel_loop3A_192 = arith.addf %parallel_loop3A_188, %parallel_loop3A_191 : vector<16xf32>
        %parallel_loop3A_193 = arith.mulf %parallel_loop3A_185, %parallel_loop3A_192 : vector<16xf32>
        %parallel_loop3A_194 = arith.mulf %parallel_loop3A_188, %parallel_loop3A_191 : vector<16xf32>
        %parallel_loop3A_195 = arith.constant 1.000000e+00 : f32
        %parallel_loop3A_196 = vector.broadcast %parallel_loop3A_195 : f32 to vector<16xf32>
        %parallel_loop3A_197 = arith.addf %parallel_loop3A_196, %parallel_loop3A_194 : vector<16xf32>
        %parallel_loop3A_198 = arith.divf %parallel_loop3A_193, %parallel_loop3A_197 : vector<16xf32>
        %parallel_loop3A_199 = arith.index_cast %parallel_loop3A_132 : i32 to index
        %parallel_loop3A_200 = arith.constant 32 : index
        %parallel_loop3A_201 = tpu.vector_load %arg13[%parallel_loop3A_199, %parallel_loop3A_200] {strides = array<i32>} : memref<80x128xf32, #tpu.memory_space<vmem>>, vector<16xf32>,
        tpu.vector_store %arg13[%parallel_loop3A_199, %parallel_loop3A_200], %parallel_loop3A_198 {strides = array<i32>} : memref<80x128xf32, #tpu.memory_space<vmem>>, vector<16xf32>,
        %parallel_loop3A_202 = arith.index_cast %parallel_loop3A_132 : i32 to index
        %parallel_loop3A_203 = arith.constant 48 : index
        %parallel_loop3A_204 = tpu.vector_load %arg9[%parallel_loop3A_202, %parallel_loop3A_203] {strides = array<i32>} : memref<80x256xf32, #tpu.memory_space<vmem>>, vector<16xf32>,
        %parallel_loop3A_205 = arith.index_cast %parallel_loop3A_132 : i32 to index
        %parallel_loop3A_206 = arith.constant 48 : index
        %parallel_loop3A_207 = tpu.vector_load %arg11[%parallel_loop3A_205, %parallel_loop3A_206] {strides = array<i32>} : memref<80x256xf32, #tpu.memory_space<vmem>>, vector<16xf32>,
        %parallel_loop3A_208 = arith.addf %parallel_loop3A_204, %parallel_loop3A_207 : vector<16xf32>
        %parallel_loop3A_209 = arith.index_cast %parallel_loop3A_132 : i32 to index
        %parallel_loop3A_210 = arith.constant 176 : index
        %parallel_loop3A_211 = tpu.vector_load %arg9[%parallel_loop3A_209, %parallel_loop3A_210] {strides = array<i32>} : memref<80x256xf32, #tpu.memory_space<vmem>>, vector<16xf32>,
        %parallel_loop3A_212 = arith.index_cast %parallel_loop3A_132 : i32 to index
        %parallel_loop3A_213 = arith.constant 176 : index
        %parallel_loop3A_214 = tpu.vector_load %arg11[%parallel_loop3A_212, %parallel_loop3A_213] {strides = array<i32>} : memref<80x256xf32, #tpu.memory_space<vmem>>, vector<16xf32>,
        %parallel_loop3A_215 = arith.addf %parallel_loop3A_211, %parallel_loop3A_214 : vector<16xf32>
        %parallel_loop3A_216 = arith.mulf %parallel_loop3A_208, %parallel_loop3A_215 : vector<16xf32>
        %parallel_loop3A_217 = arith.mulf %parallel_loop3A_211, %parallel_loop3A_214 : vector<16xf32>
        %parallel_loop3A_218 = arith.constant 1.000000e+00 : f32
        %parallel_loop3A_219 = vector.broadcast %parallel_loop3A_218 : f32 to vector<16xf32>
        %parallel_loop3A_220 = arith.addf %parallel_loop3A_219, %parallel_loop3A_217 : vector<16xf32>
        %parallel_loop3A_221 = arith.divf %parallel_loop3A_216, %parallel_loop3A_220 : vector<16xf32>
        %parallel_loop3A_222 = arith.index_cast %parallel_loop3A_132 : i32 to index
        %parallel_loop3A_223 = arith.constant 48 : index
        %parallel_loop3A_224 = tpu.vector_load %arg13[%parallel_loop3A_222, %parallel_loop3A_223] {strides = array<i32>} : memref<80x128xf32, #tpu.memory_space<vmem>>, vector<16xf32>,
        tpu.vector_store %arg13[%parallel_loop3A_222, %parallel_loop3A_223], %parallel_loop3A_221 {strides = array<i32>} : memref<80x128xf32, #tpu.memory_space<vmem>>, vector<16xf32>,
        %parallel_loop3A_225 = arith.index_cast %parallel_loop3A_132 : i32 to index
        %parallel_loop3A_226 = arith.constant 64 : index
        %parallel_loop3A_227 = tpu.vector_load %arg9[%parallel_loop3A_225, %parallel_loop3A_226] {strides = array<i32>} : memref<80x256xf32, #tpu.memory_space<vmem>>, vector<16xf32>,
        %parallel_loop3A_228 = arith.index_cast %parallel_loop3A_132 : i32 to index
        %parallel_loop3A_229 = arith.constant 64 : index
        %parallel_loop3A_230 = tpu.vector_load %arg11[%parallel_loop3A_228, %parallel_loop3A_229] {strides = array<i32>} : memref<80x256xf32, #tpu.memory_space<vmem>>, vector<16xf32>,
        %parallel_loop3A_231 = arith.addf %parallel_loop3A_227, %parallel_loop3A_230 : vector<16xf32>
        %parallel_loop3A_232 = arith.index_cast %parallel_loop3A_132 : i32 to index
        %parallel_loop3A_233 = arith.constant 192 : index
        %parallel_loop3A_234 = tpu.vector_load %arg9[%parallel_loop3A_232, %parallel_loop3A_233] {strides = array<i32>} : memref<80x256xf32, #tpu.memory_space<vmem>>, vector<16xf32>,
        %parallel_loop3A_235 = arith.index_cast %parallel_loop3A_132 : i32 to index
        %parallel_loop3A_236 = arith.constant 192 : index
        %parallel_loop3A_237 = tpu.vector_load %arg11[%parallel_loop3A_235, %parallel_loop3A_236] {strides = array<i32>} : memref<80x256xf32, #tpu.memory_space<vmem>>, vector<16xf32>,
        %parallel_loop3A_238 = arith.addf %parallel_loop3A_234, %parallel_loop3A_237 : vector<16xf32>
        %parallel_loop3A_239 = arith.mulf %parallel_loop3A_231, %parallel_loop3A_238 : vector<16xf32>
        %parallel_loop3A_240 = arith.mulf %parallel_loop3A_234, %parallel_loop3A_237 : vector<16xf32>
        %parallel_loop3A_241 = arith.constant 1.000000e+00 : f32
        %parallel_loop3A_242 = vector.broadcast %parallel_loop3A_241 : f32 to vector<16xf32>
        %parallel_loop3A_243 = arith.addf %parallel_loop3A_242, %parallel_loop3A_240 : vector<16xf32>
        %parallel_loop3A_244 = arith.divf %parallel_loop3A_239, %parallel_loop3A_243 : vector<16xf32>
        %parallel_loop3A_245 = arith.index_cast %parallel_loop3A_132 : i32 to index
        %parallel_loop3A_246 = arith.constant 64 : index
        %parallel_loop3A_247 = tpu.vector_load %arg13[%parallel_loop3A_245, %parallel_loop3A_246] {strides = array<i32>} : memref<80x128xf32, #tpu.memory_space<vmem>>, vector<16xf32>,
        tpu.vector_store %arg13[%parallel_loop3A_245, %parallel_loop3A_246], %parallel_loop3A_244 {strides = array<i32>} : memref<80x128xf32, #tpu.memory_space<vmem>>, vector<16xf32>,
        %parallel_loop3A_248 = arith.index_cast %parallel_loop3A_132 : i32 to index
        %parallel_loop3A_249 = arith.constant 80 : index
        %parallel_loop3A_250 = tpu.vector_load %arg9[%parallel_loop3A_248, %parallel_loop3A_249] {strides = array<i32>} : memref<80x256xf32, #tpu.memory_space<vmem>>, vector<16xf32>,
        %parallel_loop3A_251 = arith.index_cast %parallel_loop3A_132 : i32 to index
        %parallel_loop3A_252 = arith.constant 80 : index
        %parallel_loop3A_253 = tpu.vector_load %arg11[%parallel_loop3A_251, %parallel_loop3A_252] {strides = array<i32>} : memref<80x256xf32, #tpu.memory_space<vmem>>, vector<16xf32>,
        %parallel_loop3A_254 = arith.addf %parallel_loop3A_250, %parallel_loop3A_253 : vector<16xf32>
        %parallel_loop3A_255 = arith.index_cast %parallel_loop3A_132 : i32 to index
        %parallel_loop3A_256 = arith.constant 208 : index
        %parallel_loop3A_257 = tpu.vector_load %arg9[%parallel_loop3A_255, %parallel_loop3A_256] {strides = array<i32>} : memref<80x256xf32, #tpu.memory_space<vmem>>, vector<16xf32>,
        %parallel_loop3A_258 = arith.index_cast %parallel_loop3A_132 : i32 to index
        %parallel_loop3A_259 = arith.constant 208 : index
        %parallel_loop3A_260 = tpu.vector_load %arg11[%parallel_loop3A_258, %parallel_loop3A_259] {strides = array<i32>} : memref<80x256xf32, #tpu.memory_space<vmem>>, vector<16xf32>,
        %parallel_loop3A_261 = arith.addf %parallel_loop3A_257, %parallel_loop3A_260 : vector<16xf32>
        %parallel_loop3A_262 = arith.mulf %parallel_loop3A_254, %parallel_loop3A_261 : vector<16xf32>
        %parallel_loop3A_263 = arith.mulf %parallel_loop3A_257, %parallel_loop3A_260 : vector<16xf32>
        %parallel_loop3A_264 = arith.constant 1.000000e+00 : f32
        %parallel_loop3A_265 = vector.broadcast %parallel_loop3A_264 : f32 to vector<16xf32>
        %parallel_loop3A_266 = arith.addf %parallel_loop3A_265, %parallel_loop3A_263 : vector<16xf32>
        %parallel_loop3A_267 = arith.divf %parallel_loop3A_262, %parallel_loop3A_266 : vector<16xf32>
        %parallel_loop3A_268 = arith.index_cast %parallel_loop3A_132 : i32 to index
        %parallel_loop3A_269 = arith.constant 80 : index
        %parallel_loop3A_270 = tpu.vector_load %arg13[%parallel_loop3A_268, %parallel_loop3A_269] {strides = array<i32>} : memref<80x128xf32, #tpu.memory_space<vmem>>, vector<16xf32>,
        tpu.vector_store %arg13[%parallel_loop3A_268, %parallel_loop3A_269], %parallel_loop3A_267 {strides = array<i32>} : memref<80x128xf32, #tpu.memory_space<vmem>>, vector<16xf32>,
        %parallel_loop3A_271 = arith.index_cast %parallel_loop3A_132 : i32 to index
        %parallel_loop3A_272 = arith.constant 96 : index
        %parallel_loop3A_273 = tpu.vector_load %arg9[%parallel_loop3A_271, %parallel_loop3A_272] {strides = array<i32>} : memref<80x256xf32, #tpu.memory_space<vmem>>, vector<16xf32>,
        %parallel_loop3A_274 = arith.index_cast %parallel_loop3A_132 : i32 to index
        %parallel_loop3A_275 = arith.constant 96 : index
        %parallel_loop3A_276 = tpu.vector_load %arg11[%parallel_loop3A_274, %parallel_loop3A_275] {strides = array<i32>} : memref<80x256xf32, #tpu.memory_space<vmem>>, vector<16xf32>,
        %parallel_loop3A_277 = arith.addf %parallel_loop3A_273, %parallel_loop3A_276 : vector<16xf32>
        %parallel_loop3A_278 = arith.index_cast %parallel_loop3A_132 : i32 to index
        %parallel_loop3A_279 = arith.constant 224 : index
        %parallel_loop3A_280 = tpu.vector_load %arg9[%parallel_loop3A_278, %parallel_loop3A_279] {strides = array<i32>} : memref<80x256xf32, #tpu.memory_space<vmem>>, vector<16xf32>,
        %parallel_loop3A_281 = arith.index_cast %parallel_loop3A_132 : i32 to index
        %parallel_loop3A_282 = arith.constant 224 : index
        %parallel_loop3A_283 = tpu.vector_load %arg11[%parallel_loop3A_281, %parallel_loop3A_282] {strides = array<i32>} : memref<80x256xf32, #tpu.memory_space<vmem>>, vector<16xf32>,
        %parallel_loop3A_284 = arith.addf %parallel_loop3A_280, %parallel_loop3A_283 : vector<16xf32>
        %parallel_loop3A_285 = arith.mulf %parallel_loop3A_277, %parallel_loop3A_284 : vector<16xf32>
        %parallel_loop3A_286 = arith.mulf %parallel_loop3A_280, %parallel_loop3A_283 : vector<16xf32>
        %parallel_loop3A_287 = arith.constant 1.000000e+00 : f32
        %parallel_loop3A_288 = vector.broadcast %parallel_loop3A_287 : f32 to vector<16xf32>
        %parallel_loop3A_289 = arith.addf %parallel_loop3A_288, %parallel_loop3A_286 : vector<16xf32>
        %parallel_loop3A_290 = arith.divf %parallel_loop3A_285, %parallel_loop3A_289 : vector<16xf32>
        %parallel_loop3A_291 = arith.index_cast %parallel_loop3A_132 : i32 to index
        %parallel_loop3A_292 = arith.constant 96 : index
        %parallel_loop3A_293 = tpu.vector_load %arg13[%parallel_loop3A_291, %parallel_loop3A_292] {strides = array<i32>} : memref<80x128xf32, #tpu.memory_space<vmem>>, vector<16xf32>,
        tpu.vector_store %arg13[%parallel_loop3A_291, %parallel_loop3A_292], %parallel_loop3A_290 {strides = array<i32>} : memref<80x128xf32, #tpu.memory_space<vmem>>, vector<16xf32>,
        %parallel_loop3A_294 = arith.index_cast %parallel_loop3A_132 : i32 to index
        %parallel_loop3A_295 = arith.constant 112 : index
        %parallel_loop3A_296 = tpu.vector_load %arg9[%parallel_loop3A_294, %parallel_loop3A_295] {strides = array<i32>} : memref<80x256xf32, #tpu.memory_space<vmem>>, vector<16xf32>,
        %parallel_loop3A_297 = arith.index_cast %parallel_loop3A_132 : i32 to index
        %parallel_loop3A_298 = arith.constant 112 : index
        %parallel_loop3A_299 = tpu.vector_load %arg11[%parallel_loop3A_297, %parallel_loop3A_298] {strides = array<i32>} : memref<80x256xf32, #tpu.memory_space<vmem>>, vector<16xf32>,
        %parallel_loop3A_300 = arith.addf %parallel_loop3A_296, %parallel_loop3A_299 : vector<16xf32>
        %parallel_loop3A_301 = arith.index_cast %parallel_loop3A_132 : i32 to index
        %parallel_loop3A_302 = arith.constant 240 : index
        %parallel_loop3A_303 = tpu.vector_load %arg9[%parallel_loop3A_301, %parallel_loop3A_302] {strides = array<i32>} : memref<80x256xf32, #tpu.memory_space<vmem>>, vector<16xf32>,
        %parallel_loop3A_304 = arith.index_cast %parallel_loop3A_132 : i32 to index
        %parallel_loop3A_305 = arith.constant 240 : index
        %parallel_loop3A_306 = tpu.vector_load %arg11[%parallel_loop3A_304, %parallel_loop3A_305] {strides = array<i32>} : memref<80x256xf32, #tpu.memory_space<vmem>>, vector<16xf32>,
        %parallel_loop3A_307 = arith.addf %parallel_loop3A_303, %parallel_loop3A_306 : vector<16xf32>
        %parallel_loop3A_308 = arith.mulf %parallel_loop3A_300, %parallel_loop3A_307 : vector<16xf32>
        %parallel_loop3A_309 = arith.mulf %parallel_loop3A_303, %parallel_loop3A_306 : vector<16xf32>
        %parallel_loop3A_310 = arith.constant 1.000000e+00 : f32
        %parallel_loop3A_311 = vector.broadcast %parallel_loop3A_310 : f32 to vector<16xf32>
        %parallel_loop3A_312 = arith.addf %parallel_loop3A_311, %parallel_loop3A_309 : vector<16xf32>
        %parallel_loop3A_313 = arith.divf %parallel_loop3A_308, %parallel_loop3A_312 : vector<16xf32>
        %parallel_loop3A_314 = arith.index_cast %parallel_loop3A_132 : i32 to index
        %parallel_loop3A_315 = arith.constant 112 : index
        %parallel_loop3A_316 = tpu.vector_load %arg13[%parallel_loop3A_314, %parallel_loop3A_315] {strides = array<i32>} : memref<80x128xf32, #tpu.memory_space<vmem>>, vector<16xf32>,
        tpu.vector_store %arg13[%parallel_loop3A_314, %parallel_loop3A_315], %parallel_loop3A_313 {strides = array<i32>} : memref<80x128xf32, #tpu.memory_space<vmem>>, vector<16xf32>,
      } {sc.loop_unroll_factor = 2 : i64, sc.parallel_access}
      %mul3A_84 = arith.constant 80 : i32
      %mul3A_85 = arith.muli %add3A_56, %mul3A_84 : i32
      %add3A_86 = arith.addi %mul3A_2, %mul3A_85 : i32
      %dma_start3A_87 = arith.constant 0 : i32
      %dma_start3A_88 = tpu.memref_slice %arg6[%add3A_86, %dma_start3A_87] : memref<320000x128xf32, #tpu.memory_space<hbm>> -> memref<80x128xf32, #tpu.memory_space<hbm>>
      %dma_start3A_89 = arith.constant 0 : i32
      %dma_start3A_90 = tpu.memref_slice %arg6[%add3A_86, %dma_start3A_89] : memref<320000x128xf32, #tpu.memory_space<hbm>> -> memref<80x128xf32, #tpu.memory_space<hbm>>
      tpu.enqueue_dma source(%arg13 : memref<80x128xf32, #tpu.memory_space<vmem>>) target(%dma_start3A_90 : memref<80x128xf32, #tpu.memory_space<hbm>>) target_semaphore(%arg17 : memref<!tpu.dma_semaphore, #tpu.memory_space<semaphore_mem>>)
      %mul3A_91 = arith.constant 2 : i32
      %mul3A_92 = arith.muli %mul3A_91, %scan3A_52 : i32
      %add3A_93 = arith.constant 1 : i32
      %add3A_94 = arith.addi %mul3A_92, %add3A_93 : i32
      %add3A_95 = arith.constant 1 : i32
      %add3A_96 = arith.addi %add3A_94, %add3A_95 : i32
      %mul3A_97 = arith.constant 80 : i32
      %mul3A_98 = arith.muli %add3A_96, %mul3A_97 : i32
      %dma_start3A_99 = tpu.memref_slice %arg7[%mul3A_98] : memref<10000xi32, #tpu.memory_space<vmem>> -> memref<80xi32, #tpu.memory_space<vmem>>
      %dma_start3A_100 = arith.constant 0 : i32
      %dma_start3A_101 = arith.constant 0 : i32
      %dma_start3A_102 = tpu.memref_slice %arg2[%dma_start3A_100, %dma_start3A_101] : memref<10000x256xf32, #tpu.memory_space<hbm>> -> memref<10000x256xf32, #tpu.memory_space<hbm>>
      tpu.enqueue_indirect_dma source(%dma_start3A_102 : memref<10000x256xf32, #tpu.memory_space<hbm>>) target(%arg9 : memref<80x256xf32, #tpu.memory_space<vmem>>) offsets(%dma_start3A_99 : memref<80xi32, #tpu.memory_space<vmem>>) semaphore(%arg15 : memref<!tpu.dma_semaphore, #tpu.memory_space<semaphore_mem>>)
      %dma_start3A_103 = tpu.memref_slice %arg8[%mul3A_98] : memref<10000xi32, #tpu.memory_space<vmem>> -> memref<80xi32, #tpu.memory_space<vmem>>
      %dma_start3A_104 = arith.constant 0 : i32
      %dma_start3A_105 = arith.constant 0 : i32
      %dma_start3A_106 = tpu.memref_slice %arg3[%dma_start3A_104, %dma_start3A_105] : memref<10000x256xf32, #tpu.memory_space<hbm>> -> memref<10000x256xf32, #tpu.memory_space<hbm>>
      tpu.enqueue_indirect_dma source(%dma_start3A_106 : memref<10000x256xf32, #tpu.memory_space<hbm>>) target(%arg11 : memref<80x256xf32, #tpu.memory_space<vmem>>) offsets(%dma_start3A_103 : memref<80xi32, #tpu.memory_space<vmem>>) semaphore(%arg15 : memref<!tpu.dma_semaphore, #tpu.memory_space<semaphore_mem>>)
      %mul3A_107 = arith.constant 80 : i32
      %mul3A_108 = arith.muli %add3A_94, %mul3A_107 : i32
      %dma_wait3A_109 = tpu.memref_slice %arg7[%mul3A_108] : memref<10000xi32, #tpu.memory_space<vmem>> -> memref<80xi32, #tpu.memory_space<vmem>>
      %dma_wait3A_110 = arith.constant 0 : i32
      %dma_wait3A_111 = arith.constant 0 : i32
      %dma_wait3A_112 = tpu.memref_slice %arg2[%dma_wait3A_110, %dma_wait3A_111] : memref<10000x256xf32, #tpu.memory_space<hbm>> -> memref<10000x256xf32, #tpu.memory_space<hbm>>
      tpu.wait_indirect_dma semaphore(%arg16 : memref<!tpu.dma_semaphore, #tpu.memory_space<semaphore_mem>>) src(%dma_wait3A_112 : memref<10000x256xf32, #tpu.memory_space<hbm>>) dst(%arg10 : memref<80x256xf32, #tpu.memory_space<vmem>>)
      %dma_wait3A_113 = tpu.memref_slice %arg8[%mul3A_108] : memref<10000xi32, #tpu.memory_space<vmem>> -> memref<80xi32, #tpu.memory_space<vmem>>
      %dma_wait3A_114 = arith.constant 0 : i32
      %dma_wait3A_115 = arith.constant 0 : i32
      %dma_wait3A_116 = tpu.memref_slice %arg3[%dma_wait3A_114, %dma_wait3A_115] : memref<10000x256xf32, #tpu.memory_space<hbm>> -> memref<10000x256xf32, #tpu.memory_space<hbm>>
      tpu.wait_indirect_dma semaphore(%arg16 : memref<!tpu.dma_semaphore, #tpu.memory_space<semaphore_mem>>) src(%dma_wait3A_116 : memref<10000x256xf32, #tpu.memory_space<hbm>>) dst(%arg12 : memref<80x256xf32, #tpu.memory_space<vmem>>)
      %ge3A_117 = arith.constant 2 : i32
      %ge3A_118 = arith.cmpi sge, %add3A_94, %ge3A_117 : i32
      %convert_element_type3A_119 = arith.extui %ge3A_118 : i1 to i32
      %cond3A_120 = arith.constant 0 : i32
      %cond3A_121 = arith.cmpi ne, %convert_element_type3A_119, %cond3A_120 : i32
      scf.if %cond3A_121 {
        %sub3A = arith.constant 2 : i32
        %sub3A_132 = arith.subi %add3A_94, %sub3A : i32
        %mul3A_133 = arith.constant 80 : i32
        %mul3A_134 = arith.muli %sub3A_132, %mul3A_133 : i32
        %add3A_135 = arith.addi %mul3A_2, %mul3A_134 : i32
        %dma_wait3A_136 = arith.constant 0 : i32
        %dma_wait3A_137 = tpu.memref_slice %arg6[%add3A_135, %dma_wait3A_136] : memref<320000x128xf32, #tpu.memory_space<hbm>> -> memref<80x128xf32, #tpu.memory_space<hbm>>
        %dma_wait3A_138 = arith.constant 0 : i32
        %dma_wait3A_139 = tpu.memref_slice %arg6[%add3A_135, %dma_wait3A_138] : memref<320000x128xf32, #tpu.memory_space<hbm>> -> memref<80x128xf32, #tpu.memory_space<hbm>>
        tpu.wait_dma2 semaphore(%arg18 : memref<!tpu.dma_semaphore, #tpu.memory_space<semaphore_mem>>) src(%arg14 : memref<80x128xf32, #tpu.memory_space<vmem>>) dst(%dma_wait3A_139 : memref<80x128xf32, #tpu.memory_space<hbm>>)
      } else {
      }
      %parallel_loop3A_122 = arith.constant 0 : i32
      %parallel_loop3A_123 = arith.constant 80 : i32
      %parallel_loop3A_124 = arith.constant 1 : i32
      scf.for %parallel_loop3A_132 = %parallel_loop3A_122 to %parallel_loop3A_123 step %parallel_loop3A_124  : i32 {
        %parallel_loop3A_133 = arith.index_cast %parallel_loop3A_132 : i32 to index
        %parallel_loop3A_134 = arith.constant 0 : index
        %parallel_loop3A_135 = tpu.vector_load %arg10[%parallel_loop3A_133, %parallel_loop3A_134] {strides = array<i32>} : memref<80x256xf32, #tpu.memory_space<vmem>>, vector<16xf32>,
        %parallel_loop3A_136 = arith.index_cast %parallel_loop3A_132 : i32 to index
        %parallel_loop3A_137 = arith.constant 0 : index
        %parallel_loop3A_138 = tpu.vector_load %arg12[%parallel_loop3A_136, %parallel_loop3A_137] {strides = array<i32>} : memref<80x256xf32, #tpu.memory_space<vmem>>, vector<16xf32>,
        %parallel_loop3A_139 = arith.addf %parallel_loop3A_135, %parallel_loop3A_138 : vector<16xf32>
        %parallel_loop3A_140 = arith.index_cast %parallel_loop3A_132 : i32 to index
        %parallel_loop3A_141 = arith.constant 128 : index
        %parallel_loop3A_142 = tpu.vector_load %arg10[%parallel_loop3A_140, %parallel_loop3A_141] {strides = array<i32>} : memref<80x256xf32, #tpu.memory_space<vmem>>, vector<16xf32>,
        %parallel_loop3A_143 = arith.index_cast %parallel_loop3A_132 : i32 to index
        %parallel_loop3A_144 = arith.constant 128 : index
        %parallel_loop3A_145 = tpu.vector_load %arg12[%parallel_loop3A_143, %parallel_loop3A_144] {strides = array<i32>} : memref<80x256xf32, #tpu.memory_space<vmem>>, vector<16xf32>,
        %parallel_loop3A_146 = arith.addf %parallel_loop3A_142, %parallel_loop3A_145 : vector<16xf32>
        %parallel_loop3A_147 = arith.mulf %parallel_loop3A_139, %parallel_loop3A_146 : vector<16xf32>
        %parallel_loop3A_148 = arith.mulf %parallel_loop3A_142, %parallel_loop3A_145 : vector<16xf32>
        %parallel_loop3A_149 = arith.constant 1.000000e+00 : f32
        %parallel_loop3A_150 = vector.broadcast %parallel_loop3A_149 : f32 to vector<16xf32>
        %parallel_loop3A_151 = arith.addf %parallel_loop3A_150, %parallel_loop3A_148 : vector<16xf32>
        %parallel_loop3A_152 = arith.divf %parallel_loop3A_147, %parallel_loop3A_151 : vector<16xf32>
        %parallel_loop3A_153 = arith.index_cast %parallel_loop3A_132 : i32 to index
        %parallel_loop3A_154 = arith.constant 0 : index
        %parallel_loop3A_155 = tpu.vector_load %arg14[%parallel_loop3A_153, %parallel_loop3A_154] {strides = array<i32>} : memref<80x128xf32, #tpu.memory_space<vmem>>, vector<16xf32>,
        tpu.vector_store %arg14[%parallel_loop3A_153, %parallel_loop3A_154], %parallel_loop3A_152 {strides = array<i32>} : memref<80x128xf32, #tpu.memory_space<vmem>>, vector<16xf32>,
        %parallel_loop3A_156 = arith.index_cast %parallel_loop3A_132 : i32 to index
        %parallel_loop3A_157 = arith.constant 16 : index
        %parallel_loop3A_158 = tpu.vector_load %arg10[%parallel_loop3A_156, %parallel_loop3A_157] {strides = array<i32>} : memref<80x256xf32, #tpu.memory_space<vmem>>, vector<16xf32>,
        %parallel_loop3A_159 = arith.index_cast %parallel_loop3A_132 : i32 to index
        %parallel_loop3A_160 = arith.constant 16 : index
        %parallel_loop3A_161 = tpu.vector_load %arg12[%parallel_loop3A_159, %parallel_loop3A_160] {strides = array<i32>} : memref<80x256xf32, #tpu.memory_space<vmem>>, vector<16xf32>,
        %parallel_loop3A_162 = arith.addf %parallel_loop3A_158, %parallel_loop3A_161 : vector<16xf32>
        %parallel_loop3A_163 = arith.index_cast %parallel_loop3A_132 : i32 to index
        %parallel_loop3A_164 = arith.constant 144 : index
        %parallel_loop3A_165 = tpu.vector_load %arg10[%parallel_loop3A_163, %parallel_loop3A_164] {strides = array<i32>} : memref<80x256xf32, #tpu.memory_space<vmem>>, vector<16xf32>,
        %parallel_loop3A_166 = arith.index_cast %parallel_loop3A_132 : i32 to index
        %parallel_loop3A_167 = arith.constant 144 : index
        %parallel_loop3A_168 = tpu.vector_load %arg12[%parallel_loop3A_166, %parallel_loop3A_167] {strides = array<i32>} : memref<80x256xf32, #tpu.memory_space<vmem>>, vector<16xf32>,
        %parallel_loop3A_169 = arith.addf %parallel_loop3A_165, %parallel_loop3A_168 : vector<16xf32>
        %parallel_loop3A_170 = arith.mulf %parallel_loop3A_162, %parallel_loop3A_169 : vector<16xf32>
        %parallel_loop3A_171 = arith.mulf %parallel_loop3A_165, %parallel_loop3A_168 : vector<16xf32>
        %parallel_loop3A_172 = arith.constant 1.000000e+00 : f32
        %parallel_loop3A_173 = vector.broadcast %parallel_loop3A_172 : f32 to vector<16xf32>
        %parallel_loop3A_174 = arith.addf %parallel_loop3A_173, %parallel_loop3A_171 : vector<16xf32>
        %parallel_loop3A_175 = arith.divf %parallel_loop3A_170, %parallel_loop3A_174 : vector<16xf32>
        %parallel_loop3A_176 = arith.index_cast %parallel_loop3A_132 : i32 to index
        %parallel_loop3A_177 = arith.constant 16 : index
        %parallel_loop3A_178 = tpu.vector_load %arg14[%parallel_loop3A_176, %parallel_loop3A_177] {strides = array<i32>} : memref<80x128xf32, #tpu.memory_space<vmem>>, vector<16xf32>,
        tpu.vector_store %arg14[%parallel_loop3A_176, %parallel_loop3A_177], %parallel_loop3A_175 {strides = array<i32>} : memref<80x128xf32, #tpu.memory_space<vmem>>, vector<16xf32>,
        %parallel_loop3A_179 = arith.index_cast %parallel_loop3A_132 : i32 to index
        %parallel_loop3A_180 = arith.constant 32 : index
        %parallel_loop3A_181 = tpu.vector_load %arg10[%parallel_loop3A_179, %parallel_loop3A_180] {strides = array<i32>} : memref<80x256xf32, #tpu.memory_space<vmem>>, vector<16xf32>,
        %parallel_loop3A_182 = arith.index_cast %parallel_loop3A_132 : i32 to index
        %parallel_loop3A_183 = arith.constant 32 : index
        %parallel_loop3A_184 = tpu.vector_load %arg12[%parallel_loop3A_182, %parallel_loop3A_183] {strides = array<i32>} : memref<80x256xf32, #tpu.memory_space<vmem>>, vector<16xf32>,
        %parallel_loop3A_185 = arith.addf %parallel_loop3A_181, %parallel_loop3A_184 : vector<16xf32>
        %parallel_loop3A_186 = arith.index_cast %parallel_loop3A_132 : i32 to index
        %parallel_loop3A_187 = arith.constant 160 : index
        %parallel_loop3A_188 = tpu.vector_load %arg10[%parallel_loop3A_186, %parallel_loop3A_187] {strides = array<i32>} : memref<80x256xf32, #tpu.memory_space<vmem>>, vector<16xf32>,
        %parallel_loop3A_189 = arith.index_cast %parallel_loop3A_132 : i32 to index
        %parallel_loop3A_190 = arith.constant 160 : index
        %parallel_loop3A_191 = tpu.vector_load %arg12[%parallel_loop3A_189, %parallel_loop3A_190] {strides = array<i32>} : memref<80x256xf32, #tpu.memory_space<vmem>>, vector<16xf32>,
        %parallel_loop3A_192 = arith.addf %parallel_loop3A_188, %parallel_loop3A_191 : vector<16xf32>
        %parallel_loop3A_193 = arith.mulf %parallel_loop3A_185, %parallel_loop3A_192 : vector<16xf32>
        %parallel_loop3A_194 = arith.mulf %parallel_loop3A_188, %parallel_loop3A_191 : vector<16xf32>
        %parallel_loop3A_195 = arith.constant 1.000000e+00 : f32
        %parallel_loop3A_196 = vector.broadcast %parallel_loop3A_195 : f32 to vector<16xf32>
        %parallel_loop3A_197 = arith.addf %parallel_loop3A_196, %parallel_loop3A_194 : vector<16xf32>
        %parallel_loop3A_198 = arith.divf %parallel_loop3A_193, %parallel_loop3A_197 : vector<16xf32>
        %parallel_loop3A_199 = arith.index_cast %parallel_loop3A_132 : i32 to index
        %parallel_loop3A_200 = arith.constant 32 : index
        %parallel_loop3A_201 = tpu.vector_load %arg14[%parallel_loop3A_199, %parallel_loop3A_200] {strides = array<i32>} : memref<80x128xf32, #tpu.memory_space<vmem>>, vector<16xf32>,
        tpu.vector_store %arg14[%parallel_loop3A_199, %parallel_loop3A_200], %parallel_loop3A_198 {strides = array<i32>} : memref<80x128xf32, #tpu.memory_space<vmem>>, vector<16xf32>,
        %parallel_loop3A_202 = arith.index_cast %parallel_loop3A_132 : i32 to index
        %parallel_loop3A_203 = arith.constant 48 : index
        %parallel_loop3A_204 = tpu.vector_load %arg10[%parallel_loop3A_202, %parallel_loop3A_203] {strides = array<i32>} : memref<80x256xf32, #tpu.memory_space<vmem>>, vector<16xf32>,
        %parallel_loop3A_205 = arith.index_cast %parallel_loop3A_132 : i32 to index
        %parallel_loop3A_206 = arith.constant 48 : index
        %parallel_loop3A_207 = tpu.vector_load %arg12[%parallel_loop3A_205, %parallel_loop3A_206] {strides = array<i32>} : memref<80x256xf32, #tpu.memory_space<vmem>>, vector<16xf32>,
        %parallel_loop3A_208 = arith.addf %parallel_loop3A_204, %parallel_loop3A_207 : vector<16xf32>
        %parallel_loop3A_209 = arith.index_cast %parallel_loop3A_132 : i32 to index
        %parallel_loop3A_210 = arith.constant 176 : index
        %parallel_loop3A_211 = tpu.vector_load %arg10[%parallel_loop3A_209, %parallel_loop3A_210] {strides = array<i32>} : memref<80x256xf32, #tpu.memory_space<vmem>>, vector<16xf32>,
        %parallel_loop3A_212 = arith.index_cast %parallel_loop3A_132 : i32 to index
        %parallel_loop3A_213 = arith.constant 176 : index
        %parallel_loop3A_214 = tpu.vector_load %arg12[%parallel_loop3A_212, %parallel_loop3A_213] {strides = array<i32>} : memref<80x256xf32, #tpu.memory_space<vmem>>, vector<16xf32>,
        %parallel_loop3A_215 = arith.addf %parallel_loop3A_211, %parallel_loop3A_214 : vector<16xf32>
        %parallel_loop3A_216 = arith.mulf %parallel_loop3A_208, %parallel_loop3A_215 : vector<16xf32>
        %parallel_loop3A_217 = arith.mulf %parallel_loop3A_211, %parallel_loop3A_214 : vector<16xf32>
        %parallel_loop3A_218 = arith.constant 1.000000e+00 : f32
        %parallel_loop3A_219 = vector.broadcast %parallel_loop3A_218 : f32 to vector<16xf32>
        %parallel_loop3A_220 = arith.addf %parallel_loop3A_219, %parallel_loop3A_217 : vector<16xf32>
        %parallel_loop3A_221 = arith.divf %parallel_loop3A_216, %parallel_loop3A_220 : vector<16xf32>
        %parallel_loop3A_222 = arith.index_cast %parallel_loop3A_132 : i32 to index
        %parallel_loop3A_223 = arith.constant 48 : index
        %parallel_loop3A_224 = tpu.vector_load %arg14[%parallel_loop3A_222, %parallel_loop3A_223] {strides = array<i32>} : memref<80x128xf32, #tpu.memory_space<vmem>>, vector<16xf32>,
        tpu.vector_store %arg14[%parallel_loop3A_222, %parallel_loop3A_223], %parallel_loop3A_221 {strides = array<i32>} : memref<80x128xf32, #tpu.memory_space<vmem>>, vector<16xf32>,
        %parallel_loop3A_225 = arith.index_cast %parallel_loop3A_132 : i32 to index
        %parallel_loop3A_226 = arith.constant 64 : index
        %parallel_loop3A_227 = tpu.vector_load %arg10[%parallel_loop3A_225, %parallel_loop3A_226] {strides = array<i32>} : memref<80x256xf32, #tpu.memory_space<vmem>>, vector<16xf32>,
        %parallel_loop3A_228 = arith.index_cast %parallel_loop3A_132 : i32 to index
        %parallel_loop3A_229 = arith.constant 64 : index
        %parallel_loop3A_230 = tpu.vector_load %arg12[%parallel_loop3A_228, %parallel_loop3A_229] {strides = array<i32>} : memref<80x256xf32, #tpu.memory_space<vmem>>, vector<16xf32>,
        %parallel_loop3A_231 = arith.addf %parallel_loop3A_227, %parallel_loop3A_230 : vector<16xf32>
        %parallel_loop3A_232 = arith.index_cast %parallel_loop3A_132 : i32 to index
        %parallel_loop3A_233 = arith.constant 192 : index
        %parallel_loop3A_234 = tpu.vector_load %arg10[%parallel_loop3A_232, %parallel_loop3A_233] {strides = array<i32>} : memref<80x256xf32, #tpu.memory_space<vmem>>, vector<16xf32>,
        %parallel_loop3A_235 = arith.index_cast %parallel_loop3A_132 : i32 to index
        %parallel_loop3A_236 = arith.constant 192 : index
        %parallel_loop3A_237 = tpu.vector_load %arg12[%parallel_loop3A_235, %parallel_loop3A_236] {strides = array<i32>} : memref<80x256xf32, #tpu.memory_space<vmem>>, vector<16xf32>,
        %parallel_loop3A_238 = arith.addf %parallel_loop3A_234, %parallel_loop3A_237 : vector<16xf32>
        %parallel_loop3A_239 = arith.mulf %parallel_loop3A_231, %parallel_loop3A_238 : vector<16xf32>
        %parallel_loop3A_240 = arith.mulf %parallel_loop3A_234, %parallel_loop3A_237 : vector<16xf32>
        %parallel_loop3A_241 = arith.constant 1.000000e+00 : f32
        %parallel_loop3A_242 = vector.broadcast %parallel_loop3A_241 : f32 to vector<16xf32>
        %parallel_loop3A_243 = arith.addf %parallel_loop3A_242, %parallel_loop3A_240 : vector<16xf32>
        %parallel_loop3A_244 = arith.divf %parallel_loop3A_239, %parallel_loop3A_243 : vector<16xf32>
        %parallel_loop3A_245 = arith.index_cast %parallel_loop3A_132 : i32 to index
        %parallel_loop3A_246 = arith.constant 64 : index
        %parallel_loop3A_247 = tpu.vector_load %arg14[%parallel_loop3A_245, %parallel_loop3A_246] {strides = array<i32>} : memref<80x128xf32, #tpu.memory_space<vmem>>, vector<16xf32>,
        tpu.vector_store %arg14[%parallel_loop3A_245, %parallel_loop3A_246], %parallel_loop3A_244 {strides = array<i32>} : memref<80x128xf32, #tpu.memory_space<vmem>>, vector<16xf32>,
        %parallel_loop3A_248 = arith.index_cast %parallel_loop3A_132 : i32 to index
        %parallel_loop3A_249 = arith.constant 80 : index
        %parallel_loop3A_250 = tpu.vector_load %arg10[%parallel_loop3A_248, %parallel_loop3A_249] {strides = array<i32>} : memref<80x256xf32, #tpu.memory_space<vmem>>, vector<16xf32>,
        %parallel_loop3A_251 = arith.index_cast %parallel_loop3A_132 : i32 to index
        %parallel_loop3A_252 = arith.constant 80 : index
        %parallel_loop3A_253 = tpu.vector_load %arg12[%parallel_loop3A_251, %parallel_loop3A_252] {strides = array<i32>} : memref<80x256xf32, #tpu.memory_space<vmem>>, vector<16xf32>,
        %parallel_loop3A_254 = arith.addf %parallel_loop3A_250, %parallel_loop3A_253 : vector<16xf32>
        %parallel_loop3A_255 = arith.index_cast %parallel_loop3A_132 : i32 to index
        %parallel_loop3A_256 = arith.constant 208 : index
        %parallel_loop3A_257 = tpu.vector_load %arg10[%parallel_loop3A_255, %parallel_loop3A_256] {strides = array<i32>} : memref<80x256xf32, #tpu.memory_space<vmem>>, vector<16xf32>,
        %parallel_loop3A_258 = arith.index_cast %parallel_loop3A_132 : i32 to index
        %parallel_loop3A_259 = arith.constant 208 : index
        %parallel_loop3A_260 = tpu.vector_load %arg12[%parallel_loop3A_258, %parallel_loop3A_259] {strides = array<i32>} : memref<80x256xf32, #tpu.memory_space<vmem>>, vector<16xf32>,
        %parallel_loop3A_261 = arith.addf %parallel_loop3A_257, %parallel_loop3A_260 : vector<16xf32>
        %parallel_loop3A_262 = arith.mulf %parallel_loop3A_254, %parallel_loop3A_261 : vector<16xf32>
        %parallel_loop3A_263 = arith.mulf %parallel_loop3A_257, %parallel_loop3A_260 : vector<16xf32>
        %parallel_loop3A_264 = arith.constant 1.000000e+00 : f32
        %parallel_loop3A_265 = vector.broadcast %parallel_loop3A_264 : f32 to vector<16xf32>
        %parallel_loop3A_266 = arith.addf %parallel_loop3A_265, %parallel_loop3A_263 : vector<16xf32>
        %parallel_loop3A_267 = arith.divf %parallel_loop3A_262, %parallel_loop3A_266 : vector<16xf32>
        %parallel_loop3A_268 = arith.index_cast %parallel_loop3A_132 : i32 to index
        %parallel_loop3A_269 = arith.constant 80 : index
        %parallel_loop3A_270 = tpu.vector_load %arg14[%parallel_loop3A_268, %parallel_loop3A_269] {strides = array<i32>} : memref<80x128xf32, #tpu.memory_space<vmem>>, vector<16xf32>,
        tpu.vector_store %arg14[%parallel_loop3A_268, %parallel_loop3A_269], %parallel_loop3A_267 {strides = array<i32>} : memref<80x128xf32, #tpu.memory_space<vmem>>, vector<16xf32>,
        %parallel_loop3A_271 = arith.index_cast %parallel_loop3A_132 : i32 to index
        %parallel_loop3A_272 = arith.constant 96 : index
        %parallel_loop3A_273 = tpu.vector_load %arg10[%parallel_loop3A_271, %parallel_loop3A_272] {strides = array<i32>} : memref<80x256xf32, #tpu.memory_space<vmem>>, vector<16xf32>,
        %parallel_loop3A_274 = arith.index_cast %parallel_loop3A_132 : i32 to index
        %parallel_loop3A_275 = arith.constant 96 : index
        %parallel_loop3A_276 = tpu.vector_load %arg12[%parallel_loop3A_274, %parallel_loop3A_275] {strides = array<i32>} : memref<80x256xf32, #tpu.memory_space<vmem>>, vector<16xf32>,
        %parallel_loop3A_277 = arith.addf %parallel_loop3A_273, %parallel_loop3A_276 : vector<16xf32>
        %parallel_loop3A_278 = arith.index_cast %parallel_loop3A_132 : i32 to index
        %parallel_loop3A_279 = arith.constant 224 : index
        %parallel_loop3A_280 = tpu.vector_load %arg10[%parallel_loop3A_278, %parallel_loop3A_279] {strides = array<i32>} : memref<80x256xf32, #tpu.memory_space<vmem>>, vector<16xf32>,
        %parallel_loop3A_281 = arith.index_cast %parallel_loop3A_132 : i32 to index
        %parallel_loop3A_282 = arith.constant 224 : index
        %parallel_loop3A_283 = tpu.vector_load %arg12[%parallel_loop3A_281, %parallel_loop3A_282] {strides = array<i32>} : memref<80x256xf32, #tpu.memory_space<vmem>>, vector<16xf32>,
        %parallel_loop3A_284 = arith.addf %parallel_loop3A_280, %parallel_loop3A_283 : vector<16xf32>
        %parallel_loop3A_285 = arith.mulf %parallel_loop3A_277, %parallel_loop3A_284 : vector<16xf32>
        %parallel_loop3A_286 = arith.mulf %parallel_loop3A_280, %parallel_loop3A_283 : vector<16xf32>
        %parallel_loop3A_287 = arith.constant 1.000000e+00 : f32
        %parallel_loop3A_288 = vector.broadcast %parallel_loop3A_287 : f32 to vector<16xf32>
        %parallel_loop3A_289 = arith.addf %parallel_loop3A_288, %parallel_loop3A_286 : vector<16xf32>
        %parallel_loop3A_290 = arith.divf %parallel_loop3A_285, %parallel_loop3A_289 : vector<16xf32>
        %parallel_loop3A_291 = arith.index_cast %parallel_loop3A_132 : i32 to index
        %parallel_loop3A_292 = arith.constant 96 : index
        %parallel_loop3A_293 = tpu.vector_load %arg14[%parallel_loop3A_291, %parallel_loop3A_292] {strides = array<i32>} : memref<80x128xf32, #tpu.memory_space<vmem>>, vector<16xf32>,
        tpu.vector_store %arg14[%parallel_loop3A_291, %parallel_loop3A_292], %parallel_loop3A_290 {strides = array<i32>} : memref<80x128xf32, #tpu.memory_space<vmem>>, vector<16xf32>,
        %parallel_loop3A_294 = arith.index_cast %parallel_loop3A_132 : i32 to index
        %parallel_loop3A_295 = arith.constant 112 : index
        %parallel_loop3A_296 = tpu.vector_load %arg10[%parallel_loop3A_294, %parallel_loop3A_295] {strides = array<i32>} : memref<80x256xf32, #tpu.memory_space<vmem>>, vector<16xf32>,
        %parallel_loop3A_297 = arith.index_cast %parallel_loop3A_132 : i32 to index
        %parallel_loop3A_298 = arith.constant 112 : index
        %parallel_loop3A_299 = tpu.vector_load %arg12[%parallel_loop3A_297, %parallel_loop3A_298] {strides = array<i32>} : memref<80x256xf32, #tpu.memory_space<vmem>>, vector<16xf32>,
        %parallel_loop3A_300 = arith.addf %parallel_loop3A_296, %parallel_loop3A_299 : vector<16xf32>
        %parallel_loop3A_301 = arith.index_cast %parallel_loop3A_132 : i32 to index
        %parallel_loop3A_302 = arith.constant 240 : index
        %parallel_loop3A_303 = tpu.vector_load %arg10[%parallel_loop3A_301, %parallel_loop3A_302] {strides = array<i32>} : memref<80x256xf32, #tpu.memory_space<vmem>>, vector<16xf32>,
        %parallel_loop3A_304 = arith.index_cast %parallel_loop3A_132 : i32 to index
        %parallel_loop3A_305 = arith.constant 240 : index
        %parallel_loop3A_306 = tpu.vector_load %arg12[%parallel_loop3A_304, %parallel_loop3A_305] {strides = array<i32>} : memref<80x256xf32, #tpu.memory_space<vmem>>, vector<16xf32>,
        %parallel_loop3A_307 = arith.addf %parallel_loop3A_303, %parallel_loop3A_306 : vector<16xf32>
        %parallel_loop3A_308 = arith.mulf %parallel_loop3A_300, %parallel_loop3A_307 : vector<16xf32>
        %parallel_loop3A_309 = arith.mulf %parallel_loop3A_303, %parallel_loop3A_306 : vector<16xf32>
        %parallel_loop3A_310 = arith.constant 1.000000e+00 : f32
        %parallel_loop3A_311 = vector.broadcast %parallel_loop3A_310 : f32 to vector<16xf32>
        %parallel_loop3A_312 = arith.addf %parallel_loop3A_311, %parallel_loop3A_309 : vector<16xf32>
        %parallel_loop3A_313 = arith.divf %parallel_loop3A_308, %parallel_loop3A_312 : vector<16xf32>
        %parallel_loop3A_314 = arith.index_cast %parallel_loop3A_132 : i32 to index
        %parallel_loop3A_315 = arith.constant 112 : index
        %parallel_loop3A_316 = tpu.vector_load %arg14[%parallel_loop3A_314, %parallel_loop3A_315] {strides = array<i32>} : memref<80x128xf32, #tpu.memory_space<vmem>>, vector<16xf32>,
        tpu.vector_store %arg14[%parallel_loop3A_314, %parallel_loop3A_315], %parallel_loop3A_313 {strides = array<i32>} : memref<80x128xf32, #tpu.memory_space<vmem>>, vector<16xf32>,
      } {sc.loop_unroll_factor = 2 : i64, sc.parallel_access}
      %mul3A_125 = arith.constant 80 : i32
      %mul3A_126 = arith.muli %add3A_94, %mul3A_125 : i32
      %add3A_127 = arith.addi %mul3A_2, %mul3A_126 : i32
      %dma_start3A_128 = arith.constant 0 : i32
      %dma_start3A_129 = tpu.memref_slice %arg6[%add3A_127, %dma_start3A_128] : memref<320000x128xf32, #tpu.memory_space<hbm>> -> memref<80x128xf32, #tpu.memory_space<hbm>>
      %dma_start3A_130 = arith.constant 0 : i32
      %dma_start3A_131 = tpu.memref_slice %arg6[%add3A_127, %dma_start3A_130] : memref<320000x128xf32, #tpu.memory_space<hbm>> -> memref<80x128xf32, #tpu.memory_space<hbm>>
      tpu.enqueue_dma source(%arg14 : memref<80x128xf32, #tpu.memory_space<vmem>>) target(%dma_start3A_131 : memref<80x128xf32, #tpu.memory_space<hbm>>) target_semaphore(%arg18 : memref<!tpu.dma_semaphore, #tpu.memory_space<semaphore_mem>>)
    }
    %scan3A_16 = arith.constant 62 : i32
    %dma_wait3A = arith.constant 9920 : i32
    %dma_wait3A_17 = tpu.memref_slice %arg7[%dma_wait3A] : memref<10000xi32, #tpu.memory_space<vmem>> -> memref<80xi32, #tpu.memory_space<vmem>>
    %dma_wait3A_18 = arith.constant 0 : i32
    %dma_wait3A_19 = arith.constant 0 : i32
    %dma_wait3A_20 = tpu.memref_slice %arg2[%dma_wait3A_18, %dma_wait3A_19] : memref<10000x256xf32, #tpu.memory_space<hbm>> -> memref<10000x256xf32, #tpu.memory_space<hbm>>
    tpu.wait_indirect_dma semaphore(%arg15 : memref<!tpu.dma_semaphore, #tpu.memory_space<semaphore_mem>>) src(%dma_wait3A_20 : memref<10000x256xf32, #tpu.memory_space<hbm>>) dst(%arg9 : memref<80x256xf32, #tpu.memory_space<vmem>>)
    %dma_wait3A_21 = arith.constant 9920 : i32
    %dma_wait3A_22 = tpu.memref_slice %arg8[%dma_wait3A_21] : memref<10000xi32, #tpu.memory_space<vmem>> -> memref<80xi32, #tpu.memory_space<vmem>>
    %dma_wait3A_23 = arith.constant 0 : i32
    %dma_wait3A_24 = arith.constant 0 : i32
    %dma_wait3A_25 = tpu.memref_slice %arg3[%dma_wait3A_23, %dma_wait3A_24] : memref<10000x256xf32, #tpu.memory_space<hbm>> -> memref<10000x256xf32, #tpu.memory_space<hbm>>
    tpu.wait_indirect_dma semaphore(%arg15 : memref<!tpu.dma_semaphore, #tpu.memory_space<semaphore_mem>>) src(%dma_wait3A_25 : memref<10000x256xf32, #tpu.memory_space<hbm>>) dst(%arg11 : memref<80x256xf32, #tpu.memory_space<vmem>>)
    %add3A_26 = arith.constant 9760 : i32
    %add3A_27 = arith.addi %mul3A_2, %add3A_26 : i32
    %dma_wait3A_28 = arith.constant 0 : i32
    %dma_wait3A_29 = tpu.memref_slice %arg6[%add3A_27, %dma_wait3A_28] : memref<320000x128xf32, #tpu.memory_space<hbm>> -> memref<80x128xf32, #tpu.memory_space<hbm>>
    %dma_wait3A_30 = arith.constant 0 : i32
    %dma_wait3A_31 = tpu.memref_slice %arg6[%add3A_27, %dma_wait3A_30] : memref<320000x128xf32, #tpu.memory_space<hbm>> -> memref<80x128xf32, #tpu.memory_space<hbm>>
    tpu.wait_dma2 semaphore(%arg17 : memref<!tpu.dma_semaphore, #tpu.memory_space<semaphore_mem>>) src(%arg13 : memref<80x128xf32, #tpu.memory_space<vmem>>) dst(%dma_wait3A_31 : memref<80x128xf32, #tpu.memory_space<hbm>>)
    %parallel_loop3A = arith.constant 0 : i32
    %parallel_loop3A_32 = arith.constant 80 : i32
    %parallel_loop3A_33 = arith.constant 1 : i32
    scf.for %parallel_loop3A_52 = %parallel_loop3A to %parallel_loop3A_32 step %parallel_loop3A_33  : i32 {
      %parallel_loop3A_53 = arith.index_cast %parallel_loop3A_52 : i32 to index
      %parallel_loop3A_54 = arith.constant 0 : index
      %parallel_loop3A_55 = tpu.vector_load %arg9[%parallel_loop3A_53, %parallel_loop3A_54] {strides = array<i32>} : memref<80x256xf32, #tpu.memory_space<vmem>>, vector<16xf32>,
      %parallel_loop3A_56 = arith.index_cast %parallel_loop3A_52 : i32 to index
      %parallel_loop3A_57 = arith.constant 0 : index
      %parallel_loop3A_58 = tpu.vector_load %arg11[%parallel_loop3A_56, %parallel_loop3A_57] {strides = array<i32>} : memref<80x256xf32, #tpu.memory_space<vmem>>, vector<16xf32>,
      %parallel_loop3A_59 = arith.addf %parallel_loop3A_55, %parallel_loop3A_58 : vector<16xf32>
      %parallel_loop3A_60 = arith.index_cast %parallel_loop3A_52 : i32 to index
      %parallel_loop3A_61 = arith.constant 128 : index
      %parallel_loop3A_62 = tpu.vector_load %arg9[%parallel_loop3A_60, %parallel_loop3A_61] {strides = array<i32>} : memref<80x256xf32, #tpu.memory_space<vmem>>, vector<16xf32>,
      %parallel_loop3A_63 = arith.index_cast %parallel_loop3A_52 : i32 to index
      %parallel_loop3A_64 = arith.constant 128 : index
      %parallel_loop3A_65 = tpu.vector_load %arg11[%parallel_loop3A_63, %parallel_loop3A_64] {strides = array<i32>} : memref<80x256xf32, #tpu.memory_space<vmem>>, vector<16xf32>,
      %parallel_loop3A_66 = arith.addf %parallel_loop3A_62, %parallel_loop3A_65 : vector<16xf32>
      %parallel_loop3A_67 = arith.mulf %parallel_loop3A_59, %parallel_loop3A_66 : vector<16xf32>
      %parallel_loop3A_68 = arith.mulf %parallel_loop3A_62, %parallel_loop3A_65 : vector<16xf32>
      %parallel_loop3A_69 = arith.constant 1.000000e+00 : f32
      %parallel_loop3A_70 = vector.broadcast %parallel_loop3A_69 : f32 to vector<16xf32>
      %parallel_loop3A_71 = arith.addf %parallel_loop3A_70, %parallel_loop3A_68 : vector<16xf32>
      %parallel_loop3A_72 = arith.divf %parallel_loop3A_67, %parallel_loop3A_71 : vector<16xf32>
      %parallel_loop3A_73 = arith.index_cast %parallel_loop3A_52 : i32 to index
      %parallel_loop3A_74 = arith.constant 0 : index
      %parallel_loop3A_75 = tpu.vector_load %arg13[%parallel_loop3A_73, %parallel_loop3A_74] {strides = array<i32>} : memref<80x128xf32, #tpu.memory_space<vmem>>, vector<16xf32>,
      tpu.vector_store %arg13[%parallel_loop3A_73, %parallel_loop3A_74], %parallel_loop3A_72 {strides = array<i32>} : memref<80x128xf32, #tpu.memory_space<vmem>>, vector<16xf32>,
      %parallel_loop3A_76 = arith.index_cast %parallel_loop3A_52 : i32 to index
      %parallel_loop3A_77 = arith.constant 16 : index
      %parallel_loop3A_78 = tpu.vector_load %arg9[%parallel_loop3A_76, %parallel_loop3A_77] {strides = array<i32>} : memref<80x256xf32, #tpu.memory_space<vmem>>, vector<16xf32>,
      %parallel_loop3A_79 = arith.index_cast %parallel_loop3A_52 : i32 to index
      %parallel_loop3A_80 = arith.constant 16 : index
      %parallel_loop3A_81 = tpu.vector_load %arg11[%parallel_loop3A_79, %parallel_loop3A_80] {strides = array<i32>} : memref<80x256xf32, #tpu.memory_space<vmem>>, vector<16xf32>,
      %parallel_loop3A_82 = arith.addf %parallel_loop3A_78, %parallel_loop3A_81 : vector<16xf32>
      %parallel_loop3A_83 = arith.index_cast %parallel_loop3A_52 : i32 to index
      %parallel_loop3A_84 = arith.constant 144 : index
      %parallel_loop3A_85 = tpu.vector_load %arg9[%parallel_loop3A_83, %parallel_loop3A_84] {strides = array<i32>} : memref<80x256xf32, #tpu.memory_space<vmem>>, vector<16xf32>,
      %parallel_loop3A_86 = arith.index_cast %parallel_loop3A_52 : i32 to index
      %parallel_loop3A_87 = arith.constant 144 : index
      %parallel_loop3A_88 = tpu.vector_load %arg11[%parallel_loop3A_86, %parallel_loop3A_87] {strides = array<i32>} : memref<80x256xf32, #tpu.memory_space<vmem>>, vector<16xf32>,
      %parallel_loop3A_89 = arith.addf %parallel_loop3A_85, %parallel_loop3A_88 : vector<16xf32>
      %parallel_loop3A_90 = arith.mulf %parallel_loop3A_82, %parallel_loop3A_89 : vector<16xf32>
      %parallel_loop3A_91 = arith.mulf %parallel_loop3A_85, %parallel_loop3A_88 : vector<16xf32>
      %parallel_loop3A_92 = arith.constant 1.000000e+00 : f32
      %parallel_loop3A_93 = vector.broadcast %parallel_loop3A_92 : f32 to vector<16xf32>
      %parallel_loop3A_94 = arith.addf %parallel_loop3A_93, %parallel_loop3A_91 : vector<16xf32>
      %parallel_loop3A_95 = arith.divf %parallel_loop3A_90, %parallel_loop3A_94 : vector<16xf32>
      %parallel_loop3A_96 = arith.index_cast %parallel_loop3A_52 : i32 to index
      %parallel_loop3A_97 = arith.constant 16 : index
      %parallel_loop3A_98 = tpu.vector_load %arg13[%parallel_loop3A_96, %parallel_loop3A_97] {strides = array<i32>} : memref<80x128xf32, #tpu.memory_space<vmem>>, vector<16xf32>,
      tpu.vector_store %arg13[%parallel_loop3A_96, %parallel_loop3A_97], %parallel_loop3A_95 {strides = array<i32>} : memref<80x128xf32, #tpu.memory_space<vmem>>, vector<16xf32>,
      %parallel_loop3A_99 = arith.index_cast %parallel_loop3A_52 : i32 to index
      %parallel_loop3A_100 = arith.constant 32 : index
      %parallel_loop3A_101 = tpu.vector_load %arg9[%parallel_loop3A_99, %parallel_loop3A_100] {strides = array<i32>} : memref<80x256xf32, #tpu.memory_space<vmem>>, vector<16xf32>,
      %parallel_loop3A_102 = arith.index_cast %parallel_loop3A_52 : i32 to index
      %parallel_loop3A_103 = arith.constant 32 : index
      %parallel_loop3A_104 = tpu.vector_load %arg11[%parallel_loop3A_102, %parallel_loop3A_103] {strides = array<i32>} : memref<80x256xf32, #tpu.memory_space<vmem>>, vector<16xf32>,
      %parallel_loop3A_105 = arith.addf %parallel_loop3A_101, %parallel_loop3A_104 : vector<16xf32>
      %parallel_loop3A_106 = arith.index_cast %parallel_loop3A_52 : i32 to index
      %parallel_loop3A_107 = arith.constant 160 : index
      %parallel_loop3A_108 = tpu.vector_load %arg9[%parallel_loop3A_106, %parallel_loop3A_107] {strides = array<i32>} : memref<80x256xf32, #tpu.memory_space<vmem>>, vector<16xf32>,
      %parallel_loop3A_109 = arith.index_cast %parallel_loop3A_52 : i32 to index
      %parallel_loop3A_110 = arith.constant 160 : index
      %parallel_loop3A_111 = tpu.vector_load %arg11[%parallel_loop3A_109, %parallel_loop3A_110] {strides = array<i32>} : memref<80x256xf32, #tpu.memory_space<vmem>>, vector<16xf32>,
      %parallel_loop3A_112 = arith.addf %parallel_loop3A_108, %parallel_loop3A_111 : vector<16xf32>
      %parallel_loop3A_113 = arith.mulf %parallel_loop3A_105, %parallel_loop3A_112 : vector<16xf32>
      %parallel_loop3A_114 = arith.mulf %parallel_loop3A_108, %parallel_loop3A_111 : vector<16xf32>
      %parallel_loop3A_115 = arith.constant 1.000000e+00 : f32
      %parallel_loop3A_116 = vector.broadcast %parallel_loop3A_115 : f32 to vector<16xf32>
      %parallel_loop3A_117 = arith.addf %parallel_loop3A_116, %parallel_loop3A_114 : vector<16xf32>
      %parallel_loop3A_118 = arith.divf %parallel_loop3A_113, %parallel_loop3A_117 : vector<16xf32>
      %parallel_loop3A_119 = arith.index_cast %parallel_loop3A_52 : i32 to index
      %parallel_loop3A_120 = arith.constant 32 : index
      %parallel_loop3A_121 = tpu.vector_load %arg13[%parallel_loop3A_119, %parallel_loop3A_120] {strides = array<i32>} : memref<80x128xf32, #tpu.memory_space<vmem>>, vector<16xf32>,
      tpu.vector_store %arg13[%parallel_loop3A_119, %parallel_loop3A_120], %parallel_loop3A_118 {strides = array<i32>} : memref<80x128xf32, #tpu.memory_space<vmem>>, vector<16xf32>,
      %parallel_loop3A_122 = arith.index_cast %parallel_loop3A_52 : i32 to index
      %parallel_loop3A_123 = arith.constant 48 : index
      %parallel_loop3A_124 = tpu.vector_load %arg9[%parallel_loop3A_122, %parallel_loop3A_123] {strides = array<i32>} : memref<80x256xf32, #tpu.memory_space<vmem>>, vector<16xf32>,
      %parallel_loop3A_125 = arith.index_cast %parallel_loop3A_52 : i32 to index
      %parallel_loop3A_126 = arith.constant 48 : index
      %parallel_loop3A_127 = tpu.vector_load %arg11[%parallel_loop3A_125, %parallel_loop3A_126] {strides = array<i32>} : memref<80x256xf32, #tpu.memory_space<vmem>>, vector<16xf32>,
      %parallel_loop3A_128 = arith.addf %parallel_loop3A_124, %parallel_loop3A_127 : vector<16xf32>
      %parallel_loop3A_129 = arith.index_cast %parallel_loop3A_52 : i32 to index
      %parallel_loop3A_130 = arith.constant 176 : index
      %parallel_loop3A_131 = tpu.vector_load %arg9[%parallel_loop3A_129, %parallel_loop3A_130] {strides = array<i32>} : memref<80x256xf32, #tpu.memory_space<vmem>>, vector<16xf32>,
      %parallel_loop3A_132 = arith.index_cast %parallel_loop3A_52 : i32 to index
      %parallel_loop3A_133 = arith.constant 176 : index
      %parallel_loop3A_134 = tpu.vector_load %arg11[%parallel_loop3A_132, %parallel_loop3A_133] {strides = array<i32>} : memref<80x256xf32, #tpu.memory_space<vmem>>, vector<16xf32>,
      %parallel_loop3A_135 = arith.addf %parallel_loop3A_131, %parallel_loop3A_134 : vector<16xf32>
      %parallel_loop3A_136 = arith.mulf %parallel_loop3A_128, %parallel_loop3A_135 : vector<16xf32>
      %parallel_loop3A_137 = arith.mulf %parallel_loop3A_131, %parallel_loop3A_134 : vector<16xf32>
      %parallel_loop3A_138 = arith.constant 1.000000e+00 : f32
      %parallel_loop3A_139 = vector.broadcast %parallel_loop3A_138 : f32 to vector<16xf32>
      %parallel_loop3A_140 = arith.addf %parallel_loop3A_139, %parallel_loop3A_137 : vector<16xf32>
      %parallel_loop3A_141 = arith.divf %parallel_loop3A_136, %parallel_loop3A_140 : vector<16xf32>
      %parallel_loop3A_142 = arith.index_cast %parallel_loop3A_52 : i32 to index
      %parallel_loop3A_143 = arith.constant 48 : index
      %parallel_loop3A_144 = tpu.vector_load %arg13[%parallel_loop3A_142, %parallel_loop3A_143] {strides = array<i32>} : memref<80x128xf32, #tpu.memory_space<vmem>>, vector<16xf32>,
      tpu.vector_store %arg13[%parallel_loop3A_142, %parallel_loop3A_143], %parallel_loop3A_141 {strides = array<i32>} : memref<80x128xf32, #tpu.memory_space<vmem>>, vector<16xf32>,
      %parallel_loop3A_145 = arith.index_cast %parallel_loop3A_52 : i32 to index
      %parallel_loop3A_146 = arith.constant 64 : index
      %parallel_loop3A_147 = tpu.vector_load %arg9[%parallel_loop3A_145, %parallel_loop3A_146] {strides = array<i32>} : memref<80x256xf32, #tpu.memory_space<vmem>>, vector<16xf32>,
      %parallel_loop3A_148 = arith.index_cast %parallel_loop3A_52 : i32 to index
      %parallel_loop3A_149 = arith.constant 64 : index
      %parallel_loop3A_150 = tpu.vector_load %arg11[%parallel_loop3A_148, %parallel_loop3A_149] {strides = array<i32>} : memref<80x256xf32, #tpu.memory_space<vmem>>, vector<16xf32>,
      %parallel_loop3A_151 = arith.addf %parallel_loop3A_147, %parallel_loop3A_150 : vector<16xf32>
      %parallel_loop3A_152 = arith.index_cast %parallel_loop3A_52 : i32 to index
      %parallel_loop3A_153 = arith.constant 192 : index
      %parallel_loop3A_154 = tpu.vector_load %arg9[%parallel_loop3A_152, %parallel_loop3A_153] {strides = array<i32>} : memref<80x256xf32, #tpu.memory_space<vmem>>, vector<16xf32>,
      %parallel_loop3A_155 = arith.index_cast %parallel_loop3A_52 : i32 to index
      %parallel_loop3A_156 = arith.constant 192 : index
      %parallel_loop3A_157 = tpu.vector_load %arg11[%parallel_loop3A_155, %parallel_loop3A_156] {strides = array<i32>} : memref<80x256xf32, #tpu.memory_space<vmem>>, vector<16xf32>,
      %parallel_loop3A_158 = arith.addf %parallel_loop3A_154, %parallel_loop3A_157 : vector<16xf32>
      %parallel_loop3A_159 = arith.mulf %parallel_loop3A_151, %parallel_loop3A_158 : vector<16xf32>
      %parallel_loop3A_160 = arith.mulf %parallel_loop3A_154, %parallel_loop3A_157 : vector<16xf32>
      %parallel_loop3A_161 = arith.constant 1.000000e+00 : f32
      %parallel_loop3A_162 = vector.broadcast %parallel_loop3A_161 : f32 to vector<16xf32>
      %parallel_loop3A_163 = arith.addf %parallel_loop3A_162, %parallel_loop3A_160 : vector<16xf32>
      %parallel_loop3A_164 = arith.divf %parallel_loop3A_159, %parallel_loop3A_163 : vector<16xf32>
      %parallel_loop3A_165 = arith.index_cast %parallel_loop3A_52 : i32 to index
      %parallel_loop3A_166 = arith.constant 64 : index
      %parallel_loop3A_167 = tpu.vector_load %arg13[%parallel_loop3A_165, %parallel_loop3A_166] {strides = array<i32>} : memref<80x128xf32, #tpu.memory_space<vmem>>, vector<16xf32>,
      tpu.vector_store %arg13[%parallel_loop3A_165, %parallel_loop3A_166], %parallel_loop3A_164 {strides = array<i32>} : memref<80x128xf32, #tpu.memory_space<vmem>>, vector<16xf32>,
      %parallel_loop3A_168 = arith.index_cast %parallel_loop3A_52 : i32 to index
      %parallel_loop3A_169 = arith.constant 80 : index
      %parallel_loop3A_170 = tpu.vector_load %arg9[%parallel_loop3A_168, %parallel_loop3A_169] {strides = array<i32>} : memref<80x256xf32, #tpu.memory_space<vmem>>, vector<16xf32>,
      %parallel_loop3A_171 = arith.index_cast %parallel_loop3A_52 : i32 to index
      %parallel_loop3A_172 = arith.constant 80 : index
      %parallel_loop3A_173 = tpu.vector_load %arg11[%parallel_loop3A_171, %parallel_loop3A_172] {strides = array<i32>} : memref<80x256xf32, #tpu.memory_space<vmem>>, vector<16xf32>,
      %parallel_loop3A_174 = arith.addf %parallel_loop3A_170, %parallel_loop3A_173 : vector<16xf32>
      %parallel_loop3A_175 = arith.index_cast %parallel_loop3A_52 : i32 to index
      %parallel_loop3A_176 = arith.constant 208 : index
      %parallel_loop3A_177 = tpu.vector_load %arg9[%parallel_loop3A_175, %parallel_loop3A_176] {strides = array<i32>} : memref<80x256xf32, #tpu.memory_space<vmem>>, vector<16xf32>,
      %parallel_loop3A_178 = arith.index_cast %parallel_loop3A_52 : i32 to index
      %parallel_loop3A_179 = arith.constant 208 : index
      %parallel_loop3A_180 = tpu.vector_load %arg11[%parallel_loop3A_178, %parallel_loop3A_179] {strides = array<i32>} : memref<80x256xf32, #tpu.memory_space<vmem>>, vector<16xf32>,
      %parallel_loop3A_181 = arith.addf %parallel_loop3A_177, %parallel_loop3A_180 : vector<16xf32>
      %parallel_loop3A_182 = arith.mulf %parallel_loop3A_174, %parallel_loop3A_181 : vector<16xf32>
      %parallel_loop3A_183 = arith.mulf %parallel_loop3A_177, %parallel_loop3A_180 : vector<16xf32>
      %parallel_loop3A_184 = arith.constant 1.000000e+00 : f32
      %parallel_loop3A_185 = vector.broadcast %parallel_loop3A_184 : f32 to vector<16xf32>
      %parallel_loop3A_186 = arith.addf %parallel_loop3A_185, %parallel_loop3A_183 : vector<16xf32>
      %parallel_loop3A_187 = arith.divf %parallel_loop3A_182, %parallel_loop3A_186 : vector<16xf32>
      %parallel_loop3A_188 = arith.index_cast %parallel_loop3A_52 : i32 to index
      %parallel_loop3A_189 = arith.constant 80 : index
      %parallel_loop3A_190 = tpu.vector_load %arg13[%parallel_loop3A_188, %parallel_loop3A_189] {strides = array<i32>} : memref<80x128xf32, #tpu.memory_space<vmem>>, vector<16xf32>,
      tpu.vector_store %arg13[%parallel_loop3A_188, %parallel_loop3A_189], %parallel_loop3A_187 {strides = array<i32>} : memref<80x128xf32, #tpu.memory_space<vmem>>, vector<16xf32>,
      %parallel_loop3A_191 = arith.index_cast %parallel_loop3A_52 : i32 to index
      %parallel_loop3A_192 = arith.constant 96 : index
      %parallel_loop3A_193 = tpu.vector_load %arg9[%parallel_loop3A_191, %parallel_loop3A_192] {strides = array<i32>} : memref<80x256xf32, #tpu.memory_space<vmem>>, vector<16xf32>,
      %parallel_loop3A_194 = arith.index_cast %parallel_loop3A_52 : i32 to index
      %parallel_loop3A_195 = arith.constant 96 : index
      %parallel_loop3A_196 = tpu.vector_load %arg11[%parallel_loop3A_194, %parallel_loop3A_195] {strides = array<i32>} : memref<80x256xf32, #tpu.memory_space<vmem>>, vector<16xf32>,
      %parallel_loop3A_197 = arith.addf %parallel_loop3A_193, %parallel_loop3A_196 : vector<16xf32>
      %parallel_loop3A_198 = arith.index_cast %parallel_loop3A_52 : i32 to index
      %parallel_loop3A_199 = arith.constant 224 : index
      %parallel_loop3A_200 = tpu.vector_load %arg9[%parallel_loop3A_198, %parallel_loop3A_199] {strides = array<i32>} : memref<80x256xf32, #tpu.memory_space<vmem>>, vector<16xf32>,
      %parallel_loop3A_201 = arith.index_cast %parallel_loop3A_52 : i32 to index
      %parallel_loop3A_202 = arith.constant 224 : index
      %parallel_loop3A_203 = tpu.vector_load %arg11[%parallel_loop3A_201, %parallel_loop3A_202] {strides = array<i32>} : memref<80x256xf32, #tpu.memory_space<vmem>>, vector<16xf32>,
      %parallel_loop3A_204 = arith.addf %parallel_loop3A_200, %parallel_loop3A_203 : vector<16xf32>
      %parallel_loop3A_205 = arith.mulf %parallel_loop3A_197, %parallel_loop3A_204 : vector<16xf32>
      %parallel_loop3A_206 = arith.mulf %parallel_loop3A_200, %parallel_loop3A_203 : vector<16xf32>
      %parallel_loop3A_207 = arith.constant 1.000000e+00 : f32
      %parallel_loop3A_208 = vector.broadcast %parallel_loop3A_207 : f32 to vector<16xf32>
      %parallel_loop3A_209 = arith.addf %parallel_loop3A_208, %parallel_loop3A_206 : vector<16xf32>
      %parallel_loop3A_210 = arith.divf %parallel_loop3A_205, %parallel_loop3A_209 : vector<16xf32>
      %parallel_loop3A_211 = arith.index_cast %parallel_loop3A_52 : i32 to index
      %parallel_loop3A_212 = arith.constant 96 : index
      %parallel_loop3A_213 = tpu.vector_load %arg13[%parallel_loop3A_211, %parallel_loop3A_212] {strides = array<i32>} : memref<80x128xf32, #tpu.memory_space<vmem>>, vector<16xf32>,
      tpu.vector_store %arg13[%parallel_loop3A_211, %parallel_loop3A_212], %parallel_loop3A_210 {strides = array<i32>} : memref<80x128xf32, #tpu.memory_space<vmem>>, vector<16xf32>,
      %parallel_loop3A_214 = arith.index_cast %parallel_loop3A_52 : i32 to index
      %parallel_loop3A_215 = arith.constant 112 : index
      %parallel_loop3A_216 = tpu.vector_load %arg9[%parallel_loop3A_214, %parallel_loop3A_215] {strides = array<i32>} : memref<80x256xf32, #tpu.memory_space<vmem>>, vector<16xf32>,
      %parallel_loop3A_217 = arith.index_cast %parallel_loop3A_52 : i32 to index
      %parallel_loop3A_218 = arith.constant 112 : index
      %parallel_loop3A_219 = tpu.vector_load %arg11[%parallel_loop3A_217, %parallel_loop3A_218] {strides = array<i32>} : memref<80x256xf32, #tpu.memory_space<vmem>>, vector<16xf32>,
      %parallel_loop3A_220 = arith.addf %parallel_loop3A_216, %parallel_loop3A_219 : vector<16xf32>
      %parallel_loop3A_221 = arith.index_cast %parallel_loop3A_52 : i32 to index
      %parallel_loop3A_222 = arith.constant 240 : index
      %parallel_loop3A_223 = tpu.vector_load %arg9[%parallel_loop3A_221, %parallel_loop3A_222] {strides = array<i32>} : memref<80x256xf32, #tpu.memory_space<vmem>>, vector<16xf32>,
      %parallel_loop3A_224 = arith.index_cast %parallel_loop3A_52 : i32 to index
      %parallel_loop3A_225 = arith.constant 240 : index
      %parallel_loop3A_226 = tpu.vector_load %arg11[%parallel_loop3A_224, %parallel_loop3A_225] {strides = array<i32>} : memref<80x256xf32, #tpu.memory_space<vmem>>, vector<16xf32>,
      %parallel_loop3A_227 = arith.addf %parallel_loop3A_223, %parallel_loop3A_226 : vector<16xf32>
      %parallel_loop3A_228 = arith.mulf %parallel_loop3A_220, %parallel_loop3A_227 : vector<16xf32>
      %parallel_loop3A_229 = arith.mulf %parallel_loop3A_223, %parallel_loop3A_226 : vector<16xf32>
      %parallel_loop3A_230 = arith.constant 1.000000e+00 : f32
      %parallel_loop3A_231 = vector.broadcast %parallel_loop3A_230 : f32 to vector<16xf32>
      %parallel_loop3A_232 = arith.addf %parallel_loop3A_231, %parallel_loop3A_229 : vector<16xf32>
      %parallel_loop3A_233 = arith.divf %parallel_loop3A_228, %parallel_loop3A_232 : vector<16xf32>
      %parallel_loop3A_234 = arith.index_cast %parallel_loop3A_52 : i32 to index
      %parallel_loop3A_235 = arith.constant 112 : index
      %parallel_loop3A_236 = tpu.vector_load %arg13[%parallel_loop3A_234, %parallel_loop3A_235] {strides = array<i32>} : memref<80x128xf32, #tpu.memory_space<vmem>>, vector<16xf32>,
      tpu.vector_store %arg13[%parallel_loop3A_234, %parallel_loop3A_235], %parallel_loop3A_233 {strides = array<i32>} : memref<80x128xf32, #tpu.memory_space<vmem>>, vector<16xf32>,
    } {sc.loop_unroll_factor = 2 : i64, sc.parallel_access}
    %add3A_34 = arith.constant 9920 : i32
    %add3A_35 = arith.addi %mul3A_2, %add3A_34 : i32
    %dma_start3A_36 = arith.constant 0 : i32
    %dma_start3A_37 = tpu.memref_slice %arg6[%add3A_35, %dma_start3A_36] : memref<320000x128xf32, #tpu.memory_space<hbm>> -> memref<80x128xf32, #tpu.memory_space<hbm>>
    %dma_start3A_38 = arith.constant 0 : i32
    %dma_start3A_39 = tpu.memref_slice %arg6[%add3A_35, %dma_start3A_38] : memref<320000x128xf32, #tpu.memory_space<hbm>> -> memref<80x128xf32, #tpu.memory_space<hbm>>
    tpu.enqueue_dma source(%arg13 : memref<80x128xf32, #tpu.memory_space<vmem>>) target(%dma_start3A_39 : memref<80x128xf32, #tpu.memory_space<hbm>>) target_semaphore(%arg17 : memref<!tpu.dma_semaphore, #tpu.memory_space<semaphore_mem>>)
    %add3A_40 = arith.constant 9840 : i32
    %add3A_41 = arith.addi %mul3A_2, %add3A_40 : i32
    %dma_wait3A_42 = arith.constant 0 : i32
    %dma_wait3A_43 = tpu.memref_slice %arg6[%add3A_41, %dma_wait3A_42] : memref<320000x128xf32, #tpu.memory_space<hbm>> -> memref<80x128xf32, #tpu.memory_space<hbm>>
    %dma_wait3A_44 = arith.constant 0 : i32
    %dma_wait3A_45 = tpu.memref_slice %arg6[%add3A_41, %dma_wait3A_44] : memref<320000x128xf32, #tpu.memory_space<hbm>> -> memref<80x128xf32, #tpu.memory_space<hbm>>
    tpu.wait_dma2 semaphore(%arg18 : memref<!tpu.dma_semaphore, #tpu.memory_space<semaphore_mem>>) src(%arg14 : memref<80x128xf32, #tpu.memory_space<vmem>>) dst(%dma_wait3A_45 : memref<80x128xf32, #tpu.memory_space<hbm>>)
    %add3A_46 = arith.constant 9920 : i32
    %add3A_47 = arith.addi %mul3A_2, %add3A_46 : i32
    %dma_wait3A_48 = arith.constant 0 : i32
    %dma_wait3A_49 = tpu.memref_slice %arg6[%add3A_47, %dma_wait3A_48] : memref<320000x128xf32, #tpu.memory_space<hbm>> -> memref<80x128xf32, #tpu.memory_space<hbm>>
    %dma_wait3A_50 = arith.constant 0 : i32
    %dma_wait3A_51 = tpu.memref_slice %arg6[%add3A_47, %dma_wait3A_50] : memref<320000x128xf32, #tpu.memory_space<hbm>> -> memref<80x128xf32, #tpu.memory_space<hbm>>
    tpu.wait_dma2 semaphore(%arg17 : memref<!tpu.dma_semaphore, #tpu.memory_space<semaphore_mem>>) src(%arg13 : memref<80x128xf32, #tpu.memory_space<vmem>>) dst(%dma_wait3A_51 : memref<80x128xf32, #tpu.memory_space<hbm>>)
    return
  }
}

module attributes {stable_mosaic.version = 14 : i64} {
  func.func @_tables_body(%arg0: i32, %arg1: memref<2000x128xf32, #tpu.memory_space<vmem>>, %arg2: memref<128x128xf32, #tpu.memory_space<vmem>>, %arg3: memref<128x128xf32, #tpu.memory_space<vmem>>, %arg4: memref<128x128xf32, #tpu.memory_space<vmem>>, %arg5: memref<1x128xf32, #tpu.memory_space<vmem>>, %arg6: memref<2000x256xf32, #tpu.memory_space<vmem>>, %arg7: memref<2000x256xf32, #tpu.memory_space<vmem>>) attributes {dimension_semantics = [#tpu.dimension_semantics<arbitrary>], iteration_bounds = array<i64: 5>, scalar_prefetch = 0 : i64, scratch_operands = 0 : i64, tpu.core_type = #tpu.core_type<tc>, window_params = [{transform_indices = @transform_0, window_bounds = array<i64: 2000, 128>}, {pipeline_mode = #tpu.pipeline_mode<synchronous>, transform_indices = @transform_1, window_bounds = array<i64: 128, 128>}, {pipeline_mode = #tpu.pipeline_mode<synchronous>, transform_indices = @transform_2, window_bounds = array<i64: 128, 128>}, {pipeline_mode = #tpu.pipeline_mode<synchronous>, transform_indices = @transform_3, window_bounds = array<i64: 128, 128>}, {pipeline_mode = #tpu.pipeline_mode<synchronous>, transform_indices = @transform_4, window_bounds = array<i64: 1, 128>}, {transform_indices = @transform_5, window_bounds = array<i64: 2000, 256>}, {transform_indices = @transform_6, window_bounds = array<i64: 2000, 256>}]} {
    %get3A = arith.constant 0 : index
    %get3A_0 = arith.constant 0 : index
    %get3A_1 = vector.load %arg1[%get3A, %get3A_0] : memref<2000x128xf32, #tpu.memory_space<vmem>>, vector<2000x128xf32>
    %get3A_2 = arith.constant 0 : index
    %get3A_3 = arith.constant 0 : index
    %get3A_4 = vector.load %arg2[%get3A_2, %get3A_3] : memref<128x128xf32, #tpu.memory_space<vmem>>, vector<128x128xf32>
    %dot_general3A = arith.constant dense<0.000000e+00> : vector<2000x128xf32>
    %dot_general3A_5 = tpu.matmul %get3A_1, %get3A_4, %dot_general3A {dimension_numbers = #tpu.dot_dimension_numbers<[1], [0], [0], [1], [0, 0, 1, 1], [], []>, transpose_lhs_hint = false} : vector<2000x128xf32>, vector<128x128xf32>, vector<2000x128xf32> -> vector<2000x128xf32>
    %get3A_6 = arith.constant 0 : index
    %get3A_7 = arith.constant 0 : index
    %get3A_8 = vector.load %arg3[%get3A_6, %get3A_7] : memref<128x128xf32, #tpu.memory_space<vmem>>, vector<128x128xf32>
    %dot_general3A_9 = arith.constant dense<0.000000e+00> : vector<2000x128xf32>
    %dot_general3A_10 = tpu.matmul %get3A_1, %get3A_8, %dot_general3A_9 {dimension_numbers = #tpu.dot_dimension_numbers<[1], [0], [0], [1], [0, 0, 1, 1], [], []>, transpose_lhs_hint = false} : vector<2000x128xf32>, vector<128x128xf32>, vector<2000x128xf32> -> vector<2000x128xf32>
    %get3A_11 = arith.constant 0 : index
    %get3A_12 = arith.constant 0 : index
    %get3A_13 = vector.load %arg4[%get3A_11, %get3A_12] : memref<128x128xf32, #tpu.memory_space<vmem>>, vector<128x128xf32>
    %dot_general3A_14 = arith.constant dense<0.000000e+00> : vector<2000x128xf32>
    %dot_general3A_15 = tpu.matmul %get3A_1, %get3A_13, %dot_general3A_14 {dimension_numbers = #tpu.dot_dimension_numbers<[1], [0], [0], [1], [0, 0, 1, 1], [], []>, transpose_lhs_hint = false} : vector<2000x128xf32>, vector<128x128xf32>, vector<2000x128xf32> -> vector<2000x128xf32>
    %get3A_16 = arith.constant 0 : index
    %get3A_17 = arith.constant 0 : index
    %get3A_18 = vector.load %arg5[%get3A_16, %get3A_17] : memref<1x128xf32, #tpu.memory_space<vmem>>, vector<1x128xf32>
    %mul3A = arith.constant 5.000000e-01 : f32
    %mul3A_19 = vector.broadcast %mul3A : f32 to vector<1x128xf32>
    %mul3A_20 = arith.mulf %mul3A_19, %get3A_18 : vector<1x128xf32>
    %add3A = vector.broadcast %mul3A_20 : vector<1x128xf32> to vector<2000x128xf32>
    %add3A_21 = arith.addf %dot_general3A_15, %add3A : vector<2000x128xf32>
    %tanh3A = math.tanh %add3A_21 : vector<2000x128xf32>
    %logistic3A = arith.negf %dot_general3A_5 : vector<2000x128xf32>
    %logistic3A_22 = math.exp %logistic3A : vector<2000x128xf32>
    %logistic3A_23 = arith.constant 1.000000e+00 : f32
    %logistic3A_24 = vector.broadcast %logistic3A_23 : f32 to vector<2000x128xf32>
    %logistic3A_25 = arith.addf %logistic3A_24, %logistic3A_22 : vector<2000x128xf32>
    %logistic3A_26 = arith.divf %logistic3A_24, %logistic3A_25 : vector<2000x128xf32>
    %swap3A = arith.constant 0 : index
    %swap3A_27 = arith.constant 0 : index
    %swap3A_28 = vector.load %arg6[%swap3A, %swap3A_27] : memref<2000x256xf32, #tpu.memory_space<vmem>>, vector<2000x128xf32>
    tpu.vector_store %arg6[%swap3A, %swap3A_27], %logistic3A_26 {strides = array<i32>} : memref<2000x256xf32, #tpu.memory_space<vmem>>, vector<2000x128xf32>,
    %swap3A_29 = arith.constant 0 : index
    %swap3A_30 = arith.constant 128 : index
    %swap3A_31 = vector.load %arg6[%swap3A_29, %swap3A_30] : memref<2000x256xf32, #tpu.memory_space<vmem>>, vector<2000x128xf32>
    tpu.vector_store %arg6[%swap3A_29, %swap3A_30], %tanh3A {strides = array<i32>} : memref<2000x256xf32, #tpu.memory_space<vmem>>, vector<2000x128xf32>,
    %logistic3A_32 = arith.negf %dot_general3A_10 : vector<2000x128xf32>
    %logistic3A_33 = math.exp %logistic3A_32 : vector<2000x128xf32>
    %logistic3A_34 = arith.constant 1.000000e+00 : f32
    %logistic3A_35 = vector.broadcast %logistic3A_34 : f32 to vector<2000x128xf32>
    %logistic3A_36 = arith.addf %logistic3A_35, %logistic3A_33 : vector<2000x128xf32>
    %logistic3A_37 = arith.divf %logistic3A_35, %logistic3A_36 : vector<2000x128xf32>
    %swap3A_38 = arith.constant 0 : index
    %swap3A_39 = arith.constant 0 : index
    %swap3A_40 = vector.load %arg7[%swap3A_38, %swap3A_39] : memref<2000x256xf32, #tpu.memory_space<vmem>>, vector<2000x128xf32>
    tpu.vector_store %arg7[%swap3A_38, %swap3A_39], %logistic3A_37 {strides = array<i32>} : memref<2000x256xf32, #tpu.memory_space<vmem>>, vector<2000x128xf32>,
    %swap3A_41 = arith.constant 0 : index
    %swap3A_42 = arith.constant 128 : index
    %swap3A_43 = vector.load %arg7[%swap3A_41, %swap3A_42] : memref<2000x256xf32, #tpu.memory_space<vmem>>, vector<2000x128xf32>
    tpu.vector_store %arg7[%swap3A_41, %swap3A_42], %tanh3A {strides = array<i32>} : memref<2000x256xf32, #tpu.memory_space<vmem>>, vector<2000x128xf32>,
    return
  }
  func.func @transform_0(%arg0: i32) -> (i32, i32) {
    %c0_i32 = arith.constant 0 : i32
    %c0_i32_0 = arith.constant 0 : i32
    return %arg0, %c0_i32 : i32, i32
  }
  func.func @transform_1(%arg0: i32) -> (i32, i32) {
    %c0_i32 = arith.constant 0 : i32
    %c0_i32_0 = arith.constant 0 : i32
    %c0_i32_1 = arith.constant 0 : i32
    return %c0_i32, %c0_i32_0 : i32, i32
  }
  func.func @transform_2(%arg0: i32) -> (i32, i32) {
    %c0_i32 = arith.constant 0 : i32
    %c0_i32_0 = arith.constant 0 : i32
    %c0_i32_1 = arith.constant 0 : i32
    return %c0_i32, %c0_i32_0 : i32, i32
  }
  func.func @transform_3(%arg0: i32) -> (i32, i32) {
    %c0_i32 = arith.constant 0 : i32
    %c0_i32_0 = arith.constant 0 : i32
    %c0_i32_1 = arith.constant 0 : i32
    return %c0_i32, %c0_i32_0 : i32, i32
  }
  func.func @transform_4(%arg0: i32) -> (i32, i32) {
    %c0_i32 = arith.constant 0 : i32
    %c0_i32_0 = arith.constant 0 : i32
    %c0_i32_1 = arith.constant 0 : i32
    return %c0_i32, %c0_i32_0 : i32, i32
  }
  func.func @transform_5(%arg0: i32) -> (i32, i32) {
    %c0_i32 = arith.constant 0 : i32
    %c0_i32_0 = arith.constant 0 : i32
    return %arg0, %c0_i32 : i32, i32
  }
  func.func @transform_6(%arg0: i32) -> (i32, i32) {
    %c0_i32 = arith.constant 0 : i32
    %c0_i32_0 = arith.constant 0 : i32
    return %arg0, %c0_i32 : i32, i32
  }
}

</mosaic_0001>

<sc_bundles>
// kernel: kernel.4.cloned.1.call-start
scs
__scs_entry_jumppad:
0x0: {  	(pc) =	sbr.rel $0x88, $3  }
0x1: {  	(tag) =	ssettag $0x0;
	lr =	simm.s32 $0x1  }
0x2: {  	[smem:$0x3F9B] =	sst lr;
	_ =	strace $0xD0000000  }
0x3: {  	_ = 	snop  }
0x4: {  	_ = 	snop  }
0x5: {  	_ = 	snop  }
0x6: {  	_ = 	snop  }
0x7: {  	_ = 	snop  }
__scs_overlays_trampoline_lowered:
0x8: {  	[smem:$0x3FAA] =	sst s0  }
0x9: {  	[smem:$0x3FAB] =	sst s1  }
0xa: {  	[smem:$0x3FAC] =	sst s2  }
0xb: {  	[smem:$0x3FAD] =	sst s3  }
0xc: {  	[smem:$0x3FAE] =	sst s4  }
0xd: {  	[smem:$0x3FAF] =	sst s5  }
0xe: {  	[smem:$0x3FB0] =	sst s6  }
0xf: {  	[smem:$0x3FB1] =	sst s7  }
0x10: {  	[smem:$0x3FB2] =	sst s8  }
0x11: {  	[smem:$0x3FB3] =	sst s9;
	s0 =	simm.s32 @!p0 $0x0  }
0x12: {  	s1 =	sld [smem:$0x3F99];
	s0 =	simm.s32 @p0 $0x1  }
0x13: {  	[smem:$0x3FB4] =	sst s0;
	s0 =	simm.s32 @!p1 $0x0  }
0x14: {  	s2 =	sld [smem:$0x3F98];
	s0 =	simm.s32 @p1 $0x1  }
0x15: {  	[smem:$0x3FB5] =	sst s0;
	s0 =	simm.s32 @!p2 $0x0  }
0x16: {  	s3 =	sld [smem:$0x3FDB];
	s0 =	simm.s32 @p2 $0x1  }
0x17: {  	s4 =	simm.s32 $0x1BF5;
	[smem:$0x3FB7] =	sst s0  }
0x18: {  	s0 =	sld [smem:$0x3F9A];
	_ =	swait.ge [sflag:s4], $0x0  }
0x19: {  	s7 =	sld [smem:$0x3F9B]  }
0x1a: {  	s8 =	sadd.s32 $0xFFFFE003, lr  }
0x1b: {  	s9 =	sadd.s32 $0xFFFFFEF7, lr;
	s5 =	simm.s32 $0xFFFFFFFF;
	p2 =	slt.u32 s8, $0xFFFFF086  }
0x1c: {  	p1 =	slt.u32 s9, $0xF7A;
	s5 =	simm.s32 @!p2 $0x0  }
0x1d: {  	s5 =	simm.s32 @p1 $0x1;
	p0 =	seq.s32 s7, s2  }
0x1e: {  	s7 =	smul.u32 @!p0 $0xF7A, s2;
	p2 =	seq.s32 @!p0 s5, $0x0  }
0x1f: {  	s9 =	smul.u32 $0xF7A, s1;
	s8 =	simm.s32 @!p0 $0x1BF5;
	p2 =	por !p2, p0  }
0x20: {  	[sflag:s8] =	ssyncset.s32 @!p0 $0xFFFFF086;
	s6 =	sadd.s32 @!p0 s3, s7;
	s7 =	simm.s32 @!p0 $0x108  }
0x21: {  	s3 =	sadd.s32 s3, s9;
	s6 =	sadd.s32 @!p0 $0x88, s6;
	s7 =	simm.s32 @p2 $0x1082  }
0x22: {  	[simem:s7], [sflag:s8] =	dma.local @!p0 [hbm:s6], $0xF7A  }
0x23: {  	s9 =	sor.u32 $0xD0000000, s2;
	s6 =	simm.s32 $0x108;
	_ =	swait.ge @!p0 [sflag:s8], $0x0  }
0x24: {  	s3 =	sadd.s32 $0x88, s3;
	s6 =	simm.s32 @!p1 $0x1082;
	[sflag:s4] =	ssyncset.s32 $0xFFFFF086  }
0x25: {  	[simem:s6], [sflag:s4] =	dma.local [hbm:s3], $0xF7A  }
0x26: {  	[smem:$0x3F9B] =	sst s1;
	(tag) =	ssettag s2;
	_ =	strace s9  }
0x27: {  	s1 =	sld [smem:$0x3FAB]  }
0x28: {  	s2 =	sld [smem:$0x3FAC]  }
0x29: {  	s4 =	sld [smem:$0x3FAE]  }
0x2a: {  	p0 =	seq.s32 s5, $0x0;
	s5 =	sld [smem:$0x3FAF]  }
0x2b: {  	s6 =	sld [smem:$0x3FB0]  }
0x2c: {  	s7 =	sld [smem:$0x3FB1]  }
0x2d: {  	s3 =	simm.s32 $0x108;
	s8 =	sld [smem:$0x3FB2]  }
0x2e: {  	s3 =	simm.s32 @!p0 $0x1082;
	s9 =	sld [smem:$0x3FB3]  }
0x2f: {  	lr =	sadd.s32 s0, s3;
	s0 =	sld [smem:$0x3FAA]  }
0x30: {  	s3 =	sld [smem:$0x3FAD]  }
0x31: {  	[smem:$0x3FB6] =	sst s10  }
0x32: {  	s10 =	sld [smem:$0x3FB4];
	_ =	sdelay $0x3  }
0x33: {  	p0 =	seq.s32 s10, $0x1;
	s10 =	sld [smem:$0x3FB6];
	_ =	sdelay $0x3  }
0x34: {  	[smem:$0x3FB6] =	sst s10  }
0x35: {  	s10 =	sld [smem:$0x3FB5];
	_ =	sdelay $0x3  }
0x36: {  	p1 =	seq.s32 s10, $0x1;
	s10 =	sld [smem:$0x3FB6];
	_ =	sdelay $0x3  }
0x37: {  	[smem:$0x3FB6] =	sst s10  }
0x38: {  	s10 =	sld [smem:$0x3FB7]  }
0x39: {  	_ = 	snop;
	(pc) =	sbr.ind lr, $3  }
0x3a: {  	_ = 	snop  }
0x3b: {  	_ = 	snop  }
0x3c: {  	p2 =	seq.s32 s10, $0x1;
	s10 =	sld [smem:$0x3FB6]  }
0x3d: {  	_ =	shalt  }
0x3e: {  	_ =	shalt  }
0x3f: {  	_ =	shalt  }
0x40: {  	_ =	shalt  }
0x41: {  	_ =	shalt  }
0x42: {  	_ =	shalt  }
0x43: {  	_ =	shalt  }
0x44: {  	_ =	shalt  }
0x45: {  	_ =	shalt  }
0x46: {  	_ =	shalt  }
0x47: {  	_ =	shalt  }
0x48: {  	_ =	shalt  }
0x49: {  	_ =	shalt  }
0x4a: {  	_ =	shalt  }
0x4b: {  	_ =	shalt  }
0x4c: {  	_ =	shalt  }
0x4d: {  	_ =	shalt  }
0x4e: {  	_ =	shalt  }
0x4f: {  	_ =	shalt  }
0x50: {  	_ =	shalt  }
0x51: {  	_ =	shalt  }
0x52: {  	_ =	shalt  }
0x53: {  	_ =	shalt  }
0x54: {  	_ =	shalt  }
0x55: {  	_ =	shalt  }
0x56: {  	_ =	shalt  }
0x57: {  	_ =	shalt  }
0x58: {  	_ =	shalt  }
0x59: {  	_ =	shalt  }
0x5a: {  	_ =	shalt  }
0x5b: {  	_ =	shalt  }
0x5c: {  	_ =	shalt  }
0x5d: {  	_ =	shalt  }
0x5e: {  	_ =	shalt  }
0x5f: {  	_ =	shalt  }
0x60: {  	_ =	shalt  }
0x61: {  	_ =	shalt  }
0x62: {  	_ =	shalt  }
0x63: {  	_ =	shalt  }
0x64: {  	_ =	shalt  }
0x65: {  	_ =	shalt  }
0x66: {  	_ =	shalt  }
0x67: {  	_ =	shalt  }
0x68: {  	_ =	shalt  }
0x69: {  	_ =	shalt  }
0x6a: {  	_ =	shalt  }
0x6b: {  	_ =	shalt  }
0x6c: {  	_ =	shalt  }
0x6d: {  	_ =	shalt  }
0x6e: {  	_ =	shalt  }
0x6f: {  	_ =	shalt  }
0x70: {  	_ =	shalt  }
0x71: {  	_ =	shalt  }
0x72: {  	_ =	shalt  }
0x73: {  	_ =	shalt  }
0x74: {  	_ =	shalt  }
0x75: {  	_ =	shalt  }
0x76: {  	_ =	shalt  }
0x77: {  	_ =	shalt  }
0x78: {  	_ =	shalt  }
0x79: {  	_ =	shalt  }
0x7a: {  	_ =	shalt  }
0x7b: {  	_ =	shalt  }
0x7c: {  	_ =	shalt  }
0x7d: {  	_ =	shalt  }
0x7e: {  	_ =	shalt  }
0x7f: {  	_ =	shalt  }
0x80: {  	_ =	shalt  }
0x81: {  	_ =	shalt  }
0x82: {  	_ =	shalt  }
0x83: {  	_ =	shalt  }
0x84: {  	_ =	shalt  }
0x85: {  	_ =	shalt  }
0x86: {  	_ =	shalt  }
0x87: {  	_ =	shalt  }
.Lfunc_end0:
.L_simem_size_0:
called_computation_lowered:
.L_overlay_start_0:
0x88: {  	s2 =	sld [smem:$0x3FD9]  }
0x89: {  	s3 =	sld [smem:$0x3FFE];
	_ =	sdelay $0x1  }
0x8a: {  	s1 =	srdreg.scid  }
0x8b: {  	s0 =	sand.u32 $0x1, s1  }
0x8c: {  	s17 =	sshll.u32 s0, $0xA;
	s2 =	sadd.s32 s3, s2  }
0x8d: {  	s2 =	sadd.s32 s2, s17  }
0x8e: {  	[smem:$0x3FC2] =	sst s2  }
0x8f: {  	_ = 	snop  }
0x90: {  	s2 =	sld [smem:$0x3FD0];
	(tm) =	ssettm $0x1  }
0x91: {  	s18 =	sld [smem:$0x3FFB];
	_ =	sdelay $0x3  }
0x92: {  	_ =	strace s18  }
0x93: {  	s3 =	sld [smem:$0x3FFC];
	_ =	sdelay $0x3  }
0x94: {  	_ =	strace s3  }
0x95: {  	s3 =	sld [smem:$0x3FFD];
	_ =	sdelay $0x3  }
0x96: {  	_ =	strace s3  }
0x97: {  	_ =	strace $0x8FFFFFFF  }
0x98: {  	s19 =	sld [smem:$0x3FDB];
	_ =	sdelay $0x1  }
0x99: {  	s4 =	simm.s32 $_scs_section_size  }
0x9a: {  	s5 =	simm.s32 $_size__tile_overlayer_lowered;
	s6 =	simm.s32 $_tile_overlayer_lowered  }
0x9b: {  	s22 =	simm.s32 $0x1BFF;
	s21 =	sshll.u32 s6, $0x1;
	s3 =	sadd.s32 s4, s19  }
0x9c: {  	s7 =	simm.s32 $0x0;
	s20 =	sshll.u32 s5, $0x1;
	s5 =	sadd.s32 s21, s3  }
0x9d: {  	[timem:s7], [sflag:s22] =	dma.local [hbm:s5], s20  }
0x9e: {  	_ =	swait.ge [sflag:s22], s20  }
0x9f: {  	s4 =	ssub.s32 $0x0, s20;
	[sflag:s22] =	ssyncset.done $0x0  }
0xa0: {  	[sflag:s22] =	ssyncadd.s32 s4;
	_ =	sdelay $0x1  }
0xa1: {  	s23 =	simm.s32 $0x1B8B  }
0xa2: {  	_ =	swait.ge [sflag:s23], $0x1  }
0xa3: {  	[sflag:s23] =	ssyncset.done $0x0  }
0xa4: {  	s25 =	simm.s32 $0x1B8E;
	s24 =	sld [smem:$0x3FFE];
	[sflag:s23] =	ssyncadd.s32 $0xFFFFFFFF  }
0xa5: {  	s26 =	simm.s32 $execute0_lowered;
	[smem:$0x3FD2] =	sst s25  }
0xa6: {  	s5 =	sshll.u32 s26, $0x1;
	_ =	strace $0x80000046;
	[dreg:$0x1] =	wrdreg $0xFFFFFFFF  }
0xa7: {  	s28 =	simm.s32 $_size_execute0_lowered;
	s3 =	sadd.s32 s3, s5;
	[dreg:$0x0] =	wrdreg $0x0  }
0xa8: {  	s5 =	sshll.u32 s28, $0x1;
	[dreg:$0x2] =	wrdreg s3  }
0xa9: {  	[dreg:$0x3] =	wrdreg s5  }
0xaa: {  	[dreg:$0x4] =	wrdreg $0xC0  }
0xab: {  	_ =	task [dreg:s7], $0x5FFFF  }
0xac: {  	[dreg:$0x1] =	wrdreg $0xFFFFFFFF  }
0xad: {  	[dreg:$0x0] =	wrdreg $0x60  }
0xae: {  	[dreg:$0x2] =	wrdreg s24  }
0xaf: {  	[dreg:$0x3] =	wrdreg s2  }
0xb0: {  	[dreg:$0x4] =	wrdreg $0x9  }
0xb1: {  	_ =	task.clear_ibuf [dreg:s7], $0x5FFFF;
	_ =	strace $0x90000046  }
0xb2: {  	s29 =	simm.s32 $0x9;
	_ =	strace $0x80000048  }
0xb3: {  	_ =	swait.ge [sflag:s29], $0x1  }
0xb4: {  	[sflag:s29] =	ssyncadd.s32 $0xFFFFFFFF  }
0xb5: {  	_ =	strace $0x90000048  }
0xb6: {  	_ =	sfence  }
0xb7: {  	s30 =	sld [smem:$0x0];
	_ =	sdelay $0x2  }
0xb8: {  	s31 =	sshll.u32 s1, $0xD;
	s1 =	sshrl.u32 s1, $0x2  }
0xb9: {  	s3 =	sand.u32 $0x4000, s31;
	s1 =	sadd.s32 s1, s30  }
0xba: {  	s0 =	sor.u32 s3, s0;
	s1 =	sshll.u32 s1, $0x11  }
0xbb: {  	s0 =	sor.u32 s1, s0  }
0xbc: {  	s0 =	sadd.s32 $0x8F2B, s0  }
0xbd: {  	[sflag:s0] =	ssyncadd.remote.s32 $0x1  }
0xbe: {  	_ =	sfence.sel $0xFFFF  }
0xbf: {  	[dreg:$0x0] =	wrdreg $0xFFFFFFFF;
	(pc) =	sbr.abs _section_cstart, $3  }
0xc0: {  	[dreg:$0x1] =	wrdreg $0xFFFFFFFF  }
0xc1: {  	_ =	task.clear_ibuf [dreg:s7], $0x2FFFF;
	_ =	strace $0x9FFFFFFF  }
0xc2: {  	(tm) =	ssettm $0x7FFFFFFF  }
0xc3: {  	_ =	shalt  }
tec
execute0_lowered:
.L_overlay_start_1:
0x0: {  	(tag) =	ssettag $0x1  }
0x1: {  	s0 =	rddreg [dreg:$0x0]  }
0x2: {  	s1 =	rddreg [dreg:$0x1];
	s2 =	srdreg.scid;
	s3 =	simm.s32 $0x0  }
0x3: {  	s5 =	stileid.u32;
	s30 =	simm.s32 $0x11F00;
	s2 =	sand.u32 $0x1, s2  }
0x4: {  	s31 =	simm.s32 $0x12700;
	s10 =	simm.s32 $0x2;
	s4 =	sshll.u32 s2, $0x4  }
0x5: {  	s11 =	simm.s32 $0x0;
	[smem:$0x7FF] =	sst s3;
	s6 =	sor.u32 s5, s4  }
0x6: {  	_ =	strace $0x80000047;
	s2 =	ssub.s32 $0x2, s2;
	s4 =	smul.u32 $0x2710, s6  }
0x7: {  	s5 =	sadd.s32 $0x62800, s0;
	s9 =	sshrl.u32 s2, $0x1;
	s7 =	smul.u32 $0x138800, s6  }
0x8: {  	s6 =	sadd.s32 $0x14600, s0;
	s2 =	ssub.s32 s2, s9;
	s8 =	sshrl.u32 s4, $0x3  }
0x9: {  	s9 =	simm.s32 $0x18F00;
	s29 =	smax.u32 s2, $0x1;
	s0 =	sadd.s32 s8, s0  }
0xa: {  	s7 =	sshrl.u32 s7, $0x3;
	[dreg:$0x6] =	wrdreg s29;
	s8 =	sadd.s32 $0xA800, s0  }
0xb: {  	v2 =	vlaneseq.u32;
	s28 =	sadd.s32 s1, s7;
	s0 =	sadd.s32 $0xA00, s0;
	[dreg:$0x3] =	wrdreg s8  }
0xc: {  	vm0 =	vmmov $0xffff;
	v1 =	vshrl.u32 v2, $0x3;
	s2 =	simm.s32 $0x13700;
	[dreg:$0x4] =	wrdreg s0;
	s0 =	sadd.s32 $0x26C00, s28  }
0xd: {  	v0 =	vand.u32 $0x7, v2;
	v2 =	vor.u32 $0x8, v2;
	v1 =	vmul.u32 $0x8, v1;
	s8 =	simm.s32 $0x1;
	[dreg:$0x5] =	wrdreg s0;
	s0 =	simm.s32 $0x12F00  }
.LBB2_1:
0xe: {  	[dreg:$0x7] =	wrdreg s11  }
0xf: {  	s7 =	rddreg [dreg:$0x3];
	s28 =	simm.s32 $0x5  }
0x10: {  	[tilespmem:s3], [sflag:$0x5] =	stream.linear.gather [hbm4b:s7+s3], $0x2710, $0x38;
	[tilespmem:$0x1DF00] =	vst v63  }
0x11: {  	_ =	swait.ge [sflag:s28], $0x2710  }
0x12: {  	[sflag:s28] =	ssyncset.done $0x0  }
0x13: {  	s12 =	simm.s32 $0x2780;
	s29 =	rddreg [dreg:$0x4];
	[sflag:s28] =	ssyncadd.s32 $0xFFFFD8F0  }
0x14: {  	[tilespmem:s12], [sflag:$0x5] =	stream.linear.gather [hbm4b:s29+s3], $0x2710, $0x38;
	[tilespmem:$0x1DF00] =	vst v63  }
0x15: {  	_ =	swait.ge [sflag:s28], $0x2710  }
0x16: {  	[sflag:s28] =	ssyncset.done $0x0  }
0x17: {  	[sflag:s28] =	ssyncadd.s32 $0xFFFFD8F0  }
0x18: {  	v3 =	vld [tilespmem:$0x0];
	_ =	sdelay $0x4  }
0x19: {  	v4 =	vshll.u32 v3, $0x1  }
0x1a: {  	v3 =	vand.u32 $0x7, v3;
	v4 =	vand.u32 $0xFFFFFFF0, v4  }
0x1b: {  	v3 =	vor.u32 v3, v4  }
0x1c: {  	v4 =	vperm.xlane v3, v0;
	_ =	sdelay $0x1  }
0x1d: {  	v3 =	vperm.xlane v3, v2;
	v4 =	vadd.s32 v1, v4;
	_ =	sdelay $0x1  }
0x1e: {  	v3 =	vadd.s32 v1, v3;
	_ =	sdelay $0x1  }
0x1f: {  	s13 =	simm.s32 $0x4F00  }
0x20: {  	[tilespmem:s13], [sflag:$0x1] =	stream.indirect_vreg.gather [hbm4b:s5+s3], $0x80, v4, vm0, $0xb8;
	[tilespmem:$0x1DF00] =	vst v63  }
0x21: {  	s14 =	simm.s32 $0x5700  }
0x22: {  	[tilespmem:s14], [sflag:$0x1] =	stream.indirect_vreg.gather [hbm4b:s5+s3], $0x80, v3, vm0, $0xb8;
	[tilespmem:$0x1DF00] =	vst v63  }
0x23: {  	v3 =	vld [tilespmem:$0x10];
	_ =	sdelay $0x4  }
0x24: {  	v55 =	vshll.u32 v3, $0x1  }
0x25: {  	v3 =	vand.u32 $0x7, v3;
	v4 =	vand.u32 $0xFFFFFFF0, v55  }
0x26: {  	v3 =	vor.u32 v3, v4  }
0x27: {  	v4 =	vperm.xlane v3, v0;
	_ =	sdelay $0x1  }
0x28: {  	v3 =	vperm.xlane v3, v2;
	v4 =	vadd.s32 v1, v4;
	_ =	sdelay $0x1  }
0x29: {  	v3 =	vadd.s32 v1, v3;
	_ =	sdelay $0x1  }
0x2a: {  	s15 =	simm.s32 $0x5F00  }
0x2b: {  	[tilespmem:s15], [sflag:$0x1] =	stream.indirect_vreg.gather [hbm4b:s5+s3], $0x80, v4, vm0, $0xb8;
	[tilespmem:$0x1DF00] =	vst v63  }
0x2c: {  	s16 =	simm.s32 $0x6700  }
0x2d: {  	[tilespmem:s16], [sflag:$0x1] =	stream.indirect_vreg.gather [hbm4b:s5+s3], $0x80, v3, vm0, $0xb8;
	[tilespmem:$0x1DF00] =	vst v63  }
0x2e: {  	v3 =	vld [tilespmem:$0x20];
	_ =	sdelay $0x4  }
0x2f: {  	v56 =	vshll.u32 v3, $0x1  }
0x30: {  	v3 =	vand.u32 $0x7, v3;
	v4 =	vand.u32 $0xFFFFFFF0, v56  }
0x31: {  	v3 =	vor.u32 v3, v4  }
0x32: {  	v4 =	vperm.xlane v3, v0;
	_ =	sdelay $0x1  }
0x33: {  	v3 =	vperm.xlane v3, v2;
	v4 =	vadd.s32 v1, v4;
	_ =	sdelay $0x1  }
0x34: {  	v3 =	vadd.s32 v1, v3;
	_ =	sdelay $0x1  }
0x35: {  	s17 =	simm.s32 $0x6F00  }
0x36: {  	[tilespmem:s17], [sflag:$0x1] =	stream.indirect_vreg.gather [hbm4b:s5+s3], $0x80, v4, vm0, $0xb8;
	[tilespmem:$0x1DF00] =	vst v63  }
0x37: {  	s18 =	simm.s32 $0x7700  }
0x38: {  	[tilespmem:s18], [sflag:$0x1] =	stream.indirect_vreg.gather [hbm4b:s5+s3], $0x80, v3, vm0, $0xb8;
	[tilespmem:$0x1DF00] =	vst v63  }
0x39: {  	v3 =	vld [tilespmem:$0x30];
	_ =	sdelay $0x4  }
0x3a: {  	v57 =	vshll.u32 v3, $0x1  }
0x3b: {  	v3 =	vand.u32 $0x7, v3;
	v4 =	vand.u32 $0xFFFFFFF0, v57  }
0x3c: {  	v3 =	vor.u32 v3, v4  }
0x3d: {  	v4 =	vperm.xlane v3, v0;
	_ =	sdelay $0x1  }
0x3e: {  	v3 =	vperm.xlane v3, v2;
	v4 =	vadd.s32 v1, v4;
	_ =	sdelay $0x1  }
0x3f: {  	v3 =	vadd.s32 v1, v3;
	_ =	sdelay $0x1  }
0x40: {  	s19 =	simm.s32 $0x7F00  }
0x41: {  	[tilespmem:s19], [sflag:$0x1] =	stream.indirect_vreg.gather [hbm4b:s5+s3], $0x80, v4, vm0, $0xb8;
	[tilespmem:$0x1DF00] =	vst v63  }
0x42: {  	s20 =	simm.s32 $0x8700  }
0x43: {  	[tilespmem:s20], [sflag:$0x1] =	stream.indirect_vreg.gather [hbm4b:s5+s3], $0x80, v3, vm0, $0xb8;
	[tilespmem:$0x1DF00] =	vst v63  }
0x44: {  	v3 =	vld [tilespmem:$0x40];
	_ =	sdelay $0x4  }
0x45: {  	v58 =	vshll.u32 v3, $0x1  }
0x46: {  	v3 =	vand.u32 $0x7, v3;
	v4 =	vand.u32 $0xFFFFFFF0, v58  }
0x47: {  	v3 =	vor.u32 v3, v4  }
0x48: {  	v4 =	vperm.xlane v3, v0;
	_ =	sdelay $0x1  }
0x49: {  	v3 =	vperm.xlane v3, v2;
	v4 =	vadd.s32 v1, v4;
	_ =	sdelay $0x1  }
0x4a: {  	v3 =	vadd.s32 v1, v3;
	_ =	sdelay $0x1  }
0x4b: {  	s21 =	simm.s32 $0x8F00  }
0x4c: {  	[tilespmem:s21], [sflag:$0x1] =	stream.indirect_vreg.gather [hbm4b:s5+s3], $0x80, v4, vm0, $0xb8;
	[tilespmem:$0x1DF00] =	vst v63  }
0x4d: {  	s22 =	simm.s32 $0x9700  }
0x4e: {  	[tilespmem:s22], [sflag:$0x1] =	stream.indirect_vreg.gather [hbm4b:s5+s3], $0x80, v3, vm0, $0xb8;
	[tilespmem:$0x1DF00] =	vst v63  }
0x4f: {  	v3 =	vld [tilespmem:$0x2780];
	_ =	sdelay $0x4  }
0x50: {  	v59 =	vshll.u32 v3, $0x1  }
0x51: {  	v3 =	vand.u32 $0x7, v3;
	v4 =	vand.u32 $0xFFFFFFF0, v59  }
0x52: {  	v3 =	vor.u32 v3, v4  }
0x53: {  	v4 =	vperm.xlane v3, v0;
	_ =	sdelay $0x1  }
0x54: {  	v3 =	vperm.xlane v3, v2;
	v4 =	vadd.s32 v1, v4;
	_ =	sdelay $0x1  }
0x55: {  	v3 =	vadd.s32 v1, v3;
	_ =	sdelay $0x1  }
0x56: {  	s23 =	simm.s32 $0xEF00  }
0x57: {  	[tilespmem:s23], [sflag:$0x1] =	stream.indirect_vreg.gather [hbm4b:s6+s3], $0x80, v4, vm0, $0xb8;
	[tilespmem:$0x1DF00] =	vst v63  }
0x58: {  	s24 =	simm.s32 $0xF700  }
0x59: {  	[tilespmem:s24], [sflag:$0x1] =	stream.indirect_vreg.gather [hbm4b:s6+s3], $0x80, v3, vm0, $0xb8;
	[tilespmem:$0x1DF00] =	vst v63  }
0x5a: {  	v3 =	vld [tilespmem:$0x2790];
	_ =	sdelay $0x4  }
0x5b: {  	v60 =	vshll.u32 v3, $0x1  }
0x5c: {  	v3 =	vand.u32 $0x7, v3;
	v4 =	vand.u32 $0xFFFFFFF0, v60  }
0x5d: {  	v3 =	vor.u32 v3, v4  }
0x5e: {  	v4 =	vperm.xlane v3, v0;
	_ =	sdelay $0x1  }
0x5f: {  	v3 =	vperm.xlane v3, v2;
	v4 =	vadd.s32 v1, v4;
	_ =	sdelay $0x1  }
0x60: {  	v3 =	vadd.s32 v1, v3;
	_ =	sdelay $0x1  }
0x61: {  	s25 =	simm.s32 $0xFF00  }
0x62: {  	[tilespmem:s25], [sflag:$0x1] =	stream.indirect_vreg.gather [hbm4b:s6+s3], $0x80, v4, vm0, $0xb8;
	[tilespmem:$0x1DF00] =	vst v63  }
0x63: {  	s26 =	simm.s32 $0x10700  }
0x64: {  	[tilespmem:s26], [sflag:$0x1] =	stream.indirect_vreg.gather [hbm4b:s6+s3], $0x80, v3, vm0, $0xb8;
	[tilespmem:$0x1DF00] =	vst v63  }
0x65: {  	v3 =	vld [tilespmem:$0x27A0];
	_ =	sdelay $0x4  }
0x66: {  	v61 =	vshll.u32 v3, $0x1  }
0x67: {  	v3 =	vand.u32 $0x7, v3;
	v4 =	vand.u32 $0xFFFFFFF0, v61  }
0x68: {  	v3 =	vor.u32 v3, v4  }
0x69: {  	v4 =	vperm.xlane v3, v0;
	_ =	sdelay $0x1  }
0x6a: {  	v3 =	vperm.xlane v3, v2;
	v4 =	vadd.s32 v1, v4;
	_ =	sdelay $0x1  }
0x6b: {  	v3 =	vadd.s32 v1, v3;
	_ =	sdelay $0x1  }
0x6c: {  	s28 =	simm.s32 $0x10F00  }
0x6d: {  	[tilespmem:s28], [sflag:$0x1] =	stream.indirect_vreg.gather [hbm4b:s6+s3], $0x80, v4, vm0, $0xb8;
	[tilespmem:$0x1DF00] =	vst v63  }
0x6e: {  	s29 =	simm.s32 $0x11700  }
0x6f: {  	[tilespmem:s29], [sflag:$0x1] =	stream.indirect_vreg.gather [hbm4b:s6+s3], $0x80, v3, vm0, $0xb8;
	[tilespmem:$0x1DF00] =	vst v63  }
0x70: {  	v3 =	vld [tilespmem:$0x27B0];
	_ =	sdelay $0x4  }
0x71: {  	v62 =	vshll.u32 v3, $0x1  }
0x72: {  	v3 =	vand.u32 $0x7, v3;
	v4 =	vand.u32 $0xFFFFFFF0, v62  }
0x73: {  	v3 =	vor.u32 v3, v4  }
0x74: {  	v4 =	vperm.xlane v3, v0;
	_ =	sdelay $0x1  }
0x75: {  	v3 =	vperm.xlane v3, v2;
	v4 =	vadd.s32 v1, v4;
	_ =	sdelay $0x1  }
0x76: {  	v3 =	vadd.s32 v1, v3;
	_ =	sdelay $0x2  }
0x77: {  	[tilespmem:s30], [sflag:$0x1] =	stream.indirect_vreg.gather [hbm4b:s6+s3], $0x80, v4, vm0, $0xb8;
	[tilespmem:$0x1DF00] =	vst v63  }
0x78: {  	_ = 	snop  }
0x79: {  	[tilespmem:s31], [sflag:$0x1] =	stream.indirect_vreg.gather [hbm4b:s6+s3], $0x80, v3, vm0, $0xb8;
	[tilespmem:$0x1DF00] =	vst v63  }
0x7a: {  	v3 =	vld [tilespmem:$0x27C0];
	_ =	sdelay $0x4  }
0x7b: {  	v63 =	vshll.u32 v3, $0x1  }
0x7c: {  	v3 =	vand.u32 $0x7, v3;
	v4 =	vand.u32 $0xFFFFFFF0, v63  }
0x7d: {  	v3 =	vor.u32 v3, v4  }
0x7e: {  	v4 =	vperm.xlane v3, v0;
	_ =	sdelay $0x1  }
0x7f: {  	v3 =	vperm.xlane v3, v2;
	v4 =	vadd.s32 v1, v4;
	_ =	sdelay $0x1  }
0x80: {  	v3 =	vadd.s32 v1, v3;
	_ =	sdelay $0x2  }
0x81: {  	[tilespmem:s0], [sflag:$0x1] =	stream.indirect_vreg.gather [hbm4b:s6+s3], $0x80, v4, vm0, $0xb8;
	[tilespmem:$0x1DF00] =	vst v63  }
0x82: {  	s12 =	simm.s32 $0x0  }
0x83: {  	[tilespmem:s2], [sflag:$0x1] =	stream.indirect_vreg.gather [hbm4b:s6+s3], $0x80, v3, vm0, $0xb8;
	[tilespmem:$0x1DF00] =	vst v63  }
.LBB2_2:
0x84: {  	s11 =	smul.u32 $0xA0, s12;
	_ =	sdelay $0x1  }
0x85: {  	v3 =	vld [tilespmem:s11+$0x50];
	_ =	sdelay $0x4  }
0x86: {  	v4 =	vshll.u32 v3, $0x1  }
0x87: {  	v3 =	vand.u32 $0x7, v3;
	v4 =	vand.u32 $0xFFFFFFF0, v4  }
0x88: {  	v3 =	vor.u32 v3, v4  }
0x89: {  	v4 =	vperm.xlane v3, v0;
	_ =	sdelay $0x1  }
0x8a: {  	v3 =	vperm.xlane v3, v2;
	v4 =	vadd.s32 v1, v4;
	_ =	sdelay $0x1  }
0x8b: {  	v3 =	vadd.s32 v1, v3;
	_ =	sdelay $0x1  }
0x8c: {  	s7 =	simm.s32 $0x9F00  }
0x8d: {  	[tilespmem:s7], [sflag:$0x2] =	stream.indirect_vreg.gather [hbm4b:s5+s3], $0x80, v4, vm0, $0xb8;
	[tilespmem:$0x1DF00] =	vst v63  }
0x8e: {  	s22 =	simm.s32 $0xA700  }
0x8f: {  	[tilespmem:s22], [sflag:$0x2] =	stream.indirect_vreg.gather [hbm4b:s5+s3], $0x80, v3, vm0, $0xb8;
	[tilespmem:$0x1DF00] =	vst v63  }
0x90: {  	v3 =	vld [tilespmem:s11+$0x60];
	_ =	sdelay $0x4  }
0x91: {  	v4 =	vshll.u32 v3, $0x1  }
0x92: {  	v3 =	vand.u32 $0x7, v3;
	v4 =	vand.u32 $0xFFFFFFF0, v4  }
0x93: {  	v3 =	vor.u32 v3, v4  }
0x94: {  	v4 =	vperm.xlane v3, v0;
	_ =	sdelay $0x1  }
0x95: {  	v3 =	vperm.xlane v3, v2;
	v4 =	vadd.s32 v1, v4;
	_ =	sdelay $0x1  }
0x96: {  	v3 =	vadd.s32 v1, v3;
	_ =	sdelay $0x1  }
0x97: {  	s23 =	simm.s32 $0xAF00  }
0x98: {  	[tilespmem:s23], [sflag:$0x2] =	stream.indirect_vreg.gather [hbm4b:s5+s3], $0x80, v4, vm0, $0xb8;
	[tilespmem:$0x1DF00] =	vst v63  }
0x99: {  	s24 =	simm.s32 $0xB700  }
0x9a: {  	[tilespmem:s24], [sflag:$0x2] =	stream.indirect_vreg.gather [hbm4b:s5+s3], $0x80, v3, vm0, $0xb8;
	[tilespmem:$0x1DF00] =	vst v63  }
0x9b: {  	v3 =	vld [tilespmem:s11+$0x70];
	_ =	sdelay $0x4  }
0x9c: {  	v4 =	vshll.u32 v3, $0x1  }
0x9d: {  	v3 =	vand.u32 $0x7, v3;
	v4 =	vand.u32 $0xFFFFFFF0, v4  }
0x9e: {  	v3 =	vor.u32 v3, v4  }
0x9f: {  	v4 =	vperm.xlane v3, v0;
	_ =	sdelay $0x1  }
0xa0: {  	v3 =	vperm.xlane v3, v2;
	v4 =	vadd.s32 v1, v4;
	_ =	sdelay $0x1  }
0xa1: {  	v3 =	vadd.s32 v1, v3;
	_ =	sdelay $0x1  }
0xa2: {  	s25 =	simm.s32 $0xBF00  }
0xa3: {  	[tilespmem:s25], [sflag:$0x2] =	stream.indirect_vreg.gather [hbm4b:s5+s3], $0x80, v4, vm0, $0xb8;
	[tilespmem:$0x1DF00] =	vst v63  }
0xa4: {  	s26 =	simm.s32 $0xC700  }
0xa5: {  	[tilespmem:s26], [sflag:$0x2] =	stream.indirect_vreg.gather [hbm4b:s5+s3], $0x80, v3, vm0, $0xb8;
	[tilespmem:$0x1DF00] =	vst v63  }
0xa6: {  	v3 =	vld [tilespmem:s11+$0x80];
	_ =	sdelay $0x4  }
0xa7: {  	v4 =	vshll.u32 v3, $0x1  }
0xa8: {  	v3 =	vand.u32 $0x7, v3;
	v4 =	vand.u32 $0xFFFFFFF0, v4  }
0xa9: {  	v3 =	vor.u32 v3, v4  }
0xaa: {  	v4 =	vperm.xlane v3, v0;
	_ =	sdelay $0x1  }
0xab: {  	v3 =	vperm.xlane v3, v2;
	v4 =	vadd.s32 v1, v4;
	_ =	sdelay $0x1  }
0xac: {  	v3 =	vadd.s32 v1, v3;
	_ =	sdelay $0x1  }
0xad: {  	s28 =	simm.s32 $0xCF00  }
0xae: {  	[tilespmem:s28], [sflag:$0x2] =	stream.indirect_vreg.gather [hbm4b:s5+s3], $0x80, v4, vm0, $0xb8;
	[tilespmem:$0x1DF00] =	vst v63  }
0xaf: {  	s29 =	simm.s32 $0xD700  }
0xb0: {  	[tilespmem:s29], [sflag:$0x2] =	stream.indirect_vreg.gather [hbm4b:s5+s3], $0x80, v3, vm0, $0xb8;
	[tilespmem:$0x1DF00] =	vst v63  }
0xb1: {  	v3 =	vld [tilespmem:s11+$0x90];
	_ =	sdelay $0x4  }
0xb2: {  	v4 =	vshll.u32 v3, $0x1  }
0xb3: {  	v3 =	vand.u32 $0x7, v3;
	v4 =	vand.u32 $0xFFFFFFF0, v4  }
0xb4: {  	v3 =	vor.u32 v3, v4  }
0xb5: {  	v4 =	vperm.xlane v3, v0;
	_ =	sdelay $0x1  }
0xb6: {  	v3 =	vperm.xlane v3, v2;
	v4 =	vadd.s32 v1, v4;
	_ =	sdelay $0x1  }
0xb7: {  	v3 =	vadd.s32 v1, v3;
	_ =	sdelay $0x1  }
0xb8: {  	s13 =	simm.s32 $0xDF00  }
0xb9: {  	[tilespmem:s13], [sflag:$0x2] =	stream.indirect_vreg.gather [hbm4b:s5+s3], $0x80, v4, vm0, $0xb8;
	[tilespmem:$0x1DF00] =	vst v63  }
0xba: {  	s14 =	simm.s32 $0xE700  }
0xbb: {  	[tilespmem:s14], [sflag:$0x2] =	stream.indirect_vreg.gather [hbm4b:s5+s3], $0x80, v3, vm0, $0xb8;
	[tilespmem:$0x1DF00] =	vst v63  }
0xbc: {  	v3 =	vld [tilespmem:s11+$0x27D0];
	_ =	sdelay $0x4  }
0xbd: {  	v4 =	vshll.u32 v3, $0x1  }
0xbe: {  	v3 =	vand.u32 $0x7, v3;
	v4 =	vand.u32 $0xFFFFFFF0, v4  }
0xbf: {  	v3 =	vor.u32 v3, v4  }
0xc0: {  	v4 =	vperm.xlane v3, v0;
	_ =	sdelay $0x1  }
0xc1: {  	v3 =	vperm.xlane v3, v2;
	v4 =	vadd.s32 v1, v4;
	_ =	sdelay $0x1  }
0xc2: {  	v3 =	vadd.s32 v1, v3;
	_ =	sdelay $0x1  }
0xc3: {  	s15 =	simm.s32 $0x13F00  }
0xc4: {  	[tilespmem:s15], [sflag:$0x2] =	stream.indirect_vreg.gather [hbm4b:s6+s3], $0x80, v4, vm0, $0xb8;
	[tilespmem:$0x1DF00] =	vst v63  }
0xc5: {  	s16 =	simm.s32 $0x14700  }
0xc6: {  	[tilespmem:s16], [sflag:$0x2] =	stream.indirect_vreg.gather [hbm4b:s6+s3], $0x80, v3, vm0, $0xb8;
	[tilespmem:$0x1DF00] =	vst v63  }
0xc7: {  	v3 =	vld [tilespmem:s11+$0x27E0];
	_ =	sdelay $0x4  }
0xc8: {  	v4 =	vshll.u32 v3, $0x1  }
0xc9: {  	v3 =	vand.u32 $0x7, v3;
	v4 =	vand.u32 $0xFFFFFFF0, v4  }
0xca: {  	v3 =	vor.u32 v3, v4  }
0xcb: {  	v4 =	vperm.xlane v3, v0;
	_ =	sdelay $0x1  }
0xcc: {  	v3 =	vperm.xlane v3, v2;
	v4 =	vadd.s32 v1, v4;
	_ =	sdelay $0x1  }
0xcd: {  	v3 =	vadd.s32 v1, v3;
	_ =	sdelay $0x1  }
0xce: {  	s17 =	simm.s32 $0x14F00  }
0xcf: {  	[tilespmem:s17], [sflag:$0x2] =	stream.indirect_vreg.gather [hbm4b:s6+s3], $0x80, v4, vm0, $0xb8;
	[tilespmem:$0x1DF00] =	vst v63  }
0xd0: {  	s18 =	simm.s32 $0x15700  }
0xd1: {  	[tilespmem:s18], [sflag:$0x2] =	stream.indirect_vreg.gather [hbm4b:s6+s3], $0x80, v3, vm0, $0xb8;
	[tilespmem:$0x1DF00] =	vst v63  }
0xd2: {  	v3 =	vld [tilespmem:s11+$0x27F0];
	_ =	sdelay $0x4  }
0xd3: {  	v4 =	vshll.u32 v3, $0x1  }
0xd4: {  	v3 =	vand.u32 $0x7, v3;
	v4 =	vand.u32 $0xFFFFFFF0, v4  }
0xd5: {  	v3 =	vor.u32 v3, v4  }
0xd6: {  	v4 =	vperm.xlane v3, v0;
	_ =	sdelay $0x1  }
0xd7: {  	v3 =	vperm.xlane v3, v2;
	v4 =	vadd.s32 v1, v4;
	_ =	sdelay $0x1  }
0xd8: {  	v3 =	vadd.s32 v1, v3;
	_ =	sdelay $0x1  }
0xd9: {  	s19 =	simm.s32 $0x15F00  }
0xda: {  	[tilespmem:s19], [sflag:$0x2] =	stream.indirect_vreg.gather [hbm4b:s6+s3], $0x80, v4, vm0, $0xb8;
	[tilespmem:$0x1DF00] =	vst v63  }
0xdb: {  	s20 =	simm.s32 $0x16700  }
0xdc: {  	[tilespmem:s20], [sflag:$0x2] =	stream.indirect_vreg.gather [hbm4b:s6+s3], $0x80, v3, vm0, $0xb8;
	[tilespmem:$0x1DF00] =	vst v63  }
0xdd: {  	v3 =	vld [tilespmem:s11+$0x2800];
	_ =	sdelay $0x4  }
0xde: {  	v4 =	vshll.u32 v3, $0x1  }
0xdf: {  	v3 =	vand.u32 $0x7, v3;
	v4 =	vand.u32 $0xFFFFFFF0, v4  }
0xe0: {  	v3 =	vor.u32 v3, v4  }
0xe1: {  	v4 =	vperm.xlane v3, v0;
	_ =	sdelay $0x1  }
0xe2: {  	v3 =	vperm.xlane v3, v2;
	v4 =	vadd.s32 v1, v4;
	_ =	sdelay $0x1  }
0xe3: {  	v3 =	vadd.s32 v1, v3;
	_ =	sdelay $0x1  }
0xe4: {  	s21 =	simm.s32 $0x16F00  }
0xe5: {  	[tilespmem:s21], [sflag:$0x2] =	stream.indirect_vreg.gather [hbm4b:s6+s3], $0x80, v4, vm0, $0xb8;
	[tilespmem:$0x1DF00] =	vst v63  }
0xe6: {  	s22 =	simm.s32 $0x17700  }
0xe7: {  	[tilespmem:s22], [sflag:$0x2] =	stream.indirect_vreg.gather [hbm4b:s6+s3], $0x80, v3, vm0, $0xb8;
	[tilespmem:$0x1DF00] =	vst v63  }
0xe8: {  	v3 =	vld [tilespmem:s11+$0x2810];
	_ =	sdelay $0x4  }
0xe9: {  	v4 =	vshll.u32 v3, $0x1  }
0xea: {  	v3 =	vand.u32 $0x7, v3;
	v4 =	vand.u32 $0xFFFFFFF0, v4  }
0xeb: {  	v3 =	vor.u32 v3, v4  }
0xec: {  	v4 =	vperm.xlane v3, v0;
	_ =	sdelay $0x1  }
0xed: {  	v3 =	vperm.xlane v3, v2;
	v4 =	vadd.s32 v1, v4;
	_ =	sdelay $0x1  }
0xee: {  	v3 =	vadd.s32 v1, v3;
	_ =	sdelay $0x1  }
0xef: {  	s23 =	simm.s32 $0x17F00  }
0xf0: {  	[tilespmem:s23], [sflag:$0x2] =	stream.indirect_vreg.gather [hbm4b:s6+s3], $0x80, v4, vm0, $0xb8;
	[tilespmem:$0x1DF00] =	vst v63  }
0xf1: {  	s24 =	simm.s32 $0x18700  }
0xf2: {  	[tilespmem:s24], [sflag:$0x2] =	stream.indirect_vreg.gather [hbm4b:s6+s3], $0x80, v3, vm0, $0xb8;
	[tilespmem:$0x1DF00] =	vst v63  }
0xf3: {  	_ =	swait.ge [sflag:s8], $0x5000  }
0xf4: {  	[sflag:s8] =	ssyncset.done $0x0  }
0xf5: {  	[sflag:s8] =	ssyncadd.s32 $0xFFFFB000  }
0xf6: {  	_ =	swait.ge [sflag:s8], $0x5000  }
0xf7: {  	p0 =	seq.s32 s12, $0x0;
	[sflag:s8] =	ssyncset.done $0x0  }
0xf8: {  	s7 =	simm.s32 @!p0 $0x3;
	[sflag:s8] =	ssyncadd.s32 $0xFFFFB000  }
0xf9: {  	s13 =	simm.s32 $0x0;
	s14 =	simm.s32 $0x0;
	_ =	swait.ge @!p0 [sflag:s7], $0x2800  }
0xfa: {  	s13 =	sand.u32 $0x7800, s13;
	s14 =	sand.u32 $0x300, s14;
	[sflag:s7] =	ssyncset.done @!p0 $0x0  }
0xfb: {  	s25 =	sor.u32 s14, s13;
	[sflag:s7] =	ssyncadd.s32 @!p0 $0xFFFFD800  }
0xfc: {  	v3 =	vld [tilespmem:s25+$0x5300]  }
0xfd: {  	v4 =	vld [tilespmem:s25+$0xF300];
	_ =	sdelay $0x2  }
0xfe: {  	s26 =	simm.s32 $0x80  }
0xff: {  	s14 =	sand.u32 $0x380, s26  }
0x100: {  	s14 =	sor.u32 s13, s14;
	v5 =	vmul.f32 v4, v3  }
0x101: {  	v6 =	vld [tilespmem:s14+$0x5300]  }
0x102: {  	v7 =	vld [tilespmem:s14+$0xF300];
	v5 =	vadd.f32 $1.000000000e+00, v5  }
0x103: {  	v8 =	vld [tilespmem:s25+$0x4F00]  }
0x104: {  	(erf) = vrcp.f32 v5;
	v5 =	vld [tilespmem:s25+$0xEF00];
	_ =	sdelay $0x2  }
0x105: {  	v9 =	vmul.f32 v7, v6;
	_ =	sdelay $0x1  }
0x106: {  	v9 =	vadd.f32 $1.000000000e+00, v9;
	v5 =	vadd.f32 v5, v8  }
0x107: {  	v3 =	vadd.f32 v4, v3;
	v4 =	vld [tilespmem:s14+$0x4F00]  }
0x108: {  	(erf) = vrcp.f32 v9;
	v8 =	vld [tilespmem:s14+$0xEF00]  }
0x109: {  	v3 =	vmul.f32 v3, v5  }
0x10a: {  	v5 =	vpop (erf)  }
0x10b: {  	v3 =	vmul.f32 v5, v3  }
0x10c: {  	s13 =	simm.s32 $0x18F80  }
0x10d: {  	v4 =	vadd.f32 v8, v4;
	[tilespmem:s13+$0xFFFFFF80] =	vst v3  }
0x10e: {  	v3 =	vadd.f32 v7, v6;
	v5 =	vld [tilespmem:s25+$0x5310]  }
0x10f: {  	v6 =	vld [tilespmem:s25+$0xF310]  }
0x110: {  	v3 =	vmul.f32 v3, v4  }
0x111: {  	v4 =	vpop (erf)  }
0x112: {  	v3 =	vmul.f32 v4, v3;
	_ =	sdelay $0x1  }
0x113: {  	[tilespmem:s13+$0x0] =	vst v3;
	v3 =	vmul.f32 v6, v5  }
0x114: {  	v4 =	vld [tilespmem:s14+$0x5310]  }
0x115: {  	v7 =	vld [tilespmem:s14+$0xF310];
	v3 =	vadd.f32 $1.000000000e+00, v3;
	_ =	sdelay $0x1  }
0x116: {  	v8 =	vld [tilespmem:s25+$0x4F10];
	(erf) = vrcp.f32 v3  }
0x117: {  	v3 =	vld [tilespmem:s25+$0xEF10];
	_ =	sdelay $0x1  }
0x118: {  	v9 =	vmul.f32 v7, v4;
	_ =	sdelay $0x1  }
0x119: {  	v5 =	vadd.f32 v6, v5;
	v9 =	vadd.f32 $1.000000000e+00, v9  }
0x11a: {  	v6 =	vld [tilespmem:s14+$0x4F10];
	v3 =	vadd.f32 v3, v8  }
0x11b: {  	v8 =	vld [tilespmem:s14+$0xEF10];
	(erf) = vrcp.f32 v9  }
0x11c: {  	v3 =	vmul.f32 v5, v3  }
0x11d: {  	v5 =	vpop (erf)  }
0x11e: {  	v3 =	vmul.f32 v5, v3;
	_ =	sdelay $0x1  }
0x11f: {  	[tilespmem:s13+$0xFFFFFF90] =	vst v3;
	v3 =	vadd.f32 v7, v4;
	v4 =	vadd.f32 v8, v6  }
0x120: {  	v5 =	vld [tilespmem:s25+$0x5320]  }
0x121: {  	v6 =	vld [tilespmem:s25+$0xF320]  }
0x122: {  	v3 =	vmul.f32 v3, v4  }
0x123: {  	v4 =	vpop (erf)  }
0x124: {  	v3 =	vmul.f32 v4, v3;
	_ =	sdelay $0x1  }
0x125: {  	[tilespmem:s13+$0x10] =	vst v3;
	v3 =	vmul.f32 v6, v5  }
0x126: {  	v4 =	vld [tilespmem:s14+$0x5320]  }
0x127: {  	v7 =	vld [tilespmem:s14+$0xF320];
	v3 =	vadd.f32 $1.000000000e+00, v3;
	_ =	sdelay $0x1  }
0x128: {  	v8 =	vld [tilespmem:s25+$0x4F20];
	(erf) = vrcp.f32 v3  }
0x129: {  	v3 =	vld [tilespmem:s25+$0xEF20];
	_ =	sdelay $0x1  }
0x12a: {  	v9 =	vmul.f32 v7, v4;
	_ =	sdelay $0x1  }
0x12b: {  	s15 =	simm.s32 $0x100;
	s16 =	simm.s32 $0x200;
	v9 =	vadd.f32 $1.000000000e+00, v9  }
0x12c: {  	s15 =	sand.u32 $0x300, s15;
	s17 =	sand.u32 $0x7800, s16;
	v5 =	vadd.f32 v6, v5;
	v10 =	vld [tilespmem:s14+$0x4F20];
	v3 =	vadd.f32 v3, v8  }
0x12d: {  	s16 =	sor.u32 s15, s17;
	v6 =	vld [tilespmem:s14+$0xEF20];
	(erf) = vrcp.f32 v9  }
0x12e: {  	s28 =	simm.s32 $0x180;
	v8 =	vld [tilespmem:s16+$0x5300];
	v3 =	vmul.f32 v5, v3  }
0x12f: {  	s15 =	sand.u32 $0x380, s28;
	v5 =	vld [tilespmem:s16+$0xF300];
	v9 =	vpop (erf)  }
0x130: {  	s15 =	sor.u32 s17, s15;
	v3 =	vmul.f32 v9, v3  }
0x131: {  	v11 =	vld [tilespmem:s15+$0xF300]  }
0x132: {  	v9 =	vld [tilespmem:s15+$0x5300];
	[tilespmem:s13+$0xFFFFFFA0] =	vst v3;
	v3 =	vadd.f32 v7, v4;
	v4 =	vadd.f32 v6, v10;
	_ =	sdelay $0x1  }
0x133: {  	v7 =	vmul.f32 v5, v8;
	v6 =	vld [tilespmem:s25+$0x5330]  }
0x134: {  	v10 =	vld [tilespmem:s25+$0xF330];
	v3 =	vmul.f32 v3, v4  }
0x135: {  	v7 =	vadd.f32 $1.000000000e+00, v7;
	v4 =	vpop (erf)  }
0x136: {  	v12 =	vld [tilespmem:s15+$0x4F00];
	v3 =	vmul.f32 v4, v3;
	v4 =	vmul.f32 v11, v9  }
0x137: {  	v13 =	vld [tilespmem:s16+$0x4F00];
	(erf) = vrcp.f32 v7  }
0x138: {  	[tilespmem:s13+$0x20] =	vst v3;
	v3 =	vld [tilespmem:s16+$0xEF00];
	v4 =	vadd.f32 $1.000000000e+00, v4  }
0x139: {  	v15 =	vld [tilespmem:s15+$0xEF00];
	v7 =	vmul.f32 v10, v6  }
0x13a: {  	v14 =	vld [tilespmem:s14+$0x5330];
	(erf) = vrcp.f32 v4  }
0x13b: {  	v4 =	vadd.f32 $1.000000000e+00, v7;
	v7 =	vld [tilespmem:s14+$0xF330];
	_ =	sdelay $0x1  }
0x13c: {  	v16 =	vld [tilespmem:s25+$0x4F30];
	(erf) = vrcp.f32 v4;
	v4 =	vadd.f32 v5, v8;
	v3 =	vadd.f32 v3, v13  }
0x13d: {  	v5 =	vld [tilespmem:s25+$0xEF30]  }
0x13e: {  	v3 =	vmul.f32 v4, v3  }
0x13f: {  	v8 =	vadd.f32 v11, v9;
	v9 =	vadd.f32 v15, v12;
	v11 =	vpop (erf);
	v4 =	vmul.f32 v7, v14  }
0x140: {  	v3 =	vmul.f32 v11, v3  }
0x141: {  	s17 =	simm.s32 $0x19080;
	v6 =	vadd.f32 v10, v6;
	v10 =	vld [tilespmem:s14+$0xEF30];
	v8 =	vmul.f32 v8, v9;
	v4 =	vadd.f32 $1.000000000e+00, v4  }
0x142: {  	v9 =	vld [tilespmem:s14+$0x4F30];
	v5 =	vadd.f32 v5, v16;
	v11 =	vpop (erf);
	[tilespmem:s17+$0xFFFFFF80] =	vst v3  }
0x143: {  	(erf) = vrcp.f32 v4;
	v3 =	vmul.f32 v11, v8;
	v4 =	vld [tilespmem:s16+$0x5310]  }
0x144: {  	v5 =	vmul.f32 v6, v5;
	v6 =	vld [tilespmem:s16+$0xF310]  }
0x145: {  	v8 =	vpop (erf);
	[tilespmem:s17+$0x0] =	vst v3  }
0x146: {  	v3 =	vmul.f32 v8, v5;
	v5 =	vld [tilespmem:s15+$0x5310]  }
0x147: {  	v8 =	vld [tilespmem:s15+$0xF310]  }
0x148: {  	[tilespmem:s13+$0xFFFFFFB0] =	vst v3  }
0x149: {  	v3 =	vadd.f32 v7, v14;
	v7 =	vadd.f32 v10, v9;
	v9 =	vld [tilespmem:s25+$0x5340];
	v10 =	vmul.f32 v6, v4  }
0x14a: {  	v11 =	vld [tilespmem:s25+$0xF340]  }
0x14b: {  	v3 =	vmul.f32 v3, v7;
	v7 =	vadd.f32 $1.000000000e+00, v10  }
0x14c: {  	v13 =	vmul.f32 v8, v5  }
0x14d: {  	v10 =	vpop (erf);
	(erf) = vrcp.f32 v7;
	v7 =	vld [tilespmem:s16+$0xEF10]  }
0x14e: {  	v3 =	vmul.f32 v10, v3;
	v10 =	vld [tilespmem:s16+$0x4F10];
	v13 =	vadd.f32 $1.000000000e+00, v13  }
0x14f: {  	v12 =	vld [tilespmem:s15+$0x4F10];
	v14 =	vmul.f32 v11, v9  }
0x150: {  	v15 =	vld [tilespmem:s15+$0xEF10];
	[tilespmem:s13+$0x30] =	vst v3;
	(erf) = vrcp.f32 v13  }
0x151: {  	v13 =	vadd.f32 $1.000000000e+00, v14;
	v3 =	vld [tilespmem:s14+$0x5340]  }
0x152: {  	v14 =	vld [tilespmem:s14+$0xF340]  }
0x153: {  	v16 =	vld [tilespmem:s25+$0x4F40];
	v4 =	vadd.f32 v6, v4;
	(erf) = vrcp.f32 v13;
	v7 =	vadd.f32 v7, v10  }
0x154: {  	v6 =	vld [tilespmem:s25+$0xEF40]  }
0x155: {  	v4 =	vmul.f32 v4, v7  }
0x156: {  	v5 =	vadd.f32 v8, v5;
	v8 =	vadd.f32 v15, v12;
	v10 =	vpop (erf)  }
0x157: {  	v7 =	vmul.f32 v14, v3;
	v4 =	vmul.f32 v10, v4  }
0x158: {  	v5 =	vmul.f32 v5, v8;
	v9 =	vadd.f32 v11, v9;
	v8 =	vld [tilespmem:s14+$0x4F40]  }
0x159: {  	v6 =	vadd.f32 v6, v16;
	v10 =	vld [tilespmem:s14+$0xEF40];
	v7 =	vadd.f32 $1.000000000e+00, v7;
	v11 =	vpop (erf);
	[tilespmem:s17+$0xFFFFFF90] =	vst v4  }
0x15a: {  	v4 =	vmul.f32 v11, v5;
	v5 =	vld [tilespmem:s16+$0x5320]  }
0x15b: {  	v6 =	vmul.f32 v9, v6;
	(erf) = vrcp.f32 v7;
	v7 =	vld [tilespmem:s16+$0xF320]  }
0x15c: {  	v9 =	vpop (erf)  }
0x15d: {  	[tilespmem:s17+$0x10] =	vst v4;
	v4 =	vmul.f32 v9, v6  }
0x15e: {  	v6 =	vld [tilespmem:s15+$0x5320]  }
0x15f: {  	v9 =	vld [tilespmem:s15+$0xF320];
	[tilespmem:s13+$0xFFFFFFC0] =	vst v4  }
0x160: {  	v4 =	vadd.f32 v10, v8;
	v8 =	vld [tilespmem:s25+$0x5350];
	v10 =	vmul.f32 v7, v5  }
0x161: {  	v3 =	vadd.f32 v14, v3;
	v11 =	vld [tilespmem:s25+$0xF350]  }
0x162: {  	v10 =	vadd.f32 $1.000000000e+00, v10  }
0x163: {  	s18 =	simm.s32 $0x200;
	s21 =	simm.s32 $0x400;
	v3 =	vmul.f32 v3, v4  }
0x164: {  	s18 =	sand.u32 $0x300, s18;
	s20 =	sand.u32 $0x7800, s21;
	v14 =	vld [tilespmem:s16+$0x4F20];
	v12 =	vpop (erf);
	(erf) = vrcp.f32 v10  }
0x165: {  	s19 =	sor.u32 s18, s20;
	v10 =	vld [tilespmem:s16+$0xEF20];
	v3 =	vmul.f32 v12, v3;
	v12 =	vmul.f32 v9, v6  }
0x166: {  	v18 =	vld [tilespmem:s19+$0xF300];
	v15 =	vmul.f32 v11, v8  }
0x167: {  	v17 =	vld [tilespmem:s25+$0x4F50];
	[tilespmem:s13+$0x40] =	vst v3;
	v3 =	vadd.f32 $1.000000000e+00, v12  }
0x168: {  	v15 =	vadd.f32 $1.000000000e+00, v15;
	v12 =	vld [tilespmem:s14+$0x5350]  }
0x169: {  	v16 =	vld [tilespmem:s14+$0xF350];
	(erf) = vrcp.f32 v3  }
0x16a: {  	s22 =	simm.s32 $0x280;
	v5 =	vadd.f32 v7, v5;
	v7 =	vld [tilespmem:s25+$0xEF50];
	v10 =	vadd.f32 v10, v14;
	(erf) = vrcp.f32 v15  }
0x16b: {  	s29 =	sand.u32 $0x380, s22;
	v13 =	vld [tilespmem:s15+$0xEF20]  }
0x16c: {  	s18 =	sor.u32 s20, s29;
	v4 =	vld [tilespmem:s15+$0x4F20];
	v5 =	vmul.f32 v5, v10  }
0x16d: {  	v20 =	vld [tilespmem:s18+$0x5300];
	v19 =	vpop (erf)  }
0x16e: {  	v15 =	vld [tilespmem:s19+$0x5300];
	v10 =	vmul.f32 v16, v12;
	v5 =	vmul.f32 v19, v5  }
0x16f: {  	v52 =	vld [tilespmem:s18+$0xF300];
	v7 =	vadd.f32 v7, v17  }
0x170: {  	v8 =	vadd.f32 v11, v8;
	v3 =	vld [tilespmem:s14+$0x4F50];
	v10 =	vadd.f32 $1.000000000e+00, v10  }
0x171: {  	v6 =	vadd.f32 v9, v6;
	v4 =	vadd.f32 v13, v4;
	v14 =	vld [tilespmem:s14+$0xEF50];
	[tilespmem:s17+$0xFFFFFFA0] =	vst v5  }
0x172: {  	v7 =	vmul.f32 v8, v7;
	(erf) = vrcp.f32 v10;
	v10 =	vld [tilespmem:s16+$0x5330];
	v5 =	vpop (erf)  }
0x173: {  	v4 =	vmul.f32 v6, v4;
	v8 =	vmul.f32 v18, v15;
	v11 =	vld [tilespmem:s16+$0xF330];
	v13 =	vpop (erf)  }
0x174: {  	v9 =	vld [tilespmem:s18+$0x4F00];
	v7 =	vmul.f32 v13, v7  }
0x175: {  	v8 =	vadd.f32 $1.000000000e+00, v8;
	v4 =	vmul.f32 v5, v4;
	v5 =	vld [tilespmem:s19+$0xEF00]  }
0x176: {  	v17 =	vmul.f32 v52, v20;
	v13 =	vld [tilespmem:s19+$0x4F00];
	[tilespmem:s13+$0xFFFFFFD0] =	vst v7  }
0x177: {  	(erf) = vrcp.f32 v8;
	v8 =	vld [tilespmem:s25+$0x5360]  }
0x178: {  	v3 =	vadd.f32 v14, v3;
	[tilespmem:s17+$0x20] =	vst v4;
	v7 =	vadd.f32 $1.000000000e+00, v17;
	v4 =	vmul.f32 v11, v10;
	v14 =	vld [tilespmem:s25+$0xF360]  }
0x179: {  	v6 =	vld [tilespmem:s18+$0xEF00]  }
0x17a: {  	v12 =	vadd.f32 v16, v12;
	(erf) = vrcp.f32 v7;
	v4 =	vadd.f32 $1.000000000e+00, v4;
	_ =	sdelay $0x1  }
0x17b: {  	v3 =	vmul.f32 v12, v3;
	v12 =	vld [tilespmem:s15+$0xF330];
	(erf) = vrcp.f32 v4  }
0x17c: {  	v7 =	vld [tilespmem:s15+$0x5330];
	v4 =	vadd.f32 v5, v13;
	v5 =	vadd.f32 v18, v15;
	v15 =	vmul.f32 v14, v8  }
0x17d: {  	v6 =	vadd.f32 v6, v9;
	v9 =	vld [tilespmem:s15+$0x4F30]  }
0x17e: {  	v17 =	vadd.f32 v52, v20;
	v16 =	vpop (erf);
	v13 =	vld [tilespmem:s16+$0xEF30];
	v15 =	vadd.f32 $1.000000000e+00, v15  }
0x17f: {  	v3 =	vmul.f32 v16, v3;
	v16 =	vld [tilespmem:s16+$0x4F30];
	v4 =	vmul.f32 v5, v4  }
0x180: {  	v54 =	vld [tilespmem:s25+$0x4F60];
	v6 =	vmul.f32 v17, v6;
	v53 =	vpop (erf)  }
0x181: {  	v10 =	vadd.f32 v11, v10;
	v11 =	vld [tilespmem:s25+$0xEF60];
	v5 =	vmul.f32 v12, v7;
	v4 =	vmul.f32 v53, v4  }
0x182: {  	s22 =	simm.s32 $0x19180;
	[tilespmem:s13+$0x50] =	vst v3;
	v3 =	vld [tilespmem:s15+$0xEF30];
	(erf) = vrcp.f32 v15;
	v15 =	vpop (erf)  }
0x183: {  	v17 =	vld [tilespmem:s14+$0x5360];
	v5 =	vadd.f32 $1.000000000e+00, v5;
	[tilespmem:s22+$0xFFFFFF80] =	vst v4;
	v4 =	vmul.f32 v15, v6  }
0x184: {  	v13 =	vadd.f32 v13, v16;
	v16 =	vld [tilespmem:s14+$0xF360]  }
0x185: {  	(erf) = vrcp.f32 v5;
	v5 =	vld [tilespmem:s19+$0x5310]  }
0x186: {  	v6 =	vmul.f32 v10, v13;
	v10 =	vld [tilespmem:s19+$0xF310];
	[tilespmem:s22+$0x0] =	vst v4  }
0x187: {  	v13 =	vld [tilespmem:s18+$0x5310];
	v4 =	vpop (erf)  }
0x188: {  	v11 =	vadd.f32 v11, v54;
	v8 =	vadd.f32 v14, v8;
	v4 =	vmul.f32 v4, v6;
	v6 =	vld [tilespmem:s18+$0xF310]  }
0x189: {  	v7 =	vadd.f32 v12, v7;
	v3 =	vadd.f32 v3, v9  }
0x18a: {  	v8 =	vmul.f32 v8, v11;
	v12 =	vld [tilespmem:s18+$0x4F10];
	[tilespmem:s17+$0xFFFFFFB0] =	vst v4;
	v4 =	vmul.f32 v16, v17  }
0x18b: {  	v3 =	vmul.f32 v7, v3;
	v7 =	vld [tilespmem:s18+$0xEF10];
	v11 =	vmul.f32 v10, v5  }
0x18c: {  	v15 =	vpop (erf);
	v9 =	vld [tilespmem:s16+$0x5340];
	v4 =	vadd.f32 $1.000000000e+00, v4  }
0x18d: {  	v8 =	vmul.f32 v15, v8;
	v11 =	vadd.f32 $1.000000000e+00, v11;
	v14 =	vld [tilespmem:s16+$0xF340];
	v55 =	vmul.f32 v6, v13  }
0x18e: {  	v15 =	vld [tilespmem:s19+$0x4F10];
	(erf) = vrcp.f32 v4  }
0x18f: {  	v56 =	vpop (erf);
	v59 =	vld [tilespmem:s16+$0x4F40];
	[tilespmem:s13+$0xFFFFFFE0] =	vst v8;
	v8 =	vadd.f32 $1.000000000e+00, v55;
	(erf) = vrcp.f32 v11  }
0x190: {  	v3 =	vmul.f32 v56, v3;
	v4 =	vld [tilespmem:s19+$0xEF10]  }
0x191: {  	v5 =	vadd.f32 v10, v5;
	v10 =	vld [tilespmem:s16+$0xEF40];
	(erf) = vrcp.f32 v8  }
0x192: {  	[tilespmem:s17+$0x30] =	vst v3;
	v3 =	vld [tilespmem:s25+$0xF370];
	v57 =	vmul.f32 v14, v9  }
0x193: {  	v11 =	vld [tilespmem:s25+$0x5370]  }
0x194: {  	v58 =	vld [tilespmem:s15+$0xF340];
	v18 =	vadd.f32 $1.000000000e+00, v57  }
0x195: {  	v8 =	vld [tilespmem:s15+$0x5340];
	v4 =	vadd.f32 v4, v15  }
0x196: {  	v7 =	vadd.f32 v7, v12;
	v6 =	vadd.f32 v6, v13;
	(erf) = vrcp.f32 v18  }
0x197: {  	v4 =	vmul.f32 v5, v4;
	v60 =	vpop (erf)  }
0x198: {  	v21 =	vld [tilespmem:s14+$0xEF60];
	v6 =	vmul.f32 v6, v7;
	v22 =	vpop (erf)  }
0x199: {  	v15 =	vld [tilespmem:s14+$0x4F60];
	v13 =	vmul.f32 v3, v11;
	v4 =	vmul.f32 v22, v4  }
0x19a: {  	v10 =	vadd.f32 v10, v59;
	v5 =	vmul.f32 v58, v8;
	v61 =	vpop (erf)  }
0x19b: {  	v12 =	vld [tilespmem:s15+$0x4F40];
	v9 =	vadd.f32 v14, v9;
	v13 =	vadd.f32 $1.000000000e+00, v13;
	[tilespmem:s22+$0xFFFFFF90] =	vst v4;
	v4 =	vmul.f32 v61, v6  }
0x19c: {  	v7 =	vld [tilespmem:s15+$0xEF40];
	v5 =	vadd.f32 $1.000000000e+00, v5  }
0x19d: {  	v14 =	vld [tilespmem:s25+$0xEF70];
	v9 =	vmul.f32 v9, v10;
	(erf) = vrcp.f32 v13  }
0x19e: {  	v10 =	vadd.f32 v16, v17;
	v13 =	vld [tilespmem:s25+$0x4F70];
	v15 =	vadd.f32 v21, v15;
	(erf) = vrcp.f32 v5  }
0x19f: {  	v5 =	vld [tilespmem:s19+$0x5320];
	[tilespmem:s22+$0x10] =	vst v4;
	v4 =	vpop (erf)  }
0x1a0: {  	v6 =	vld [tilespmem:s19+$0xF320];
	v4 =	vmul.f32 v4, v9;
	v9 =	vmul.f32 v10, v15  }
0x1a1: {  	v16 =	vld [tilespmem:s18+$0x5320]  }
0x1a2: {  	v12 =	vadd.f32 v7, v12;
	v3 =	vadd.f32 v3, v11;
	v10 =	vld [tilespmem:s18+$0xF320];
	v9 =	vmul.f32 v60, v9  }
0x1a3: {  	v13 =	vadd.f32 v14, v13;
	v11 =	vld [tilespmem:s18+$0xEF20];
	[tilespmem:s17+$0xFFFFFFC0] =	vst v4;
	v4 =	vadd.f32 v58, v8  }
0x1a4: {  	v7 =	vld [tilespmem:s16+$0x5350]  }
0x1a5: {  	v8 =	vld [tilespmem:s16+$0xF350];
	v4 =	vmul.f32 v4, v12;
	v12 =	vmul.f32 v6, v5  }
0x1a6: {  	v15 =	vld [tilespmem:s18+$0x4F20];
	[tilespmem:s13+$0x60] =	vst v9;
	v9 =	vpop (erf)  }
0x1a7: {  	v3 =	vmul.f32 v3, v13;
	v14 =	vld [tilespmem:s14+$0x5370];
	v17 =	vmul.f32 v10, v16;
	v63 =	vadd.f32 $1.000000000e+00, v12;
	v13 =	vpop (erf)  }
0x1a8: {  	v62 =	vld [tilespmem:s14+$0xF370];
	v4 =	vmul.f32 v13, v4  }
0x1a9: {  	v12 =	vld [tilespmem:s19+$0x4F20];
	v3 =	vmul.f32 v9, v3;
	v9 =	vadd.f32 $1.000000000e+00, v17;
	(erf) = vrcp.f32 v63  }
0x1aa: {  	v13 =	vld [tilespmem:s19+$0xEF20];
	v17 =	vmul.f32 v8, v7;
	[tilespmem:s17+$0x40] =	vst v4  }
0x1ab: {  	v16 =	vadd.f32 v10, v16;
	v11 =	vadd.f32 v11, v15;
	(erf) = vrcp.f32 v9;
	v4 =	vld [tilespmem:s15+$0x5350]  }
0x1ac: {  	s20 =	simm.s32 $0x19180;
	v15 =	vadd.f32 $1.000000000e+00, v17;
	v10 =	vld [tilespmem:s15+$0xF350]  }
0x1ad: {  	s23 =	simm.s32 $0x4;
	s24 =	simm.s32 $0x380;
	s7 =	sadd.s32 $0x50, s11;
	v11 =	vmul.f32 v16, v11;
	[tilespmem:s13+$0xFFFFFFF0] =	vst v3;
	v3 =	vadd.f32 v62, v14;
	v14 =	vmul.f32 v62, v14;
	v9 =	vld [tilespmem:s15+$0x4F50]  }
.LBB2_3:
0x1ae: {  	s25 =	sadd.s32 $0xFFFFFF80, s24;
	s28 =	sand.u32 $0x380, s24;
	s21 =	sadd.s32 $0x200, s21;
	v16 =	vld [tilespmem:s16+$0x4F50];
	(erf) = vrcp.f32 v15  }
0x1af: {  	v5 =	vadd.f32 v6, v5;
	s29 =	sand.u32 $0x7800, s21;
	s25 =	sand.u32 $0x300, s25;
	v12 =	vadd.f32 v13, v12;
	v6 =	vld [tilespmem:s16+$0xEF50]  }
0x1b0: {  	v14 =	vadd.f32 $1.000000000e+00, v14;
	s26 =	sor.u32 s25, s29;
	s25 =	sor.u32 s29, s28;
	v13 =	vld [tilespmem:s15+$0xEF50]  }
0x1b1: {  	v15 =	vld [tilespmem:s26+$0x5300];
	v5 =	vmul.f32 v5, v12;
	v12 =	vadd.f32 v10, v4;
	v4 =	vmul.f32 v10, v4  }
0x1b2: {  	v10 =	vld [tilespmem:s26+$0xF300];
	v17 =	vpop (erf);
	(erf) = vrcp.f32 v14  }
0x1b3: {  	v14 =	vld [tilespmem:s25+$0x5300];
	v5 =	vmul.f32 v17, v5;
	v4 =	vadd.f32 $1.000000000e+00, v4  }
0x1b4: {  	v7 =	vadd.f32 v8, v7;
	v17 =	vld [tilespmem:s25+$0xF300];
	v18 =	vpop (erf);
	v6 =	vadd.f32 v6, v16  }
0x1b5: {  	v8 =	vld [tilespmem:s25+$0x4F00];
	[tilespmem:s22+$0xFFFFFFA0] =	vst v5;
	v5 =	vmul.f32 v18, v11;
	v13 =	vadd.f32 v13, v9;
	(erf) = vrcp.f32 v4  }
0x1b6: {  	s23 =	sadd.s32 $0x2, s23;
	v11 =	vld [tilespmem:s19+$0x5330];
	v4 =	vmul.f32 v7, v6  }
0x1b7: {  	p1 =	slt.u32 s23, $0x4E;
	v6 =	vmul.f32 v10, v15;
	v7 =	vld [tilespmem:s19+$0xF330];
	[tilespmem:s22+$0x20] =	vst v5;
	v5 =	vmul.f32 v12, v13;
	v9 =	vpop (erf)  }
0x1b8: {  	v12 =	vld [tilespmem:s25+$0xEF00];
	v18 =	vmul.f32 v9, v4  }
0x1b9: {  	v9 =	vld [tilespmem:s26+$0x4F00];
	v6 =	vadd.f32 $1.000000000e+00, v6;
	v13 =	vadd.f32 v17, v14;
	v14 =	vmul.f32 v17, v14  }
0x1ba: {  	v16 =	vld [tilespmem:s26+$0xEF00];
	[tilespmem:s17+$0xFFFFFFD0] =	vst v18  }
0x1bb: {  	v14 =	vadd.f32 $1.000000000e+00, v14;
	(erf) = vrcp.f32 v6;
	v6 =	vld [tilespmem:s16+$0x5360];
	v4 =	vpop (erf)  }
0x1bc: {  	v17 =	vmul.f32 v7, v11;
	v18 =	vld [tilespmem:s16+$0xF360]  }
0x1bd: {  	v8 =	vadd.f32 v12, v8;
	(erf) = vrcp.f32 v14;
	v12 =	vld [tilespmem:s18+$0x5330]  }
0x1be: {  	v14 =	vadd.f32 $1.000000000e+00, v17;
	v17 =	vld [tilespmem:s18+$0xF330];
	v19 =	vpop (erf)  }
0x1bf: {  	v8 =	vmul.f32 v13, v8;
	v13 =	vld [tilespmem:s18+$0x4F30];
	v5 =	vmul.f32 v19, v5  }
0x1c0: {  	v19 =	vld [tilespmem:s19+$0x4F30];
	(erf) = vrcp.f32 v14  }
0x1c1: {  	v10 =	vadd.f32 v10, v15;
	v9 =	vadd.f32 v16, v9;
	v14 =	vld [tilespmem:s19+$0xEF30];
	v15 =	vmul.f32 v18, v6;
	[tilespmem:s17+$0x50] =	vst v5  }
0x1c2: {  	v5 =	vld [tilespmem:s18+$0xEF30]  }
0x1c3: {  	v9 =	vmul.f32 v10, v9;
	v10 =	vmul.f32 v17, v12;
	v21 =	vadd.f32 $1.000000000e+00, v15;
	v16 =	vld [tilespmem:s15+$0x5360]  }
0x1c4: {  	v12 =	vadd.f32 v17, v12;
	v20 =	vpop (erf);
	v17 =	vld [tilespmem:s15+$0xF360]  }
0x1c5: {  	v9 =	vmul.f32 v20, v9;
	v10 =	vadd.f32 $1.000000000e+00, v10;
	v20 =	vld [tilespmem:s16+$0x4F60];
	(erf) = vrcp.f32 v21  }
0x1c6: {  	s22 =	sadd.s32 $0x100, s22;
	v7 =	vadd.f32 v7, v11;
	v15 =	vpop (erf);
	v14 =	vadd.f32 v14, v19;
	v11 =	vld [tilespmem:s16+$0xEF60]  }
0x1c7: {  	[tilespmem:s22+$0xFFFFFF80] =	vst v9;
	v15 =	vmul.f32 v15, v8;
	v5 =	vadd.f32 v5, v13;
	(erf) = vrcp.f32 v10;
	v9 =	vld [tilespmem:s15+$0x4F60]  }
0x1c8: {  	v10 =	vld [tilespmem:s26+$0x5310];
	v7 =	vmul.f32 v7, v14  }
0x1c9: {  	v13 =	vld [tilespmem:s26+$0xF310];
	[tilespmem:s22+$0x0] =	vst v15;
	v5 =	vmul.f32 v12, v5;
	v8 =	vpop (erf);
	v12 =	vadd.f32 v17, v16;
	v14 =	vmul.f32 v17, v16  }
0x1ca: {  	v15 =	vld [tilespmem:s25+$0x5310];
	v7 =	vmul.f32 v8, v7  }
0x1cb: {  	v6 =	vadd.f32 v18, v6;
	v8 =	vld [tilespmem:s25+$0xF310];
	v11 =	vadd.f32 v11, v20  }
0x1cc: {  	v16 =	vld [tilespmem:s25+$0x4F10];
	[tilespmem:s20+$0xFFFFFFB0] =	vst v7;
	v7 =	vadd.f32 $1.000000000e+00, v14  }
0x1cd: {  	v14 =	vld [tilespmem:s19+$0x5340];
	v6 =	vmul.f32 v6, v11  }
0x1ce: {  	v11 =	vmul.f32 v13, v10;
	v17 =	vld [tilespmem:s19+$0xF340];
	v18 =	vpop (erf);
	(erf) = vrcp.f32 v7  }
0x1cf: {  	v7 =	vld [tilespmem:s25+$0xEF10];
	v6 =	vmul.f32 v18, v6  }
0x1d0: {  	v18 =	vld [tilespmem:s26+$0x4F10];
	v11 =	vadd.f32 $1.000000000e+00, v11;
	v19 =	vadd.f32 v8, v15;
	v8 =	vmul.f32 v8, v15;
	v15 =	vpop (erf)  }
0x1d1: {  	v20 =	vld [tilespmem:s26+$0xEF10];
	v5 =	vmul.f32 v15, v5;
	[tilespmem:s17+$0xFFFFFFE0] =	vst v6  }
0x1d2: {  	v6 =	vadd.f32 $1.000000000e+00, v8;
	(erf) = vrcp.f32 v11;
	v8 =	vld [tilespmem:s16+$0x5370]  }
0x1d3: {  	v11 =	vmul.f32 v17, v14;
	[tilespmem:s20+$0x30] =	vst v5;
	v15 =	vld [tilespmem:s16+$0xF370]  }
0x1d4: {  	v5 =	vadd.f32 v7, v16;
	(erf) = vrcp.f32 v6;
	v6 =	vld [tilespmem:s18+$0x5340]  }
0x1d5: {  	v21 =	vadd.f32 $1.000000000e+00, v11;
	v11 =	vld [tilespmem:s18+$0xF340]  }
0x1d6: {  	v5 =	vmul.f32 v19, v5;
	v16 =	vld [tilespmem:s18+$0x4F40]  }
0x1d7: {  	v19 =	vld [tilespmem:s19+$0x4F40];
	(erf) = vrcp.f32 v21;
	v7 =	vpop (erf)  }
0x1d8: {  	v10 =	vadd.f32 v13, v10;
	v18 =	vadd.f32 v20, v18;
	v13 =	vld [tilespmem:s19+$0xEF40];
	v20 =	vmul.f32 v15, v8  }
0x1d9: {  	v21 =	vld [tilespmem:s18+$0xEF40]  }
0x1da: {  	v10 =	vmul.f32 v10, v18;
	v18 =	vmul.f32 v11, v6;
	v25 =	vadd.f32 $1.000000000e+00, v20;
	v22 =	vld [tilespmem:s15+$0xEF60]  }
0x1db: {  	v11 =	vadd.f32 v11, v6;
	v23 =	vpop (erf);
	v24 =	vld [tilespmem:s14+$0x4F70]  }
0x1dc: {  	v6 =	vmul.f32 v23, v10;
	v10 =	vadd.f32 $1.000000000e+00, v18;
	v18 =	vld [tilespmem:s16+$0x4F70];
	(erf) = vrcp.f32 v25  }
0x1dd: {  	v23 =	vadd.f32 v17, v14;
	v20 =	vpop (erf);
	v13 =	vadd.f32 v13, v19;
	v17 =	vld [tilespmem:s16+$0xEF70];
	s16 =	smov.u32 s19;
	s19 =	smov.u32 s26  }
0x1de: {  	[tilespmem:s22+$0xFFFFFF90] =	vst v6;
	v19 =	vmul.f32 v20, v5;
	v16 =	vadd.f32 v21, v16;
	(erf) = vrcp.f32 v10;
	v10 =	vld [tilespmem:s14+$0xEF70];
	s14 =	smov.u32 s15;
	s15 =	smov.u32 s18;
	s18 =	smov.u32 s25  }
0x1df: {  	v5 =	vld [tilespmem:s19+$0x5320];
	v13 =	vmul.f32 v23, v13;
	v9 =	vadd.f32 v22, v9  }
0x1e0: {  	v6 =	vld [tilespmem:s19+$0xF320];
	[tilespmem:s22+$0x10] =	vst v19;
	v11 =	vmul.f32 v11, v16;
	v14 =	vpop (erf)  }
0x1e1: {  	v16 =	vld [tilespmem:s18+$0x5320];
	v13 =	vmul.f32 v14, v13;
	v9 =	vmul.f32 v12, v9  }
0x1e2: {  	v8 =	vadd.f32 v15, v8;
	v12 =	vld [tilespmem:s18+$0xF320];
	v14 =	vadd.f32 v17, v18  }
0x1e3: {  	v15 =	vld [tilespmem:s18+$0x4F20];
	[tilespmem:s20+$0xFFFFFFC0] =	vst v13;
	v17 =	vmul.f32 v7, v9;
	v10 =	vadd.f32 v10, v24  }
0x1e4: {  	v7 =	vld [tilespmem:s16+$0x5350];
	v13 =	vmul.f32 v8, v14  }
0x1e5: {  	v14 =	vmul.f32 v6, v5;
	v8 =	vld [tilespmem:s16+$0xF350];
	[tilespmem:s17+$0x60] =	vst v17;
	v9 =	vpop (erf);
	v3 =	vmul.f32 v3, v10  }
0x1e6: {  	v10 =	vld [tilespmem:s18+$0xEF20];
	v9 =	vmul.f32 v9, v13  }
0x1e7: {  	v13 =	vadd.f32 $1.000000000e+00, v14;
	v14 =	vadd.f32 v12, v16;
	v16 =	vmul.f32 v12, v16;
	v12 =	vpop (erf);
	v17 =	vld [tilespmem:s14+$0x5370]  }
0x1e8: {  	v3 =	vmul.f32 v4, v3;
	v11 =	vmul.f32 v12, v11;
	[tilespmem:s17+$0xFFFFFFF0] =	vst v9;
	v18 =	vld [tilespmem:s14+$0xF370]  }
.Ltmp0:
0x1e9: {  	v12 =	vld [tilespmem:s19+$0x4F20];
	v4 =	vadd.f32 $1.000000000e+00, v16;
	(erf) = vrcp.f32 v13;
	(pc) =	sbr.rel @p1 .LBB2_3-.Ltmp0, $4  }
0x1ea: {  	v13 =	vld [tilespmem:s19+$0xEF20];
	v9 =	vmul.f32 v8, v7;
	[tilespmem:s20+$0x40] =	vst v11  }
0x1eb: {  	v11 =	vadd.f32 v10, v15;
	(erf) = vrcp.f32 v4;
	v4 =	vld [tilespmem:s15+$0x5350];
	[tilespmem:s13+$0x70] =	vst v3;
	s13 =	smov.u32 s17;
	s17 =	smov.u32 s20;
	s20 =	smov.u32 s22  }
0x1ec: {  	v15 =	vadd.f32 $1.000000000e+00, v9;
	v10 =	vld [tilespmem:s15+$0xF350]  }
0x1ed: {  	s24 =	sadd.s32 $0x100, s24;
	v11 =	vmul.f32 v14, v11;
	v9 =	vld [tilespmem:s15+$0x4F50];
	v3 =	vadd.f32 v18, v17;
	v14 =	vmul.f32 v18, v17  }
0x1ee: {  	v16 =	vld [tilespmem:s16+$0x4F50];
	(erf) = vrcp.f32 v15  }
0x1ef: {  	v15 =	vld [tilespmem:s16+$0xEF50];
	_ =	sdelay $0x2  }
0x1f0: {  	v5 =	vadd.f32 v6, v5;
	v12 =	vadd.f32 v13, v12  }
0x1f1: {  	v7 =	vadd.f32 v8, v7  }
0x1f2: {  	v5 =	vmul.f32 v5, v12;
	v6 =	vadd.f32 v15, v16  }
0x1f3: {  	v8 =	vpop (erf)  }
0x1f4: {  	v5 =	vmul.f32 v8, v5;
	v8 =	vpop (erf);
	v6 =	vmul.f32 v7, v6  }
0x1f5: {  	v7 =	vpop (erf)  }
0x1f6: {  	[tilespmem:s22+$0xFFFFFFA0] =	vst v5;
	v5 =	vmul.f32 v7, v6  }
0x1f7: {  	v6 =	vld [tilespmem:s19+$0x5330]  }
0x1f8: {  	v7 =	vmul.f32 v8, v11;
	v8 =	vld [tilespmem:s19+$0xF330];
	[tilespmem:s17+$0xFFFFFFD0] =	vst v5  }
0x1f9: {  	v11 =	vmul.f32 v10, v4;
	v5 =	vld [tilespmem:s16+$0x5360]  }
0x1fa: {  	v12 =	vadd.f32 $1.000000000e+00, v14;
	[tilespmem:s22+$0x20] =	vst v7;
	v7 =	vld [tilespmem:s16+$0xF360]  }
0x1fb: {  	v11 =	vadd.f32 $1.000000000e+00, v11;
	v13 =	vld [tilespmem:s18+$0x5330]  }
0x1fc: {  	(erf) = vrcp.f32 v12;
	v14 =	vld [tilespmem:s18+$0xF330]  }
0x1fd: {  	(erf) = vrcp.f32 v11;
	v11 =	vld [tilespmem:s15+$0xEF50];
	v12 =	vmul.f32 v8, v6;
	_ =	sdelay $0x1  }
0x1fe: {  	v12 =	vadd.f32 $1.000000000e+00, v12;
	v15 =	vmul.f32 v7, v5  }
0x1ff: {  	v16 =	vld [tilespmem:s19+$0x4F30]  }
0x200: {  	v17 =	vld [tilespmem:s19+$0xEF30];
	(erf) = vrcp.f32 v12;
	v12 =	vmul.f32 v14, v13;
	v15 =	vadd.f32 $1.000000000e+00, v15  }
0x201: {  	v10 =	vadd.f32 v10, v4;
	v18 =	vld [tilespmem:s16+$0x4F60];
	v9 =	vadd.f32 v11, v9  }
0x202: {  	v11 =	vld [tilespmem:s16+$0xEF60];
	v12 =	vadd.f32 $1.000000000e+00, v12;
	(erf) = vrcp.f32 v15  }
0x203: {  	v9 =	vmul.f32 v10, v9;
	v10 =	vld [tilespmem:s18+$0xEF30]  }
0x204: {  	v15 =	vld [tilespmem:s18+$0x4F30];
	(erf) = vrcp.f32 v12  }
0x205: {  	v4 =	vpop (erf)  }
0x206: {  	v16 =	vadd.f32 v17, v16;
	v6 =	vadd.f32 v8, v6;
	v12 =	vpop (erf)  }
0x207: {  	v8 =	vmul.f32 v12, v9  }
0x208: {  	v6 =	vmul.f32 v6, v16;
	v5 =	vadd.f32 v7, v5;
	v9 =	vadd.f32 v11, v18  }
0x209: {  	v11 =	vpop (erf);
	[tilespmem:s17+$0x50] =	vst v8;
	v8 =	vadd.f32 v10, v15  }
0x20a: {  	v7 =	vadd.f32 v14, v13;
	v5 =	vmul.f32 v5, v9;
	v6 =	vmul.f32 v11, v6  }
0x20b: {  	v9 =	vld [tilespmem:s15+$0x5360];
	v10 =	vpop (erf)  }
0x20c: {  	v11 =	vld [tilespmem:s15+$0xF360];
	v7 =	vmul.f32 v7, v8;
	[tilespmem:s20+$0xFFFFFFB0] =	vst v6;
	v5 =	vmul.f32 v10, v5  }
0x20d: {  	v6 =	vld [tilespmem:s19+$0x5340];
	v8 =	vpop (erf)  }
0x20e: {  	v10 =	vld [tilespmem:s19+$0xF340];
	v7 =	vmul.f32 v8, v7;
	[tilespmem:s17+$0xFFFFFFE0] =	vst v5  }
0x20f: {  	v5 =	vld [tilespmem:s16+$0x5370]  }
0x210: {  	[tilespmem:s20+$0x30] =	vst v7;
	v7 =	vld [tilespmem:s16+$0xF370]  }
0x211: {  	v8 =	vld [tilespmem:s18+$0x5340]  }
0x212: {  	v12 =	vmul.f32 v11, v9;
	v13 =	vld [tilespmem:s18+$0xF340]  }
0x213: {  	v14 =	vmul.f32 v10, v6  }
0x214: {  	v12 =	vadd.f32 $1.000000000e+00, v12  }
0x215: {  	v17 =	vld [tilespmem:s15+$0x4F60];
	v14 =	vadd.f32 $1.000000000e+00, v14  }
0x216: {  	v42 =	vld [tilespmem:s15+$0xEF60];
	(erf) = vrcp.f32 v12;
	v12 =	vmul.f32 v7, v5  }
0x217: {  	v15 =	vld [tilespmem:s19+$0x4F40];
	(erf) = vrcp.f32 v14;
	v14 =	vmul.f32 v13, v8  }
0x218: {  	v16 =	vld [tilespmem:s19+$0xEF40];
	v12 =	vadd.f32 $1.000000000e+00, v12  }
0x219: {  	v14 =	vadd.f32 $1.000000000e+00, v14  }
0x21a: {  	(erf) = vrcp.f32 v12  }
0x21b: {  	v12 =	vld [tilespmem:s18+$0x4F40];
	(erf) = vrcp.f32 v14  }
0x21c: {  	v9 =	vadd.f32 v11, v9;
	v11 =	vadd.f32 v42, v17;
	v14 =	vld [tilespmem:s18+$0xEF40]  }
0x21d: {  	v15 =	vadd.f32 v16, v15;
	v6 =	vadd.f32 v10, v6;
	_ =	sdelay $0x1  }
0x21e: {  	v9 =	vmul.f32 v9, v11;
	v6 =	vmul.f32 v6, v15;
	v10 =	vpop (erf)  }
0x21f: {  	v8 =	vadd.f32 v13, v8;
	v13 =	vpop (erf)  }
0x220: {  	v12 =	vadd.f32 v14, v12;
	v6 =	vmul.f32 v13, v6;
	_ =	sdelay $0x1  }
0x221: {  	v8 =	vmul.f32 v8, v12;
	[tilespmem:s20+$0xFFFFFFC0] =	vst v6;
	v6 =	vmul.f32 v10, v9;
	v9 =	vpop (erf)  }
0x222: {  	v10 =	vld [tilespmem:s19+$0x5350];
	v11 =	vpop (erf)  }
0x223: {  	v12 =	vld [tilespmem:s19+$0xF350];
	[tilespmem:s17+$0x60] =	vst v6;
	v6 =	vmul.f32 v11, v8  }
0x224: {  	v8 =	vld [tilespmem:s15+$0x5370]  }
0x225: {  	v11 =	vld [tilespmem:s15+$0xF370];
	[tilespmem:s20+$0x40] =	vst v6  }
0x226: {  	v6 =	vld [tilespmem:s18+$0x5350]  }
0x227: {  	v13 =	vld [tilespmem:s18+$0xF350];
	_ =	sdelay $0x2  }
0x228: {  	v14 =	vmul.f32 v12, v10  }
0x229: {  	v15 =	vmul.f32 v11, v8  }
0x22a: {  	v14 =	vadd.f32 $1.000000000e+00, v14;
	v16 =	vmul.f32 v13, v6  }
0x22b: {  	v17 =	vld [tilespmem:s19+$0x4F50];
	v15 =	vadd.f32 $1.000000000e+00, v15  }
0x22c: {  	(erf) = vrcp.f32 v14;
	v14 =	vadd.f32 $1.000000000e+00, v16;
	v16 =	vld [tilespmem:s19+$0xEF50]  }
0x22d: {  	(erf) = vrcp.f32 v15;
	v15 =	vld [tilespmem:s18+$0x4F50]  }
0x22e: {  	(erf) = vrcp.f32 v14;
	v14 =	vld [tilespmem:s18+$0xEF50];
	_ =	sdelay $0x3  }
0x22f: {  	v10 =	vadd.f32 v12, v10  }
0x230: {  	v16 =	vadd.f32 v16, v17;
	v12 =	vadd.f32 v14, v15;
	_ =	sdelay $0x1  }
0x231: {  	v6 =	vadd.f32 v13, v6;
	v10 =	vmul.f32 v10, v16  }
0x232: {  	v13 =	vpop (erf)  }
0x233: {  	v6 =	vmul.f32 v6, v12;
	v10 =	vmul.f32 v13, v10;
	v12 =	vpop (erf)  }
0x234: {  	v13 =	vpop (erf)  }
0x235: {  	[tilespmem:s20+$0xFFFFFFD0] =	vst v10;
	v6 =	vmul.f32 v13, v6  }
0x236: {  	v10 =	vld [tilespmem:s19+$0x5360]  }
0x237: {  	v13 =	vld [tilespmem:s19+$0xF360];
	[tilespmem:s20+$0x50] =	vst v6  }
0x238: {  	v6 =	vld [tilespmem:s18+$0x5360]  }
0x239: {  	v14 =	vld [tilespmem:s18+$0xF360];
	_ =	sdelay $0x2  }
0x23a: {  	v15 =	vmul.f32 v13, v10;
	_ =	sdelay $0x1  }
0x23b: {  	v15 =	vadd.f32 $1.000000000e+00, v15;
	v16 =	vmul.f32 v14, v6  }
0x23c: {  	v17 =	vld [tilespmem:s19+$0x4F60]  }
0x23d: {  	v43 =	vld [tilespmem:s18+$0x4F60];
	(erf) = vrcp.f32 v15;
	v15 =	vadd.f32 $1.000000000e+00, v16  }
0x23e: {  	v16 =	vld [tilespmem:s19+$0xEF60]  }
0x23f: {  	(erf) = vrcp.f32 v15;
	v15 =	vld [tilespmem:s18+$0xEF60];
	_ =	sdelay $0x3  }
0x240: {  	v10 =	vadd.f32 v13, v10;
	v16 =	vadd.f32 v16, v17  }
0x241: {  	v13 =	vadd.f32 v15, v43  }
0x242: {  	v6 =	vadd.f32 v14, v6;
	v10 =	vmul.f32 v10, v16  }
0x243: {  	v14 =	vpop (erf)  }
0x244: {  	v10 =	vmul.f32 v14, v10;
	v6 =	vmul.f32 v6, v13  }
0x245: {  	v13 =	vpop (erf)  }
0x246: {  	[tilespmem:s20+$0xFFFFFFE0] =	vst v10;
	v6 =	vmul.f32 v13, v6  }
0x247: {  	v10 =	vld [tilespmem:s19+$0x5370]  }
0x248: {  	v13 =	vld [tilespmem:s19+$0xF370];
	[tilespmem:s20+$0x60] =	vst v6  }
0x249: {  	v6 =	vld [tilespmem:s18+$0x5370]  }
0x24a: {  	v14 =	vld [tilespmem:s18+$0xF370]  }
0x24b: {  	v19 =	vld [tilespmem:s14+$0xEF70]  }
0x24c: {  	v20 =	vld [tilespmem:s15+$0x4F70]  }
0x24d: {  	v23 =	vld [tilespmem:s15+$0xEF70];
	v44 =	vmul.f32 v13, v10  }
0x24e: {  	v17 =	vld [tilespmem:s16+$0xEF70]  }
0x24f: {  	v16 =	vld [tilespmem:s16+$0x4F70];
	v18 =	vadd.f32 $1.000000000e+00, v44;
	v21 =	vmul.f32 v14, v6  }
0x250: {  	v15 =	vld [tilespmem:s14+$0x4F70]  }
0x251: {  	v22 =	vld [tilespmem:s19+$0x4F70];
	(erf) = vrcp.f32 v18;
	v21 =	vadd.f32 $1.000000000e+00, v21  }
0x252: {  	v45 =	vld [tilespmem:s19+$0xEF70]  }
0x253: {  	v46 =	vld [tilespmem:s18+$0x4F70];
	(erf) = vrcp.f32 v21  }
0x254: {  	v5 =	vadd.f32 v7, v5;
	v16 =	vadd.f32 v17, v16;
	v7 =	vld [tilespmem:s18+$0xEF70]  }
0x255: {  	v15 =	vadd.f32 v19, v15  }
0x256: {  	v8 =	vadd.f32 v11, v8;
	v5 =	vmul.f32 v5, v16  }
0x257: {  	v3 =	vmul.f32 v3, v15;
	v15 =	vadd.f32 v45, v22;
	v10 =	vadd.f32 v13, v10  }
0x258: {  	v5 =	vmul.f32 v9, v5;
	v9 =	vadd.f32 v23, v20;
	v6 =	vadd.f32 v14, v6  }
0x259: {  	v10 =	vmul.f32 v10, v15;
	v7 =	vadd.f32 v7, v46  }
0x25a: {  	v3 =	vmul.f32 v4, v3;
	v8 =	vmul.f32 v8, v9;
	v4 =	vpop (erf)  }
0x25b: {  	[tilespmem:s17+$0xFFFFFFF0] =	vst v5;
	v5 =	vmul.f32 v6, v7;
	v4 =	vmul.f32 v4, v10  }
0x25c: {  	[tilespmem:s13+$0x70] =	vst v3;
	v3 =	vmul.f32 v12, v8;
	v6 =	vpop (erf)  }
0x25d: {  	s16 =	sadd.s32 s4, s11;
	[tilespmem:s20+$0xFFFFFFF0] =	vst v4;
	v4 =	vmul.f32 v6, v5  }
0x25e: {  	s13 =	sshll.u32 s16, $0x4;
	[tilespmem:s17+$0x70] =	vst v3  }
0x25f: {  	s13 =	sadd.s32 s1, s13;
	[tilespmem:s20+$0x70] =	vst v4  }
0x260: {  	[hbm4b:s13+s3] =	stream.linear.scatter [tilespmem:s9], [sflag:$0x3], $0x2800, $0x38;
	[tilespmem:$0x1DF00] =	vst v63  }
0x261: {  	v3 =	vld [tilespmem:s11+$0xA0];
	_ =	sdelay $0x4  }
0x262: {  	v4 =	vshll.u32 v3, $0x1  }
0x263: {  	v3 =	vand.u32 $0x7, v3;
	v4 =	vand.u32 $0xFFFFFFF0, v4  }
0x264: {  	v3 =	vor.u32 v3, v4  }
0x265: {  	v4 =	vperm.xlane v3, v0;
	_ =	sdelay $0x1  }
0x266: {  	v3 =	vperm.xlane v3, v2;
	v4 =	vadd.s32 v1, v4;
	_ =	sdelay $0x1  }
0x267: {  	v3 =	vadd.s32 v1, v3;
	_ =	sdelay $0x1  }
0x268: {  	s18 =	simm.s32 $0x4F00  }
0x269: {  	[tilespmem:s18], [sflag:$0x1] =	stream.indirect_vreg.gather [hbm4b:s5+s3], $0x80, v4, vm0, $0xb8;
	[tilespmem:$0x1DF00] =	vst v63  }
0x26a: {  	s19 =	simm.s32 $0x5700  }
0x26b: {  	[tilespmem:s19], [sflag:$0x1] =	stream.indirect_vreg.gather [hbm4b:s5+s3], $0x80, v3, vm0, $0xb8;
	[tilespmem:$0x1DF00] =	vst v63  }
0x26c: {  	v3 =	vld [tilespmem:s11+$0xB0];
	_ =	sdelay $0x4  }
0x26d: {  	v4 =	vshll.u32 v3, $0x1  }
0x26e: {  	v3 =	vand.u32 $0x7, v3;
	v4 =	vand.u32 $0xFFFFFFF0, v4  }
0x26f: {  	v3 =	vor.u32 v3, v4  }
0x270: {  	v4 =	vperm.xlane v3, v0;
	_ =	sdelay $0x1  }
0x271: {  	v3 =	vperm.xlane v3, v2;
	v4 =	vadd.s32 v1, v4;
	_ =	sdelay $0x1  }
0x272: {  	v3 =	vadd.s32 v1, v3;
	_ =	sdelay $0x1  }
0x273: {  	s20 =	simm.s32 $0x5F00  }
0x274: {  	[tilespmem:s20], [sflag:$0x1] =	stream.indirect_vreg.gather [hbm4b:s5+s3], $0x80, v4, vm0, $0xb8;
	[tilespmem:$0x1DF00] =	vst v63  }
0x275: {  	s21 =	simm.s32 $0x6700  }
0x276: {  	[tilespmem:s21], [sflag:$0x1] =	stream.indirect_vreg.gather [hbm4b:s5+s3], $0x80, v3, vm0, $0xb8;
	[tilespmem:$0x1DF00] =	vst v63  }
0x277: {  	v3 =	vld [tilespmem:s11+$0xC0];
	_ =	sdelay $0x4  }
0x278: {  	v4 =	vshll.u32 v3, $0x1  }
0x279: {  	v3 =	vand.u32 $0x7, v3;
	v4 =	vand.u32 $0xFFFFFFF0, v4  }
0x27a: {  	v3 =	vor.u32 v3, v4  }
0x27b: {  	v4 =	vperm.xlane v3, v0;
	_ =	sdelay $0x1  }
0x27c: {  	v3 =	vperm.xlane v3, v2;
	v4 =	vadd.s32 v1, v4;
	_ =	sdelay $0x1  }
0x27d: {  	v3 =	vadd.s32 v1, v3;
	_ =	sdelay $0x1  }
0x27e: {  	s22 =	simm.s32 $0x6F00  }
0x27f: {  	[tilespmem:s22], [sflag:$0x1] =	stream.indirect_vreg.gather [hbm4b:s5+s3], $0x80, v4, vm0, $0xb8;
	[tilespmem:$0x1DF00] =	vst v63  }
0x280: {  	s23 =	simm.s32 $0x7700  }
0x281: {  	[tilespmem:s23], [sflag:$0x1] =	stream.indirect_vreg.gather [hbm4b:s5+s3], $0x80, v3, vm0, $0xb8;
	[tilespmem:$0x1DF00] =	vst v63  }
0x282: {  	v3 =	vld [tilespmem:s11+$0xD0];
	_ =	sdelay $0x4  }
0x283: {  	v4 =	vshll.u32 v3, $0x1  }
0x284: {  	v3 =	vand.u32 $0x7, v3;
	v4 =	vand.u32 $0xFFFFFFF0, v4  }
0x285: {  	v3 =	vor.u32 v3, v4  }
0x286: {  	v4 =	vperm.xlane v3, v0;
	_ =	sdelay $0x1  }
0x287: {  	v3 =	vperm.xlane v3, v2;
	v4 =	vadd.s32 v1, v4;
	_ =	sdelay $0x1  }
0x288: {  	v3 =	vadd.s32 v1, v3;
	_ =	sdelay $0x1  }
0x289: {  	s24 =	simm.s32 $0x7F00  }
0x28a: {  	[tilespmem:s24], [sflag:$0x1] =	stream.indirect_vreg.gather [hbm4b:s5+s3], $0x80, v4, vm0, $0xb8;
	[tilespmem:$0x1DF00] =	vst v63  }
0x28b: {  	s25 =	simm.s32 $0x8700  }
0x28c: {  	[tilespmem:s25], [sflag:$0x1] =	stream.indirect_vreg.gather [hbm4b:s5+s3], $0x80, v3, vm0, $0xb8;
	[tilespmem:$0x1DF00] =	vst v63  }
0x28d: {  	v3 =	vld [tilespmem:s11+$0xE0];
	_ =	sdelay $0x4  }
0x28e: {  	v4 =	vshll.u32 v3, $0x1  }
0x28f: {  	v3 =	vand.u32 $0x7, v3;
	v4 =	vand.u32 $0xFFFFFFF0, v4  }
0x290: {  	v3 =	vor.u32 v3, v4  }
0x291: {  	v4 =	vperm.xlane v3, v0;
	_ =	sdelay $0x1  }
0x292: {  	v3 =	vperm.xlane v3, v2;
	v4 =	vadd.s32 v1, v4;
	_ =	sdelay $0x1  }
0x293: {  	v3 =	vadd.s32 v1, v3;
	_ =	sdelay $0x1  }
0x294: {  	s26 =	simm.s32 $0x8F00  }
0x295: {  	[tilespmem:s26], [sflag:$0x1] =	stream.indirect_vreg.gather [hbm4b:s5+s3], $0x80, v4, vm0, $0xb8;
	[tilespmem:$0x1DF00] =	vst v63  }
0x296: {  	s28 =	simm.s32 $0x9700  }
0x297: {  	[tilespmem:s28], [sflag:$0x1] =	stream.indirect_vreg.gather [hbm4b:s5+s3], $0x80, v3, vm0, $0xb8;
	[tilespmem:$0x1DF00] =	vst v63  }
0x298: {  	v3 =	vld [tilespmem:s11+$0x2820];
	_ =	sdelay $0x4  }
0x299: {  	v4 =	vshll.u32 v3, $0x1  }
0x29a: {  	v3 =	vand.u32 $0x7, v3;
	v4 =	vand.u32 $0xFFFFFFF0, v4  }
0x29b: {  	v3 =	vor.u32 v3, v4  }
0x29c: {  	v4 =	vperm.xlane v3, v0;
	_ =	sdelay $0x1  }
0x29d: {  	v3 =	vperm.xlane v3, v2;
	v4 =	vadd.s32 v1, v4;
	_ =	sdelay $0x1  }
0x29e: {  	v3 =	vadd.s32 v1, v3;
	_ =	sdelay $0x1  }
0x29f: {  	s29 =	simm.s32 $0xEF00  }
0x2a0: {  	[tilespmem:s29], [sflag:$0x1] =	stream.indirect_vreg.gather [hbm4b:s6+s3], $0x80, v4, vm0, $0xb8;
	[tilespmem:$0x1DF00] =	vst v63  }
0x2a1: {  	s14 =	simm.s32 $0xF700  }
0x2a2: {  	[tilespmem:s14], [sflag:$0x1] =	stream.indirect_vreg.gather [hbm4b:s6+s3], $0x80, v3, vm0, $0xb8;
	[tilespmem:$0x1DF00] =	vst v63  }
0x2a3: {  	v3 =	vld [tilespmem:s11+$0x2830];
	_ =	sdelay $0x4  }
0x2a4: {  	v4 =	vshll.u32 v3, $0x1  }
0x2a5: {  	v3 =	vand.u32 $0x7, v3;
	v4 =	vand.u32 $0xFFFFFFF0, v4  }
0x2a6: {  	v3 =	vor.u32 v3, v4  }
0x2a7: {  	v4 =	vperm.xlane v3, v0;
	_ =	sdelay $0x1  }
0x2a8: {  	v3 =	vperm.xlane v3, v2;
	v4 =	vadd.s32 v1, v4;
	_ =	sdelay $0x1  }
0x2a9: {  	v3 =	vadd.s32 v1, v3;
	_ =	sdelay $0x1  }
0x2aa: {  	s15 =	simm.s32 $0xFF00  }
0x2ab: {  	[tilespmem:s15], [sflag:$0x1] =	stream.indirect_vreg.gather [hbm4b:s6+s3], $0x80, v4, vm0, $0xb8;
	[tilespmem:$0x1DF00] =	vst v63  }
0x2ac: {  	s16 =	simm.s32 $0x10700  }
0x2ad: {  	[tilespmem:s16], [sflag:$0x1] =	stream.indirect_vreg.gather [hbm4b:s6+s3], $0x80, v3, vm0, $0xb8;
	[tilespmem:$0x1DF00] =	vst v63  }
0x2ae: {  	v3 =	vld [tilespmem:s11+$0x2840];
	_ =	sdelay $0x4  }
0x2af: {  	v4 =	vshll.u32 v3, $0x1  }
0x2b0: {  	v3 =	vand.u32 $0x7, v3;
	v4 =	vand.u32 $0xFFFFFFF0, v4  }
0x2b1: {  	v3 =	vor.u32 v3, v4  }
0x2b2: {  	v4 =	vperm.xlane v3, v0;
	_ =	sdelay $0x1  }
0x2b3: {  	v3 =	vperm.xlane v3, v2;
	v4 =	vadd.s32 v1, v4;
	_ =	sdelay $0x1  }
0x2b4: {  	v3 =	vadd.s32 v1, v3;
	_ =	sdelay $0x1  }
0x2b5: {  	s17 =	simm.s32 $0x10F00  }
0x2b6: {  	[tilespmem:s17], [sflag:$0x1] =	stream.indirect_vreg.gather [hbm4b:s6+s3], $0x80, v4, vm0, $0xb8;
	[tilespmem:$0x1DF00] =	vst v63  }
0x2b7: {  	s18 =	simm.s32 $0x11700  }
0x2b8: {  	[tilespmem:s18], [sflag:$0x1] =	stream.indirect_vreg.gather [hbm4b:s6+s3], $0x80, v3, vm0, $0xb8;
	[tilespmem:$0x1DF00] =	vst v63  }
0x2b9: {  	v3 =	vld [tilespmem:s11+$0x2850];
	_ =	sdelay $0x4  }
0x2ba: {  	v4 =	vshll.u32 v3, $0x1  }
0x2bb: {  	v3 =	vand.u32 $0x7, v3;
	v4 =	vand.u32 $0xFFFFFFF0, v4  }
0x2bc: {  	v3 =	vor.u32 v3, v4  }
0x2bd: {  	v4 =	vperm.xlane v3, v0;
	_ =	sdelay $0x1  }
0x2be: {  	v3 =	vperm.xlane v3, v2;
	v4 =	vadd.s32 v1, v4;
	_ =	sdelay $0x1  }
0x2bf: {  	v3 =	vadd.s32 v1, v3;
	_ =	sdelay $0x2  }
0x2c0: {  	[tilespmem:s30], [sflag:$0x1] =	stream.indirect_vreg.gather [hbm4b:s6+s3], $0x80, v4, vm0, $0xb8;
	[tilespmem:$0x1DF00] =	vst v63  }
0x2c1: {  	_ = 	snop  }
0x2c2: {  	[tilespmem:s31], [sflag:$0x1] =	stream.indirect_vreg.gather [hbm4b:s6+s3], $0x80, v3, vm0, $0xb8;
	[tilespmem:$0x1DF00] =	vst v63  }
0x2c3: {  	v3 =	vld [tilespmem:s11+$0x2860];
	_ =	sdelay $0x4  }
0x2c4: {  	v4 =	vshll.u32 v3, $0x1  }
0x2c5: {  	v3 =	vand.u32 $0x7, v3;
	v4 =	vand.u32 $0xFFFFFFF0, v4  }
0x2c6: {  	v3 =	vor.u32 v3, v4  }
0x2c7: {  	v4 =	vperm.xlane v3, v0;
	_ =	sdelay $0x1  }
0x2c8: {  	v3 =	vperm.xlane v3, v2;
	v4 =	vadd.s32 v1, v4;
	_ =	sdelay $0x1  }
0x2c9: {  	v3 =	vadd.s32 v1, v3;
	_ =	sdelay $0x2  }
0x2ca: {  	[tilespmem:s0], [sflag:$0x1] =	stream.indirect_vreg.gather [hbm4b:s6+s3], $0x80, v4, vm0, $0xb8;
	[tilespmem:$0x1DF00] =	vst v63  }
0x2cb: {  	_ = 	snop  }
0x2cc: {  	[tilespmem:s2], [sflag:$0x1] =	stream.indirect_vreg.gather [hbm4b:s6+s3], $0x80, v3, vm0, $0xb8;
	[tilespmem:$0x1DF00] =	vst v63  }
0x2cd: {  	_ =	swait.ge [sflag:s10], $0x5000  }
0x2ce: {  	[sflag:s10] =	ssyncset.done $0x0  }
0x2cf: {  	[sflag:s10] =	ssyncadd.s32 $0xFFFFB000  }
0x2d0: {  	_ =	swait.ge [sflag:s10], $0x5000  }
0x2d1: {  	[sflag:s10] =	ssyncset.done $0x0  }
0x2d2: {  	s11 =	simm.s32 @!p0 $0x4;
	[sflag:s10] =	ssyncadd.s32 $0xFFFFB000  }
0x2d3: {  	s19 =	simm.s32 $0x0;
	s20 =	simm.s32 $0x0;
	_ =	swait.ge @!p0 [sflag:s11], $0x2800  }
0x2d4: {  	s13 =	sand.u32 $0x7800, s19;
	s14 =	sand.u32 $0x300, s20;
	[sflag:s11] =	ssyncset.done @!p0 $0x0  }
0x2d5: {  	s19 =	sor.u32 s14, s13;
	[sflag:s11] =	ssyncadd.s32 @!p0 $0xFFFFD800  }
0x2d6: {  	v3 =	vld [tilespmem:s19+$0xA300]  }
0x2d7: {  	v4 =	vld [tilespmem:s19+$0x14300];
	_ =	sdelay $0x2  }
0x2d8: {  	s21 =	simm.s32 $0x80  }
0x2d9: {  	s11 =	sand.u32 $0x380, s21  }
0x2da: {  	s13 =	sor.u32 s13, s11;
	v5 =	vmul.f32 v4, v3  }
0x2db: {  	v6 =	vld [tilespmem:s13+$0xA300]  }
0x2dc: {  	v7 =	vld [tilespmem:s13+$0x14300];
	v5 =	vadd.f32 $1.000000000e+00, v5  }
0x2dd: {  	v8 =	vld [tilespmem:s19+$0x9F00]  }
0x2de: {  	(erf) = vrcp.f32 v5;
	v5 =	vld [tilespmem:s19+$0x13F00];
	_ =	sdelay $0x2  }
0x2df: {  	v9 =	vmul.f32 v7, v6;
	_ =	sdelay $0x1  }
0x2e0: {  	v9 =	vadd.f32 $1.000000000e+00, v9;
	v5 =	vadd.f32 v5, v8  }
0x2e1: {  	v3 =	vadd.f32 v4, v3;
	v4 =	vld [tilespmem:s13+$0x9F00]  }
0x2e2: {  	(erf) = vrcp.f32 v9;
	v8 =	vld [tilespmem:s13+$0x13F00]  }
0x2e3: {  	v3 =	vmul.f32 v3, v5  }
0x2e4: {  	v5 =	vpop (erf)  }
0x2e5: {  	v3 =	vmul.f32 v5, v3  }
0x2e6: {  	s11 =	simm.s32 $0x1B780  }
0x2e7: {  	v4 =	vadd.f32 v8, v4;
	[tilespmem:s11+$0xFFFFFF80] =	vst v3  }
0x2e8: {  	v3 =	vadd.f32 v7, v6;
	v5 =	vld [tilespmem:s19+$0xA310]  }
0x2e9: {  	v6 =	vld [tilespmem:s19+$0x14310]  }
0x2ea: {  	v3 =	vmul.f32 v3, v4  }
0x2eb: {  	v4 =	vpop (erf)  }
0x2ec: {  	v3 =	vmul.f32 v4, v3;
	_ =	sdelay $0x1  }
0x2ed: {  	[tilespmem:s11+$0x0] =	vst v3;
	v3 =	vmul.f32 v6, v5  }
0x2ee: {  	v4 =	vld [tilespmem:s13+$0xA310]  }
0x2ef: {  	v7 =	vld [tilespmem:s13+$0x14310];
	v3 =	vadd.f32 $1.000000000e+00, v3;
	_ =	sdelay $0x1  }
0x2f0: {  	v8 =	vld [tilespmem:s19+$0x9F10];
	(erf) = vrcp.f32 v3  }
0x2f1: {  	v3 =	vld [tilespmem:s19+$0x13F10];
	_ =	sdelay $0x1  }
0x2f2: {  	v9 =	vmul.f32 v7, v4;
	_ =	sdelay $0x1  }
0x2f3: {  	v5 =	vadd.f32 v6, v5;
	v9 =	vadd.f32 $1.000000000e+00, v9  }
0x2f4: {  	v6 =	vld [tilespmem:s13+$0x9F10];
	v3 =	vadd.f32 v3, v8  }
0x2f5: {  	v8 =	vld [tilespmem:s13+$0x13F10];
	(erf) = vrcp.f32 v9  }
0x2f6: {  	v3 =	vmul.f32 v5, v3  }
0x2f7: {  	v5 =	vpop (erf)  }
0x2f8: {  	v3 =	vmul.f32 v5, v3;
	_ =	sdelay $0x1  }
0x2f9: {  	[tilespmem:s11+$0xFFFFFF90] =	vst v3;
	v3 =	vadd.f32 v7, v4;
	v4 =	vadd.f32 v8, v6  }
0x2fa: {  	v5 =	vld [tilespmem:s19+$0xA320]  }
0x2fb: {  	v6 =	vld [tilespmem:s19+$0x14320]  }
0x2fc: {  	v3 =	vmul.f32 v3, v4  }
0x2fd: {  	v4 =	vpop (erf)  }
0x2fe: {  	v3 =	vmul.f32 v4, v3;
	_ =	sdelay $0x1  }
0x2ff: {  	[tilespmem:s11+$0x10] =	vst v3;
	v3 =	vmul.f32 v6, v5  }
0x300: {  	v4 =	vld [tilespmem:s13+$0xA320]  }
0x301: {  	v7 =	vld [tilespmem:s13+$0x14320];
	v3 =	vadd.f32 $1.000000000e+00, v3;
	_ =	sdelay $0x1  }
0x302: {  	v8 =	vld [tilespmem:s19+$0x9F20];
	(erf) = vrcp.f32 v3  }
0x303: {  	v3 =	vld [tilespmem:s19+$0x13F20];
	_ =	sdelay $0x1  }
0x304: {  	v9 =	vmul.f32 v7, v4;
	_ =	sdelay $0x1  }
0x305: {  	s22 =	simm.s32 $0x100;
	s23 =	simm.s32 $0x200;
	v9 =	vadd.f32 $1.000000000e+00, v9  }
0x306: {  	s24 =	sand.u32 $0x7800, s23;
	s14 =	sand.u32 $0x300, s22;
	v5 =	vadd.f32 v6, v5;
	v10 =	vld [tilespmem:s13+$0x9F20];
	v3 =	vadd.f32 v3, v8  }
0x307: {  	s15 =	sor.u32 s14, s24;
	v6 =	vld [tilespmem:s13+$0x13F20];
	(erf) = vrcp.f32 v9  }
0x308: {  	s25 =	simm.s32 $0x180;
	v8 =	vld [tilespmem:s15+$0xA300];
	v3 =	vmul.f32 v5, v3  }
0x309: {  	s14 =	sand.u32 $0x380, s25;
	v5 =	vld [tilespmem:s15+$0x14300];
	v9 =	vpop (erf)  }
0x30a: {  	s14 =	sor.u32 s24, s14;
	v3 =	vmul.f32 v9, v3  }
0x30b: {  	v11 =	vld [tilespmem:s14+$0x14300]  }
0x30c: {  	v9 =	vld [tilespmem:s14+$0xA300];
	[tilespmem:s11+$0xFFFFFFA0] =	vst v3;
	v3 =	vadd.f32 v7, v4;
	v4 =	vadd.f32 v6, v10;
	_ =	sdelay $0x1  }
0x30d: {  	v7 =	vmul.f32 v5, v8;
	v6 =	vld [tilespmem:s19+$0xA330]  }
0x30e: {  	v10 =	vld [tilespmem:s19+$0x14330];
	v3 =	vmul.f32 v3, v4  }
0x30f: {  	v7 =	vadd.f32 $1.000000000e+00, v7;
	v4 =	vpop (erf)  }
0x310: {  	v12 =	vld [tilespmem:s14+$0x9F00];
	v3 =	vmul.f32 v4, v3;
	v4 =	vmul.f32 v11, v9  }
0x311: {  	v13 =	vld [tilespmem:s15+$0x9F00];
	(erf) = vrcp.f32 v7  }
0x312: {  	[tilespmem:s11+$0x20] =	vst v3;
	v3 =	vld [tilespmem:s15+$0x13F00];
	v4 =	vadd.f32 $1.000000000e+00, v4  }
0x313: {  	v15 =	vld [tilespmem:s14+$0x13F00];
	v7 =	vmul.f32 v10, v6  }
0x314: {  	v14 =	vld [tilespmem:s13+$0xA330];
	(erf) = vrcp.f32 v4  }
0x315: {  	v4 =	vadd.f32 $1.000000000e+00, v7;
	v7 =	vld [tilespmem:s13+$0x14330];
	_ =	sdelay $0x1  }
0x316: {  	v16 =	vld [tilespmem:s19+$0x9F30];
	(erf) = vrcp.f32 v4;
	v4 =	vadd.f32 v5, v8;
	v3 =	vadd.f32 v3, v13  }
0x317: {  	v5 =	vld [tilespmem:s19+$0x13F30]  }
0x318: {  	v3 =	vmul.f32 v4, v3  }
0x319: {  	v8 =	vadd.f32 v11, v9;
	v9 =	vadd.f32 v15, v12;
	v11 =	vpop (erf);
	v4 =	vmul.f32 v7, v14  }
0x31a: {  	v3 =	vmul.f32 v11, v3  }
0x31b: {  	s16 =	simm.s32 $0x1B880;
	v6 =	vadd.f32 v10, v6;
	v10 =	vld [tilespmem:s13+$0x13F30];
	v8 =	vmul.f32 v8, v9;
	v4 =	vadd.f32 $1.000000000e+00, v4  }
0x31c: {  	v9 =	vld [tilespmem:s13+$0x9F30];
	v5 =	vadd.f32 v5, v16;
	v11 =	vpop (erf);
	[tilespmem:s16+$0xFFFFFF80] =	vst v3  }
0x31d: {  	(erf) = vrcp.f32 v4;
	v3 =	vmul.f32 v11, v8;
	v4 =	vld [tilespmem:s15+$0xA310]  }
0x31e: {  	v5 =	vmul.f32 v6, v5;
	v6 =	vld [tilespmem:s15+$0x14310]  }
0x31f: {  	v8 =	vpop (erf);
	[tilespmem:s16+$0x0] =	vst v3  }
0x320: {  	v3 =	vmul.f32 v8, v5;
	v5 =	vld [tilespmem:s14+$0xA310]  }
0x321: {  	v8 =	vld [tilespmem:s14+$0x14310]  }
0x322: {  	[tilespmem:s11+$0xFFFFFFB0] =	vst v3  }
0x323: {  	v3 =	vadd.f32 v7, v14;
	v7 =	vadd.f32 v10, v9;
	v9 =	vld [tilespmem:s19+$0xA340];
	v10 =	vmul.f32 v6, v4  }
0x324: {  	v11 =	vld [tilespmem:s19+$0x14340]  }
0x325: {  	v3 =	vmul.f32 v3, v7;
	v7 =	vadd.f32 $1.000000000e+00, v10  }
0x326: {  	v13 =	vmul.f32 v8, v5  }
0x327: {  	v10 =	vpop (erf);
	(erf) = vrcp.f32 v7;
	v7 =	vld [tilespmem:s15+$0x13F10]  }
0x328: {  	v3 =	vmul.f32 v10, v3;
	v10 =	vld [tilespmem:s15+$0x9F10];
	v13 =	vadd.f32 $1.000000000e+00, v13  }
0x329: {  	v12 =	vld [tilespmem:s14+$0x9F10];
	v14 =	vmul.f32 v11, v9  }
0x32a: {  	v15 =	vld [tilespmem:s14+$0x13F10];
	[tilespmem:s11+$0x30] =	vst v3;
	(erf) = vrcp.f32 v13  }
0x32b: {  	v13 =	vadd.f32 $1.000000000e+00, v14;
	v3 =	vld [tilespmem:s13+$0xA340]  }
0x32c: {  	v14 =	vld [tilespmem:s13+$0x14340]  }
0x32d: {  	v16 =	vld [tilespmem:s19+$0x9F40];
	v4 =	vadd.f32 v6, v4;
	(erf) = vrcp.f32 v13;
	v7 =	vadd.f32 v7, v10  }
0x32e: {  	v6 =	vld [tilespmem:s19+$0x13F40]  }
0x32f: {  	v4 =	vmul.f32 v4, v7  }
0x330: {  	v5 =	vadd.f32 v8, v5;
	v8 =	vadd.f32 v15, v12;
	v10 =	vpop (erf)  }
0x331: {  	v7 =	vmul.f32 v14, v3;
	v4 =	vmul.f32 v10, v4  }
0x332: {  	v5 =	vmul.f32 v5, v8;
	v9 =	vadd.f32 v11, v9;
	v8 =	vld [tilespmem:s13+$0x9F40]  }
0x333: {  	v6 =	vadd.f32 v6, v16;
	v10 =	vld [tilespmem:s13+$0x13F40];
	v7 =	vadd.f32 $1.000000000e+00, v7;
	v11 =	vpop (erf);
	[tilespmem:s16+$0xFFFFFF90] =	vst v4  }
0x334: {  	v4 =	vmul.f32 v11, v5;
	v5 =	vld [tilespmem:s15+$0xA320]  }
0x335: {  	v6 =	vmul.f32 v9, v6;
	(erf) = vrcp.f32 v7;
	v7 =	vld [tilespmem:s15+$0x14320]  }
0x336: {  	v9 =	vpop (erf)  }
0x337: {  	[tilespmem:s16+$0x10] =	vst v4;
	v4 =	vmul.f32 v9, v6  }
0x338: {  	v6 =	vld [tilespmem:s14+$0xA320]  }
0x339: {  	v9 =	vld [tilespmem:s14+$0x14320];
	[tilespmem:s11+$0xFFFFFFC0] =	vst v4  }
0x33a: {  	v4 =	vadd.f32 v10, v8;
	v8 =	vld [tilespmem:s19+$0xA350];
	v10 =	vmul.f32 v7, v5  }
0x33b: {  	v3 =	vadd.f32 v14, v3;
	v11 =	vld [tilespmem:s19+$0x14350]  }
0x33c: {  	v10 =	vadd.f32 $1.000000000e+00, v10  }
0x33d: {  	s26 =	simm.s32 $0x200;
	s20 =	simm.s32 $0x400;
	v3 =	vmul.f32 v3, v4  }
0x33e: {  	s17 =	sand.u32 $0x300, s26;
	s21 =	sand.u32 $0x7800, s20;
	v14 =	vld [tilespmem:s15+$0x9F20];
	v12 =	vpop (erf);
	(erf) = vrcp.f32 v10  }
0x33f: {  	s18 =	sor.u32 s17, s21;
	v10 =	vld [tilespmem:s15+$0x13F20];
	v3 =	vmul.f32 v12, v3;
	v12 =	vmul.f32 v9, v6  }
0x340: {  	v47 =	vld [tilespmem:s18+$0x14300];
	v15 =	vmul.f32 v11, v8  }
0x341: {  	v17 =	vld [tilespmem:s19+$0x9F50];
	[tilespmem:s11+$0x40] =	vst v3;
	v3 =	vadd.f32 $1.000000000e+00, v12  }
0x342: {  	v15 =	vadd.f32 $1.000000000e+00, v15;
	v12 =	vld [tilespmem:s13+$0xA350]  }
0x343: {  	v16 =	vld [tilespmem:s13+$0x14350];
	(erf) = vrcp.f32 v3  }
0x344: {  	s28 =	simm.s32 $0x280;
	v5 =	vadd.f32 v7, v5;
	v7 =	vld [tilespmem:s19+$0x13F50];
	v10 =	vadd.f32 v10, v14;
	(erf) = vrcp.f32 v15  }
0x345: {  	s29 =	sand.u32 $0x380, s28;
	v13 =	vld [tilespmem:s14+$0x13F20]  }
0x346: {  	s17 =	sor.u32 s21, s29;
	v4 =	vld [tilespmem:s14+$0x9F20];
	v5 =	vmul.f32 v5, v10  }
0x347: {  	v49 =	vld [tilespmem:s17+$0xA300];
	v48 =	vpop (erf)  }
0x348: {  	v15 =	vld [tilespmem:s18+$0xA300];
	v10 =	vmul.f32 v16, v12;
	v5 =	vmul.f32 v48, v5  }
0x349: {  	v50 =	vld [tilespmem:s17+$0x14300];
	v7 =	vadd.f32 v7, v17  }
0x34a: {  	v8 =	vadd.f32 v11, v8;
	v3 =	vld [tilespmem:s13+$0x9F50];
	v10 =	vadd.f32 $1.000000000e+00, v10  }
0x34b: {  	v6 =	vadd.f32 v9, v6;
	v4 =	vadd.f32 v13, v4;
	v14 =	vld [tilespmem:s13+$0x13F50];
	[tilespmem:s16+$0xFFFFFFA0] =	vst v5  }
0x34c: {  	v7 =	vmul.f32 v8, v7;
	(erf) = vrcp.f32 v10;
	v10 =	vld [tilespmem:s15+$0xA330];
	v5 =	vpop (erf)  }
0x34d: {  	v4 =	vmul.f32 v6, v4;
	v8 =	vmul.f32 v47, v15;
	v11 =	vld [tilespmem:s15+$0x14330];
	v13 =	vpop (erf)  }
0x34e: {  	v9 =	vld [tilespmem:s17+$0x9F00];
	v7 =	vmul.f32 v13, v7  }
0x34f: {  	v8 =	vadd.f32 $1.000000000e+00, v8;
	v4 =	vmul.f32 v5, v4;
	v5 =	vld [tilespmem:s18+$0x13F00]  }
0x350: {  	v17 =	vmul.f32 v50, v49;
	v13 =	vld [tilespmem:s18+$0x9F00];
	[tilespmem:s11+$0xFFFFFFD0] =	vst v7  }
0x351: {  	(erf) = vrcp.f32 v8;
	v8 =	vld [tilespmem:s19+$0xA360]  }
0x352: {  	v3 =	vadd.f32 v14, v3;
	[tilespmem:s16+$0x20] =	vst v4;
	v7 =	vadd.f32 $1.000000000e+00, v17;
	v4 =	vmul.f32 v11, v10;
	v14 =	vld [tilespmem:s19+$0x14360]  }
0x353: {  	v6 =	vld [tilespmem:s17+$0x13F00]  }
0x354: {  	v12 =	vadd.f32 v16, v12;
	(erf) = vrcp.f32 v7;
	v4 =	vadd.f32 $1.000000000e+00, v4;
	_ =	sdelay $0x1  }
0x355: {  	v3 =	vmul.f32 v12, v3;
	v12 =	vld [tilespmem:s14+$0x14330];
	(erf) = vrcp.f32 v4  }
0x356: {  	v7 =	vld [tilespmem:s14+$0xA330];
	v4 =	vadd.f32 v5, v13;
	v5 =	vadd.f32 v47, v15;
	v15 =	vmul.f32 v14, v8  }
0x357: {  	v6 =	vadd.f32 v6, v9;
	v9 =	vld [tilespmem:s14+$0x9F30]  }
0x358: {  	v17 =	vadd.f32 v50, v49;
	v16 =	vpop (erf);
	v13 =	vld [tilespmem:s15+$0x13F30];
	v15 =	vadd.f32 $1.000000000e+00, v15  }
0x359: {  	v3 =	vmul.f32 v16, v3;
	v16 =	vld [tilespmem:s15+$0x9F30];
	v4 =	vmul.f32 v5, v4  }
0x35a: {  	v52 =	vld [tilespmem:s19+$0x9F60];
	v6 =	vmul.f32 v17, v6;
	v51 =	vpop (erf)  }
0x35b: {  	v10 =	vadd.f32 v11, v10;
	v11 =	vld [tilespmem:s19+$0x13F60];
	v5 =	vmul.f32 v12, v7;
	v4 =	vmul.f32 v51, v4  }
0x35c: {  	s21 =	simm.s32 $0x1B980;
	[tilespmem:s11+$0x50] =	vst v3;
	v3 =	vld [tilespmem:s14+$0x13F30];
	(erf) = vrcp.f32 v15;
	v15 =	vpop (erf)  }
0x35d: {  	v17 =	vld [tilespmem:s13+$0xA360];
	v5 =	vadd.f32 $1.000000000e+00, v5;
	[tilespmem:s21+$0xFFFFFF80] =	vst v4;
	v4 =	vmul.f32 v15, v6  }
0x35e: {  	v13 =	vadd.f32 v13, v16;
	v16 =	vld [tilespmem:s13+$0x14360]  }
0x35f: {  	(erf) = vrcp.f32 v5;
	v5 =	vld [tilespmem:s18+$0xA310]  }
0x360: {  	v6 =	vmul.f32 v10, v13;
	v10 =	vld [tilespmem:s18+$0x14310];
	[tilespmem:s21+$0x0] =	vst v4  }
0x361: {  	v13 =	vld [tilespmem:s17+$0xA310];
	v4 =	vpop (erf)  }
0x362: {  	v11 =	vadd.f32 v11, v52;
	v8 =	vadd.f32 v14, v8;
	v4 =	vmul.f32 v4, v6;
	v6 =	vld [tilespmem:s17+$0x14310]  }
0x363: {  	v7 =	vadd.f32 v12, v7;
	v3 =	vadd.f32 v3, v9  }
0x364: {  	v8 =	vmul.f32 v8, v11;
	v12 =	vld [tilespmem:s17+$0x9F10];
	[tilespmem:s16+$0xFFFFFFB0] =	vst v4;
	v4 =	vmul.f32 v16, v17  }
0x365: {  	v3 =	vmul.f32 v7, v3;
	v7 =	vld [tilespmem:s17+$0x13F10];
	v11 =	vmul.f32 v10, v5  }
0x366: {  	v15 =	vpop (erf);
	v9 =	vld [tilespmem:s15+$0xA340];
	v4 =	vadd.f32 $1.000000000e+00, v4  }
0x367: {  	v8 =	vmul.f32 v15, v8;
	v11 =	vadd.f32 $1.000000000e+00, v11;
	v14 =	vld [tilespmem:s15+$0x14340];
	v53 =	vmul.f32 v6, v13  }
0x368: {  	v15 =	vld [tilespmem:s18+$0x9F10];
	(erf) = vrcp.f32 v4  }
0x369: {  	v54 =	vpop (erf);
	v57 =	vld [tilespmem:s15+$0x9F40];
	[tilespmem:s11+$0xFFFFFFE0] =	vst v8;
	v8 =	vadd.f32 $1.000000000e+00, v53;
	(erf) = vrcp.f32 v11  }
0x36a: {  	v3 =	vmul.f32 v54, v3;
	v4 =	vld [tilespmem:s18+$0x13F10]  }
0x36b: {  	v5 =	vadd.f32 v10, v5;
	v10 =	vld [tilespmem:s15+$0x13F40];
	(erf) = vrcp.f32 v8  }
0x36c: {  	[tilespmem:s16+$0x30] =	vst v3;
	v3 =	vld [tilespmem:s19+$0x14370];
	v55 =	vmul.f32 v14, v9  }
0x36d: {  	v11 =	vld [tilespmem:s19+$0xA370]  }
0x36e: {  	v56 =	vld [tilespmem:s14+$0x14340];
	v18 =	vadd.f32 $1.000000000e+00, v55  }
0x36f: {  	v8 =	vld [tilespmem:s14+$0xA340];
	v4 =	vadd.f32 v4, v15  }
0x370: {  	v7 =	vadd.f32 v7, v12;
	v6 =	vadd.f32 v6, v13;
	(erf) = vrcp.f32 v18  }
0x371: {  	v4 =	vmul.f32 v5, v4;
	v58 =	vpop (erf)  }
0x372: {  	v59 =	vld [tilespmem:s13+$0x13F60];
	v6 =	vmul.f32 v6, v7;
	v60 =	vpop (erf)  }
0x373: {  	v15 =	vld [tilespmem:s13+$0x9F60];
	v13 =	vmul.f32 v3, v11;
	v4 =	vmul.f32 v60, v4  }
0x374: {  	v10 =	vadd.f32 v10, v57;
	v5 =	vmul.f32 v56, v8;
	v61 =	vpop (erf)  }
0x375: {  	v12 =	vld [tilespmem:s14+$0x9F40];
	v9 =	vadd.f32 v14, v9;
	v13 =	vadd.f32 $1.000000000e+00, v13;
	[tilespmem:s21+$0xFFFFFF90] =	vst v4;
	v4 =	vmul.f32 v61, v6  }
0x376: {  	v7 =	vld [tilespmem:s14+$0x13F40];
	v5 =	vadd.f32 $1.000000000e+00, v5  }
0x377: {  	v14 =	vld [tilespmem:s19+$0x13F70];
	v9 =	vmul.f32 v9, v10;
	(erf) = vrcp.f32 v13  }
0x378: {  	v10 =	vadd.f32 v16, v17;
	v13 =	vld [tilespmem:s19+$0x9F70];
	v15 =	vadd.f32 v59, v15;
	(erf) = vrcp.f32 v5  }
0x379: {  	v5 =	vld [tilespmem:s18+$0xA320];
	[tilespmem:s21+$0x10] =	vst v4;
	v4 =	vpop (erf)  }
0x37a: {  	v6 =	vld [tilespmem:s18+$0x14320];
	v4 =	vmul.f32 v4, v9;
	v9 =	vmul.f32 v10, v15  }
0x37b: {  	v16 =	vld [tilespmem:s17+$0xA320]  }
0x37c: {  	v12 =	vadd.f32 v7, v12;
	v3 =	vadd.f32 v3, v11;
	v10 =	vld [tilespmem:s17+$0x14320];
	v9 =	vmul.f32 v58, v9  }
0x37d: {  	v13 =	vadd.f32 v14, v13;
	v11 =	vld [tilespmem:s17+$0x13F20];
	[tilespmem:s16+$0xFFFFFFC0] =	vst v4;
	v4 =	vadd.f32 v56, v8  }
0x37e: {  	v7 =	vld [tilespmem:s15+$0xA350]  }
0x37f: {  	v8 =	vld [tilespmem:s15+$0x14350];
	v4 =	vmul.f32 v4, v12;
	v12 =	vmul.f32 v6, v5  }
0x380: {  	v15 =	vld [tilespmem:s17+$0x9F20];
	[tilespmem:s11+$0x60] =	vst v9;
	v9 =	vpop (erf)  }
0x381: {  	v3 =	vmul.f32 v3, v13;
	v14 =	vld [tilespmem:s13+$0xA370];
	v17 =	vmul.f32 v10, v16;
	v63 =	vadd.f32 $1.000000000e+00, v12;
	v13 =	vpop (erf)  }
0x382: {  	v62 =	vld [tilespmem:s13+$0x14370];
	v4 =	vmul.f32 v13, v4  }
0x383: {  	v12 =	vld [tilespmem:s18+$0x9F20];
	v3 =	vmul.f32 v9, v3;
	v9 =	vadd.f32 $1.000000000e+00, v17;
	(erf) = vrcp.f32 v63  }
0x384: {  	v13 =	vld [tilespmem:s18+$0x13F20];
	v17 =	vmul.f32 v8, v7;
	[tilespmem:s16+$0x40] =	vst v4  }
0x385: {  	v16 =	vadd.f32 v10, v16;
	v11 =	vadd.f32 v11, v15;
	(erf) = vrcp.f32 v9;
	v4 =	vld [tilespmem:s14+$0xA350]  }
0x386: {  	v15 =	vadd.f32 $1.000000000e+00, v17;
	v10 =	vld [tilespmem:s14+$0x14350]  }
0x387: {  	s23 =	simm.s32 $0x380;
	s22 =	simm.s32 $0x4;
	s19 =	simm.s32 $0x1B980;
	v11 =	vmul.f32 v16, v11;
	[tilespmem:s11+$0xFFFFFFF0] =	vst v3;
	v3 =	vadd.f32 v62, v14;
	v14 =	vmul.f32 v62, v14;
	v9 =	vld [tilespmem:s14+$0x9F50]  }
.LBB2_5:
0x388: {  	s24 =	sadd.s32 $0xFFFFFF80, s23;
	s26 =	sand.u32 $0x380, s23;
	s20 =	sadd.s32 $0x200, s20;
	v16 =	vld [tilespmem:s15+$0x9F50];
	(erf) = vrcp.f32 v15  }
0x389: {  	v5 =	vadd.f32 v6, v5;
	s28 =	sand.u32 $0x7800, s20;
	s24 =	sand.u32 $0x300, s24;
	v12 =	vadd.f32 v13, v12;
	v6 =	vld [tilespmem:s15+$0x13F50]  }
0x38a: {  	v14 =	vadd.f32 $1.000000000e+00, v14;
	s25 =	sor.u32 s24, s28;
	s24 =	sor.u32 s28, s26;
	v13 =	vld [tilespmem:s14+$0x13F50]  }
0x38b: {  	v15 =	vld [tilespmem:s25+$0xA300];
	v5 =	vmul.f32 v5, v12;
	v12 =	vadd.f32 v10, v4;
	v4 =	vmul.f32 v10, v4  }
0x38c: {  	v10 =	vld [tilespmem:s25+$0x14300];
	v17 =	vpop (erf);
	(erf) = vrcp.f32 v14  }
0x38d: {  	v14 =	vld [tilespmem:s24+$0xA300];
	v5 =	vmul.f32 v17, v5;
	v4 =	vadd.f32 $1.000000000e+00, v4  }
0x38e: {  	v7 =	vadd.f32 v8, v7;
	v17 =	vld [tilespmem:s24+$0x14300];
	v18 =	vpop (erf);
	v6 =	vadd.f32 v6, v16  }
0x38f: {  	v8 =	vld [tilespmem:s24+$0x9F00];
	[tilespmem:s21+$0xFFFFFFA0] =	vst v5;
	v5 =	vmul.f32 v18, v11;
	v13 =	vadd.f32 v13, v9;
	(erf) = vrcp.f32 v4  }
0x390: {  	s22 =	sadd.s32 $0x2, s22;
	v11 =	vld [tilespmem:s18+$0xA330];
	v4 =	vmul.f32 v7, v6  }
0x391: {  	p0 =	slt.u32 s22, $0x4E;
	v6 =	vmul.f32 v10, v15;
	v7 =	vld [tilespmem:s18+$0x14330];
	[tilespmem:s21+$0x20] =	vst v5;
	v5 =	vmul.f32 v12, v13;
	v9 =	vpop (erf)  }
0x392: {  	v12 =	vld [tilespmem:s24+$0x13F00];
	v18 =	vmul.f32 v9, v4  }
0x393: {  	v9 =	vld [tilespmem:s25+$0x9F00];
	v6 =	vadd.f32 $1.000000000e+00, v6;
	v13 =	vadd.f32 v17, v14;
	v14 =	vmul.f32 v17, v14  }
0x394: {  	v16 =	vld [tilespmem:s25+$0x13F00];
	[tilespmem:s16+$0xFFFFFFD0] =	vst v18  }
0x395: {  	v14 =	vadd.f32 $1.000000000e+00, v14;
	(erf) = vrcp.f32 v6;
	v6 =	vld [tilespmem:s15+$0xA360];
	v4 =	vpop (erf)  }
0x396: {  	v17 =	vmul.f32 v7, v11;
	v18 =	vld [tilespmem:s15+$0x14360]  }
0x397: {  	v8 =	vadd.f32 v12, v8;
	(erf) = vrcp.f32 v14;
	v12 =	vld [tilespmem:s17+$0xA330]  }
0x398: {  	v14 =	vadd.f32 $1.000000000e+00, v17;
	v17 =	vld [tilespmem:s17+$0x14330];
	v19 =	vpop (erf)  }
0x399: {  	v8 =	vmul.f32 v13, v8;
	v13 =	vld [tilespmem:s17+$0x9F30];
	v5 =	vmul.f32 v19, v5  }
0x39a: {  	v19 =	vld [tilespmem:s18+$0x9F30];
	(erf) = vrcp.f32 v14  }
0x39b: {  	v10 =	vadd.f32 v10, v15;
	v9 =	vadd.f32 v16, v9;
	v14 =	vld [tilespmem:s18+$0x13F30];
	v15 =	vmul.f32 v18, v6;
	[tilespmem:s16+$0x50] =	vst v5  }
0x39c: {  	v5 =	vld [tilespmem:s17+$0x13F30]  }
0x39d: {  	v9 =	vmul.f32 v10, v9;
	v10 =	vmul.f32 v17, v12;
	v21 =	vadd.f32 $1.000000000e+00, v15;
	v16 =	vld [tilespmem:s14+$0xA360]  }
0x39e: {  	v12 =	vadd.f32 v17, v12;
	v20 =	vpop (erf);
	v17 =	vld [tilespmem:s14+$0x14360]  }
0x39f: {  	v9 =	vmul.f32 v20, v9;
	v10 =	vadd.f32 $1.000000000e+00, v10;
	v20 =	vld [tilespmem:s15+$0x9F60];
	(erf) = vrcp.f32 v21  }
0x3a0: {  	s21 =	sadd.s32 $0x100, s21;
	v7 =	vadd.f32 v7, v11;
	v15 =	vpop (erf);
	v14 =	vadd.f32 v14, v19;
	v11 =	vld [tilespmem:s15+$0x13F60]  }
0x3a1: {  	[tilespmem:s21+$0xFFFFFF80] =	vst v9;
	v15 =	vmul.f32 v15, v8;
	v5 =	vadd.f32 v5, v13;
	(erf) = vrcp.f32 v10;
	v9 =	vld [tilespmem:s14+$0x9F60]  }
0x3a2: {  	v10 =	vld [tilespmem:s25+$0xA310];
	v7 =	vmul.f32 v7, v14  }
0x3a3: {  	v13 =	vld [tilespmem:s25+$0x14310];
	[tilespmem:s21+$0x0] =	vst v15;
	v5 =	vmul.f32 v12, v5;
	v8 =	vpop (erf);
	v12 =	vadd.f32 v17, v16;
	v14 =	vmul.f32 v17, v16  }
0x3a4: {  	v15 =	vld [tilespmem:s24+$0xA310];
	v7 =	vmul.f32 v8, v7  }
0x3a5: {  	v6 =	vadd.f32 v18, v6;
	v8 =	vld [tilespmem:s24+$0x14310];
	v11 =	vadd.f32 v11, v20  }
0x3a6: {  	v16 =	vld [tilespmem:s24+$0x9F10];
	[tilespmem:s19+$0xFFFFFFB0] =	vst v7;
	v7 =	vadd.f32 $1.000000000e+00, v14  }
0x3a7: {  	v14 =	vld [tilespmem:s18+$0xA340];
	v6 =	vmul.f32 v6, v11  }
0x3a8: {  	v11 =	vmul.f32 v13, v10;
	v17 =	vld [tilespmem:s18+$0x14340];
	v18 =	vpop (erf);
	(erf) = vrcp.f32 v7  }
0x3a9: {  	v7 =	vld [tilespmem:s24+$0x13F10];
	v6 =	vmul.f32 v18, v6  }
0x3aa: {  	v18 =	vld [tilespmem:s25+$0x9F10];
	v11 =	vadd.f32 $1.000000000e+00, v11;
	v19 =	vadd.f32 v8, v15;
	v8 =	vmul.f32 v8, v15;
	v15 =	vpop (erf)  }
0x3ab: {  	v20 =	vld [tilespmem:s25+$0x13F10];
	v5 =	vmul.f32 v15, v5;
	[tilespmem:s16+$0xFFFFFFE0] =	vst v6  }
0x3ac: {  	v6 =	vadd.f32 $1.000000000e+00, v8;
	(erf) = vrcp.f32 v11;
	v8 =	vld [tilespmem:s15+$0xA370]  }
0x3ad: {  	v11 =	vmul.f32 v17, v14;
	[tilespmem:s19+$0x30] =	vst v5;
	v15 =	vld [tilespmem:s15+$0x14370]  }
0x3ae: {  	v5 =	vadd.f32 v7, v16;
	(erf) = vrcp.f32 v6;
	v6 =	vld [tilespmem:s17+$0xA340]  }
0x3af: {  	v21 =	vadd.f32 $1.000000000e+00, v11;
	v11 =	vld [tilespmem:s17+$0x14340]  }
0x3b0: {  	v5 =	vmul.f32 v19, v5;
	v16 =	vld [tilespmem:s17+$0x9F40]  }
0x3b1: {  	v19 =	vld [tilespmem:s18+$0x9F40];
	(erf) = vrcp.f32 v21;
	v7 =	vpop (erf)  }
0x3b2: {  	v10 =	vadd.f32 v13, v10;
	v18 =	vadd.f32 v20, v18;
	v13 =	vld [tilespmem:s18+$0x13F40];
	v20 =	vmul.f32 v15, v8  }
0x3b3: {  	v21 =	vld [tilespmem:s17+$0x13F40]  }
0x3b4: {  	v10 =	vmul.f32 v10, v18;
	v18 =	vmul.f32 v11, v6;
	v25 =	vadd.f32 $1.000000000e+00, v20;
	v22 =	vld [tilespmem:s14+$0x13F60]  }
0x3b5: {  	v11 =	vadd.f32 v11, v6;
	v23 =	vpop (erf);
	v24 =	vld [tilespmem:s13+$0x9F70]  }
0x3b6: {  	v6 =	vmul.f32 v23, v10;
	v10 =	vadd.f32 $1.000000000e+00, v18;
	v18 =	vld [tilespmem:s15+$0x9F70];
	(erf) = vrcp.f32 v25  }
0x3b7: {  	v23 =	vadd.f32 v17, v14;
	v20 =	vpop (erf);
	v13 =	vadd.f32 v13, v19;
	v17 =	vld [tilespmem:s15+$0x13F70];
	s15 =	smov.u32 s18;
	s18 =	smov.u32 s25  }
0x3b8: {  	[tilespmem:s21+$0xFFFFFF90] =	vst v6;
	v19 =	vmul.f32 v20, v5;
	v16 =	vadd.f32 v21, v16;
	(erf) = vrcp.f32 v10;
	v10 =	vld [tilespmem:s13+$0x13F70];
	s13 =	smov.u32 s14;
	s14 =	smov.u32 s17;
	s17 =	smov.u32 s24  }
0x3b9: {  	v5 =	vld [tilespmem:s18+$0xA320];
	v13 =	vmul.f32 v23, v13;
	v9 =	vadd.f32 v22, v9  }
0x3ba: {  	v6 =	vld [tilespmem:s18+$0x14320];
	[tilespmem:s21+$0x10] =	vst v19;
	v11 =	vmul.f32 v11, v16;
	v14 =	vpop (erf)  }
0x3bb: {  	v16 =	vld [tilespmem:s17+$0xA320];
	v13 =	vmul.f32 v14, v13;
	v9 =	vmul.f32 v12, v9  }
0x3bc: {  	v8 =	vadd.f32 v15, v8;
	v12 =	vld [tilespmem:s17+$0x14320];
	v14 =	vadd.f32 v17, v18  }
0x3bd: {  	v15 =	vld [tilespmem:s17+$0x9F20];
	[tilespmem:s19+$0xFFFFFFC0] =	vst v13;
	v17 =	vmul.f32 v7, v9;
	v10 =	vadd.f32 v10, v24  }
0x3be: {  	v7 =	vld [tilespmem:s15+$0xA350];
	v13 =	vmul.f32 v8, v14  }
0x3bf: {  	v14 =	vmul.f32 v6, v5;
	v8 =	vld [tilespmem:s15+$0x14350];
	[tilespmem:s16+$0x60] =	vst v17;
	v9 =	vpop (erf);
	v3 =	vmul.f32 v3, v10  }
0x3c0: {  	v10 =	vld [tilespmem:s17+$0x13F20];
	v9 =	vmul.f32 v9, v13  }
0x3c1: {  	v13 =	vadd.f32 $1.000000000e+00, v14;
	v14 =	vadd.f32 v12, v16;
	v16 =	vmul.f32 v12, v16;
	v12 =	vpop (erf);
	v17 =	vld [tilespmem:s13+$0xA370]  }
0x3c2: {  	v3 =	vmul.f32 v4, v3;
	v11 =	vmul.f32 v12, v11;
	[tilespmem:s16+$0xFFFFFFF0] =	vst v9;
	v18 =	vld [tilespmem:s13+$0x14370]  }
.Ltmp1:
0x3c3: {  	v12 =	vld [tilespmem:s18+$0x9F20];
	v4 =	vadd.f32 $1.000000000e+00, v16;
	(erf) = vrcp.f32 v13;
	(pc) =	sbr.rel @p0 .LBB2_5-.Ltmp1, $4  }
0x3c4: {  	v13 =	vld [tilespmem:s18+$0x13F20];
	v9 =	vmul.f32 v8, v7;
	[tilespmem:s19+$0x40] =	vst v11  }
0x3c5: {  	v11 =	vadd.f32 v10, v15;
	(erf) = vrcp.f32 v4;
	v4 =	vld [tilespmem:s14+$0xA350];
	[tilespmem:s11+$0x70] =	vst v3;
	s11 =	smov.u32 s16;
	s16 =	smov.u32 s19;
	s19 =	smov.u32 s21  }
0x3c6: {  	v15 =	vadd.f32 $1.000000000e+00, v9;
	v10 =	vld [tilespmem:s14+$0x14350]  }
0x3c7: {  	s23 =	sadd.s32 $0x100, s23;
	v11 =	vmul.f32 v14, v11;
	v9 =	vld [tilespmem:s14+$0x9F50];
	v3 =	vadd.f32 v18, v17;
	v14 =	vmul.f32 v18, v17  }
0x3c8: {  	v16 =	vld [tilespmem:s15+$0x9F50];
	(erf) = vrcp.f32 v15  }
0x3c9: {  	v51 =	vld [tilespmem:s15+$0x13F50];
	_ =	sdelay $0x2  }
0x3ca: {  	v5 =	vadd.f32 v6, v5;
	v12 =	vadd.f32 v13, v12;
	_ =	sdelay $0x1  }
0x3cb: {  	v7 =	vadd.f32 v8, v7;
	v5 =	vmul.f32 v5, v12;
	v52 =	vadd.f32 v51, v16  }
0x3cc: {  	v53 =	vpop (erf)  }
0x3cd: {  	v5 =	vmul.f32 v53, v5;
	v54 =	vpop (erf);
	v6 =	vmul.f32 v7, v52  }
0x3ce: {  	v55 =	vpop (erf)  }
0x3cf: {  	[tilespmem:s21+$0xFFFFFFA0] =	vst v5;
	v56 =	vmul.f32 v55, v6  }
0x3d0: {  	v57 =	vld [tilespmem:s18+$0xA330]  }
0x3d1: {  	v58 =	vmul.f32 v54, v11;
	v59 =	vld [tilespmem:s18+$0x14330];
	[tilespmem:s16+$0xFFFFFFD0] =	vst v56  }
0x3d2: {  	v5 =	vld [tilespmem:s15+$0xA360]  }
0x3d3: {  	[tilespmem:s21+$0x20] =	vst v58;
	v61 =	vld [tilespmem:s15+$0x14360]  }
0x3d4: {  	v60 =	vmul.f32 v10, v4;
	v63 =	vld [tilespmem:s17+$0xA330]  }
0x3d5: {  	v62 =	vadd.f32 $1.000000000e+00, v14;
	v21 =	vld [tilespmem:s17+$0x14330]  }
0x3d6: {  	v11 =	vadd.f32 $1.000000000e+00, v60;
	v22 =	vmul.f32 v59, v57  }
0x3d7: {  	(erf) = vrcp.f32 v62  }
0x3d8: {  	v23 =	vld [tilespmem:s14+$0x13F50];
	(erf) = vrcp.f32 v11;
	v12 =	vadd.f32 $1.000000000e+00, v22;
	v24 =	vmul.f32 v61, v5  }
0x3d9: {  	v25 =	vld [tilespmem:s18+$0x9F30]  }
0x3da: {  	v17 =	vld [tilespmem:s18+$0x13F30];
	v26 =	vmul.f32 v21, v63;
	(erf) = vrcp.f32 v12;
	v15 =	vadd.f32 $1.000000000e+00, v24;
	_ =	sdelay $0x1  }
0x3db: {  	v18 =	vld [tilespmem:s15+$0x9F60];
	v12 =	vadd.f32 $1.000000000e+00, v26;
	(erf) = vrcp.f32 v15  }
0x3dc: {  	v28 =	vld [tilespmem:s15+$0x13F60]  }
0x3dd: {  	v27 =	vadd.f32 v10, v4;
	v9 =	vadd.f32 v23, v9;
	v29 =	vld [tilespmem:s17+$0x9F30];
	(erf) = vrcp.f32 v12  }
0x3de: {  	v30 =	vld [tilespmem:s17+$0x13F30];
	v16 =	vadd.f32 v17, v25;
	v6 =	vadd.f32 v59, v57  }
0x3df: {  	v9 =	vmul.f32 v27, v9;
	v4 =	vpop (erf)  }
0x3e0: {  	v6 =	vmul.f32 v6, v16;
	v31 =	vpop (erf)  }
0x3e1: {  	v33 =	vadd.f32 v28, v18;
	v5 =	vadd.f32 v61, v5;
	v32 =	vmul.f32 v31, v9  }
0x3e2: {  	v34 =	vadd.f32 v21, v63;
	v35 =	vpop (erf)  }
0x3e3: {  	v36 =	vadd.f32 v30, v29;
	v5 =	vmul.f32 v5, v33;
	[tilespmem:s16+$0x50] =	vst v32;
	v6 =	vmul.f32 v35, v6  }
0x3e4: {  	v37 =	vld [tilespmem:s14+$0xA360];
	v38 =	vpop (erf)  }
0x3e5: {  	v7 =	vmul.f32 v34, v36;
	v39 =	vld [tilespmem:s14+$0x14360];
	[tilespmem:s19+$0xFFFFFFB0] =	vst v6;
	v5 =	vmul.f32 v38, v5  }
0x3e6: {  	v6 =	vld [tilespmem:s18+$0xA340];
	v40 =	vpop (erf)  }
0x3e7: {  	v41 =	vld [tilespmem:s18+$0x14340];
	v7 =	vmul.f32 v40, v7;
	[tilespmem:s16+$0xFFFFFFE0] =	vst v5  }
0x3e8: {  	v5 =	vld [tilespmem:s15+$0xA370]  }
0x3e9: {  	[tilespmem:s19+$0x30] =	vst v7;
	v7 =	vld [tilespmem:s15+$0x14370]  }
0x3ea: {  	v42 =	vld [tilespmem:s17+$0xA340]  }
0x3eb: {  	v44 =	vld [tilespmem:s17+$0x14340]  }
0x3ec: {  	v43 =	vmul.f32 v39, v37;
	_ =	sdelay $0x1  }
0x3ed: {  	v12 =	vadd.f32 $1.000000000e+00, v43;
	v45 =	vmul.f32 v41, v6  }
0x3ee: {  	v50 =	vld [tilespmem:s14+$0x9F60];
	v46 =	vmul.f32 v7, v5  }
0x3ef: {  	v51 =	vld [tilespmem:s14+$0x13F60];
	(erf) = vrcp.f32 v12;
	v14 =	vadd.f32 $1.000000000e+00, v45;
	v48 =	vmul.f32 v44, v42  }
0x3f0: {  	v47 =	vld [tilespmem:s18+$0x9F40];
	v12 =	vadd.f32 $1.000000000e+00, v46  }
0x3f1: {  	v49 =	vld [tilespmem:s18+$0x13F40];
	(erf) = vrcp.f32 v14;
	v14 =	vadd.f32 $1.000000000e+00, v48  }
0x3f2: {  	(erf) = vrcp.f32 v12  }
0x3f3: {  	v52 =	vld [tilespmem:s17+$0x9F40];
	(erf) = vrcp.f32 v14  }
0x3f4: {  	v53 =	vld [tilespmem:s17+$0x13F40]  }
0x3f5: {  	v9 =	vadd.f32 v39, v37;
	v55 =	vadd.f32 v51, v50  }
0x3f6: {  	v15 =	vadd.f32 v49, v47;
	v6 =	vadd.f32 v41, v6  }
0x3f7: {  	v9 =	vmul.f32 v9, v55  }
0x3f8: {  	v6 =	vmul.f32 v6, v15;
	v54 =	vpop (erf)  }
0x3f9: {  	v8 =	vadd.f32 v44, v42;
	v57 =	vmul.f32 v54, v9;
	v12 =	vadd.f32 v53, v52  }
0x3fa: {  	v56 =	vpop (erf)  }
0x3fb: {  	[tilespmem:s16+$0x60] =	vst v57;
	v8 =	vmul.f32 v8, v12;
	v6 =	vmul.f32 v56, v6;
	v9 =	vpop (erf)  }
0x3fc: {  	v62 =	vld [tilespmem:s14+$0xA370];
	v59 =	vpop (erf)  }
0x3fd: {  	v63 =	vld [tilespmem:s14+$0x14370];
	[tilespmem:s19+$0xFFFFFFC0] =	vst v6;
	v61 =	vmul.f32 v59, v8  }
0x3fe: {  	v58 =	vld [tilespmem:s18+$0xA350]  }
0x3ff: {  	v60 =	vld [tilespmem:s18+$0x14350];
	[tilespmem:s19+$0x40] =	vst v61  }
0x400: {  	v6 =	vld [tilespmem:s17+$0xA350]  }
0x401: {  	v24 =	vld [tilespmem:s17+$0x14350];
	_ =	sdelay $0x2  }
0x402: {  	v25 =	vmul.f32 v60, v58  }
0x403: {  	v26 =	vmul.f32 v63, v62  }
0x404: {  	v14 =	vadd.f32 $1.000000000e+00, v25;
	v27 =	vmul.f32 v24, v6  }
0x405: {  	v15 =	vadd.f32 $1.000000000e+00, v26  }
0x406: {  	v28 =	vld [tilespmem:s18+$0x9F50];
	(erf) = vrcp.f32 v14;
	v29 =	vadd.f32 $1.000000000e+00, v27  }
0x407: {  	v30 =	vld [tilespmem:s18+$0x13F50];
	(erf) = vrcp.f32 v15  }
0x408: {  	v31 =	vld [tilespmem:s17+$0x9F50];
	(erf) = vrcp.f32 v29  }
0x409: {  	v32 =	vld [tilespmem:s17+$0x13F50];
	_ =	sdelay $0x2  }
0x40a: {  	v16 =	vadd.f32 v30, v28;
	v10 =	vadd.f32 v60, v58;
	_ =	sdelay $0x1  }
0x40b: {  	v10 =	vmul.f32 v10, v16;
	v6 =	vadd.f32 v24, v6;
	v33 =	vadd.f32 v32, v31  }
0x40c: {  	v34 =	vpop (erf)  }
0x40d: {  	v6 =	vmul.f32 v6, v33;
	v10 =	vmul.f32 v34, v10;
	v35 =	vpop (erf)  }
0x40e: {  	v36 =	vpop (erf)  }
0x40f: {  	[tilespmem:s19+$0xFFFFFFD0] =	vst v10;
	v6 =	vmul.f32 v36, v6  }
0x410: {  	v10 =	vld [tilespmem:s18+$0xA360]  }
0x411: {  	v37 =	vld [tilespmem:s18+$0x14360];
	[tilespmem:s19+$0x50] =	vst v6  }
0x412: {  	v6 =	vld [tilespmem:s17+$0xA360]  }
0x413: {  	v38 =	vld [tilespmem:s17+$0x14360];
	_ =	sdelay $0x2  }
0x414: {  	v39 =	vmul.f32 v37, v10;
	_ =	sdelay $0x1  }
0x415: {  	v15 =	vadd.f32 $1.000000000e+00, v39;
	v40 =	vmul.f32 v38, v6;
	_ =	sdelay $0x1  }
0x416: {  	v41 =	vld [tilespmem:s18+$0x9F60];
	(erf) = vrcp.f32 v15;
	v42 =	vadd.f32 $1.000000000e+00, v40  }
0x417: {  	v43 =	vld [tilespmem:s18+$0x13F60]  }
0x418: {  	v44 =	vld [tilespmem:s17+$0x9F60];
	(erf) = vrcp.f32 v42  }
0x419: {  	v45 =	vld [tilespmem:s17+$0x13F60];
	_ =	sdelay $0x2  }
0x41a: {  	v16 =	vadd.f32 v43, v41;
	v10 =	vadd.f32 v37, v10;
	_ =	sdelay $0x1  }
0x41b: {  	v10 =	vmul.f32 v10, v16;
	v6 =	vadd.f32 v38, v6;
	v46 =	vadd.f32 v45, v44  }
0x41c: {  	v47 =	vpop (erf)  }
0x41d: {  	v6 =	vmul.f32 v6, v46;
	v10 =	vmul.f32 v47, v10  }
0x41e: {  	v48 =	vpop (erf)  }
0x41f: {  	[tilespmem:s19+$0xFFFFFFE0] =	vst v10;
	v6 =	vmul.f32 v48, v6  }
0x420: {  	v10 =	vld [tilespmem:s18+$0xA370]  }
0x421: {  	v49 =	vld [tilespmem:s18+$0x14370];
	[tilespmem:s19+$0x60] =	vst v6  }
0x422: {  	v6 =	vld [tilespmem:s17+$0xA370]  }
0x423: {  	v50 =	vld [tilespmem:s17+$0x14370]  }
0x424: {  	v19 =	vld [tilespmem:s13+$0x13F70]  }
0x425: {  	v51 =	vld [tilespmem:s13+$0x9F70]  }
0x426: {  	v52 =	vld [tilespmem:s15+$0x9F70]  }
0x427: {  	v53 =	vld [tilespmem:s15+$0x13F70];
	v54 =	vmul.f32 v49, v10  }
0x428: {  	v20 =	vld [tilespmem:s14+$0x9F70];
	v21 =	vmul.f32 v50, v6  }
0x429: {  	v23 =	vld [tilespmem:s14+$0x13F70];
	v18 =	vadd.f32 $1.000000000e+00, v54  }
0x42a: {  	v22 =	vld [tilespmem:s18+$0x9F70];
	v21 =	vadd.f32 $1.000000000e+00, v21  }
0x42b: {  	v55 =	vld [tilespmem:s18+$0x13F70];
	(erf) = vrcp.f32 v18  }
0x42c: {  	v56 =	vld [tilespmem:s17+$0x9F70];
	(erf) = vrcp.f32 v21  }
0x42d: {  	v8 =	vadd.f32 v63, v62;
	v57 =	vld [tilespmem:s17+$0x13F70]  }
0x42e: {  	v59 =	vadd.f32 v23, v20;
	v15 =	vadd.f32 v19, v51  }
0x42f: {  	v5 =	vadd.f32 v7, v5;
	v16 =	vadd.f32 v53, v52  }
0x430: {  	v8 =	vmul.f32 v8, v59;
	v3 =	vmul.f32 v3, v15  }
0x431: {  	v5 =	vmul.f32 v5, v16;
	v58 =	vadd.f32 v55, v22;
	v10 =	vadd.f32 v49, v10  }
0x432: {  	v3 =	vmul.f32 v4, v3;
	v6 =	vadd.f32 v50, v6;
	v7 =	vadd.f32 v57, v56  }
0x433: {  	s12 =	sadd.s32 $0x1, s12;
	v5 =	vmul.f32 v9, v5;
	v10 =	vmul.f32 v10, v58  }
0x434: {  	p0 =	sne.s32 s12, $0x3E;
	[tilespmem:s11+$0x70] =	vst v3;
	v3 =	vmul.f32 v35, v8;
	v61 =	vmul.f32 v6, v7;
	v60 =	vpop (erf)  }
.Ltmp2:
0x435: {  	[tilespmem:s16+$0xFFFFFFF0] =	vst v5;
	v4 =	vmul.f32 v60, v10;
	v62 =	vpop (erf);
	(pc) =	sbr.rel @p0 .LBB2_2-.Ltmp2, $4  }
0x436: {  	s7 =	sadd.s32 s4, s7;
	[tilespmem:s16+$0x70] =	vst v3;
	v63 =	vmul.f32 v62, v61  }
0x437: {  	s7 =	sshll.u32 s7, $0x4;
	[tilespmem:s19+$0xFFFFFFF0] =	vst v4  }
0x438: {  	s29 =	simm.s32 $0x1B700;
	s7 =	sadd.s32 s1, s7;
	[tilespmem:s19+$0x70] =	vst v63  }
0x439: {  	[hbm4b:s7+s3] =	stream.linear.scatter [tilespmem:s29], [sflag:$0x4], $0x2800, $0x38;
	[tilespmem:$0x1DF00] =	vst v63  }
0x43a: {  	_ =	swait.ge [sflag:s8], $0x5000  }
0x43b: {  	[sflag:s8] =	ssyncset.done $0x0  }
0x43c: {  	[sflag:s8] =	ssyncadd.s32 $0xFFFFB000  }
0x43d: {  	_ =	swait.ge [sflag:s8], $0x5000  }
0x43e: {  	[sflag:s8] =	ssyncset.done $0x0  }
0x43f: {  	s26 =	simm.s32 $0x3;
	[sflag:s8] =	ssyncadd.s32 $0xFFFFB000  }
0x440: {  	s7 =	simm.s32 $0x0;
	s11 =	simm.s32 $0x0;
	_ =	swait.ge [sflag:s26], $0x2800  }
0x441: {  	s7 =	sand.u32 $0x7800, s7;
	s11 =	sand.u32 $0x300, s11;
	[sflag:s26] =	ssyncset.done $0x0  }
0x442: {  	s17 =	sor.u32 s11, s7;
	[sflag:s26] =	ssyncadd.s32 $0xFFFFD800  }
0x443: {  	v3 =	vld [tilespmem:s17+$0x5300]  }
0x444: {  	v4 =	vld [tilespmem:s17+$0xF300];
	_ =	sdelay $0x2  }
0x445: {  	s25 =	simm.s32 $0x80  }
0x446: {  	s11 =	sand.u32 $0x380, s25  }
0x447: {  	s11 =	sor.u32 s7, s11;
	v5 =	vmul.f32 v4, v3  }
0x448: {  	v6 =	vld [tilespmem:s11+$0x5300]  }
0x449: {  	v7 =	vld [tilespmem:s11+$0xF300];
	v5 =	vadd.f32 $1.000000000e+00, v5  }
0x44a: {  	v8 =	vld [tilespmem:s17+$0x4F00]  }
0x44b: {  	(erf) = vrcp.f32 v5;
	v5 =	vld [tilespmem:s17+$0xEF00];
	_ =	sdelay $0x2  }
0x44c: {  	v9 =	vmul.f32 v7, v6;
	_ =	sdelay $0x1  }
0x44d: {  	v9 =	vadd.f32 $1.000000000e+00, v9;
	v5 =	vadd.f32 v5, v8  }
0x44e: {  	v3 =	vadd.f32 v4, v3;
	v4 =	vld [tilespmem:s11+$0x4F00]  }
0x44f: {  	(erf) = vrcp.f32 v9;
	v8 =	vld [tilespmem:s11+$0xEF00]  }
0x450: {  	v3 =	vmul.f32 v3, v5  }
0x451: {  	v5 =	vpop (erf)  }
0x452: {  	v3 =	vmul.f32 v5, v3  }
0x453: {  	s7 =	simm.s32 $0x18F80  }
0x454: {  	v4 =	vadd.f32 v8, v4;
	[tilespmem:s7+$0xFFFFFF80] =	vst v3  }
0x455: {  	v3 =	vadd.f32 v7, v6;
	v5 =	vld [tilespmem:s17+$0x5310]  }
0x456: {  	v6 =	vld [tilespmem:s17+$0xF310]  }
0x457: {  	v3 =	vmul.f32 v3, v4  }
0x458: {  	v4 =	vpop (erf)  }
0x459: {  	v3 =	vmul.f32 v4, v3;
	_ =	sdelay $0x1  }
0x45a: {  	[tilespmem:s7+$0x0] =	vst v3;
	v3 =	vmul.f32 v6, v5  }
0x45b: {  	v4 =	vld [tilespmem:s11+$0x5310]  }
0x45c: {  	v7 =	vld [tilespmem:s11+$0xF310];
	v3 =	vadd.f32 $1.000000000e+00, v3;
	_ =	sdelay $0x1  }
0x45d: {  	v8 =	vld [tilespmem:s17+$0x4F10];
	(erf) = vrcp.f32 v3  }
0x45e: {  	v3 =	vld [tilespmem:s17+$0xEF10];
	_ =	sdelay $0x1  }
0x45f: {  	v9 =	vmul.f32 v7, v4;
	_ =	sdelay $0x1  }
0x460: {  	v5 =	vadd.f32 v6, v5;
	v9 =	vadd.f32 $1.000000000e+00, v9  }
0x461: {  	v6 =	vld [tilespmem:s11+$0x4F10];
	v3 =	vadd.f32 v3, v8  }
0x462: {  	v8 =	vld [tilespmem:s11+$0xEF10];
	(erf) = vrcp.f32 v9  }
0x463: {  	v3 =	vmul.f32 v5, v3  }
0x464: {  	v5 =	vpop (erf)  }
0x465: {  	v3 =	vmul.f32 v5, v3;
	_ =	sdelay $0x1  }
0x466: {  	[tilespmem:s7+$0xFFFFFF90] =	vst v3;
	v3 =	vadd.f32 v7, v4;
	v4 =	vadd.f32 v8, v6  }
0x467: {  	v5 =	vld [tilespmem:s17+$0x5320]  }
0x468: {  	v6 =	vld [tilespmem:s17+$0xF320]  }
0x469: {  	v3 =	vmul.f32 v3, v4  }
0x46a: {  	v4 =	vpop (erf)  }
0x46b: {  	v3 =	vmul.f32 v4, v3;
	_ =	sdelay $0x1  }
0x46c: {  	[tilespmem:s7+$0x10] =	vst v3;
	v3 =	vmul.f32 v6, v5  }
0x46d: {  	v4 =	vld [tilespmem:s11+$0x5320]  }
0x46e: {  	v7 =	vld [tilespmem:s11+$0xF320];
	v3 =	vadd.f32 $1.000000000e+00, v3;
	_ =	sdelay $0x1  }
0x46f: {  	v8 =	vld [tilespmem:s17+$0x4F20];
	(erf) = vrcp.f32 v3  }
0x470: {  	v3 =	vld [tilespmem:s17+$0xEF20];
	_ =	sdelay $0x1  }
0x471: {  	v9 =	vmul.f32 v7, v4;
	_ =	sdelay $0x1  }
0x472: {  	s12 =	simm.s32 $0x100;
	s13 =	simm.s32 $0x200;
	v9 =	vadd.f32 $1.000000000e+00, v9  }
0x473: {  	s14 =	sand.u32 $0x7800, s13;
	s12 =	sand.u32 $0x300, s12;
	v5 =	vadd.f32 v6, v5;
	v10 =	vld [tilespmem:s11+$0x4F20];
	v3 =	vadd.f32 v3, v8  }
0x474: {  	s13 =	sor.u32 s12, s14;
	v6 =	vld [tilespmem:s11+$0xEF20];
	(erf) = vrcp.f32 v9  }
0x475: {  	s28 =	simm.s32 $0x180;
	v8 =	vld [tilespmem:s13+$0x5300];
	v3 =	vmul.f32 v5, v3  }
0x476: {  	s12 =	sand.u32 $0x380, s28;
	v5 =	vld [tilespmem:s13+$0xF300];
	v9 =	vpop (erf)  }
0x477: {  	s12 =	sor.u32 s14, s12;
	v3 =	vmul.f32 v9, v3  }
0x478: {  	v11 =	vld [tilespmem:s12+$0xF300]  }
0x479: {  	v9 =	vld [tilespmem:s12+$0x5300];
	[tilespmem:s7+$0xFFFFFFA0] =	vst v3;
	v3 =	vadd.f32 v7, v4;
	v4 =	vadd.f32 v6, v10;
	_ =	sdelay $0x1  }
0x47a: {  	v7 =	vmul.f32 v5, v8;
	v6 =	vld [tilespmem:s17+$0x5330]  }
0x47b: {  	v10 =	vld [tilespmem:s17+$0xF330];
	v3 =	vmul.f32 v3, v4  }
0x47c: {  	v7 =	vadd.f32 $1.000000000e+00, v7;
	v4 =	vpop (erf)  }
0x47d: {  	v12 =	vld [tilespmem:s12+$0x4F00];
	v3 =	vmul.f32 v4, v3;
	v4 =	vmul.f32 v11, v9  }
0x47e: {  	v13 =	vld [tilespmem:s13+$0x4F00];
	(erf) = vrcp.f32 v7  }
0x47f: {  	[tilespmem:s7+$0x20] =	vst v3;
	v3 =	vld [tilespmem:s13+$0xEF00];
	v4 =	vadd.f32 $1.000000000e+00, v4  }
0x480: {  	v15 =	vld [tilespmem:s12+$0xEF00];
	v7 =	vmul.f32 v10, v6  }
0x481: {  	v14 =	vld [tilespmem:s11+$0x5330];
	(erf) = vrcp.f32 v4  }
0x482: {  	v4 =	vadd.f32 $1.000000000e+00, v7;
	v7 =	vld [tilespmem:s11+$0xF330];
	_ =	sdelay $0x1  }
0x483: {  	v16 =	vld [tilespmem:s17+$0x4F30];
	(erf) = vrcp.f32 v4;
	v4 =	vadd.f32 v5, v8;
	v3 =	vadd.f32 v3, v13  }
0x484: {  	v5 =	vld [tilespmem:s17+$0xEF30]  }
0x485: {  	v3 =	vmul.f32 v4, v3  }
0x486: {  	v8 =	vadd.f32 v11, v9;
	v9 =	vadd.f32 v15, v12;
	v11 =	vpop (erf);
	v4 =	vmul.f32 v7, v14  }
0x487: {  	v3 =	vmul.f32 v11, v3  }
0x488: {  	s14 =	simm.s32 $0x19080;
	v6 =	vadd.f32 v10, v6;
	v10 =	vld [tilespmem:s11+$0xEF30];
	v8 =	vmul.f32 v8, v9;
	v4 =	vadd.f32 $1.000000000e+00, v4  }
0x489: {  	v9 =	vld [tilespmem:s11+$0x4F30];
	v5 =	vadd.f32 v5, v16;
	v11 =	vpop (erf);
	[tilespmem:s14+$0xFFFFFF80] =	vst v3  }
0x48a: {  	(erf) = vrcp.f32 v4;
	v3 =	vmul.f32 v11, v8;
	v4 =	vld [tilespmem:s13+$0x5310]  }
0x48b: {  	v5 =	vmul.f32 v6, v5;
	v6 =	vld [tilespmem:s13+$0xF310]  }
0x48c: {  	v8 =	vpop (erf);
	[tilespmem:s14+$0x0] =	vst v3  }
0x48d: {  	v3 =	vmul.f32 v8, v5;
	v5 =	vld [tilespmem:s12+$0x5310]  }
0x48e: {  	v8 =	vld [tilespmem:s12+$0xF310]  }
0x48f: {  	[tilespmem:s7+$0xFFFFFFB0] =	vst v3  }
0x490: {  	v3 =	vadd.f32 v7, v14;
	v7 =	vadd.f32 v10, v9;
	v9 =	vld [tilespmem:s17+$0x5340];
	v10 =	vmul.f32 v6, v4  }
0x491: {  	v11 =	vld [tilespmem:s17+$0xF340]  }
0x492: {  	v3 =	vmul.f32 v3, v7;
	v7 =	vadd.f32 $1.000000000e+00, v10  }
0x493: {  	v13 =	vmul.f32 v8, v5  }
0x494: {  	v10 =	vpop (erf);
	(erf) = vrcp.f32 v7;
	v7 =	vld [tilespmem:s13+$0xEF10]  }
0x495: {  	v3 =	vmul.f32 v10, v3;
	v10 =	vld [tilespmem:s13+$0x4F10];
	v13 =	vadd.f32 $1.000000000e+00, v13  }
0x496: {  	v12 =	vld [tilespmem:s12+$0x4F10];
	v14 =	vmul.f32 v11, v9  }
0x497: {  	v15 =	vld [tilespmem:s12+$0xEF10];
	[tilespmem:s7+$0x30] =	vst v3;
	(erf) = vrcp.f32 v13  }
0x498: {  	v13 =	vadd.f32 $1.000000000e+00, v14;
	v3 =	vld [tilespmem:s11+$0x5340]  }
0x499: {  	v14 =	vld [tilespmem:s11+$0xF340]  }
0x49a: {  	v16 =	vld [tilespmem:s17+$0x4F40];
	v4 =	vadd.f32 v6, v4;
	(erf) = vrcp.f32 v13;
	v7 =	vadd.f32 v7, v10  }
0x49b: {  	v6 =	vld [tilespmem:s17+$0xEF40]  }
0x49c: {  	v4 =	vmul.f32 v4, v7  }
0x49d: {  	v5 =	vadd.f32 v8, v5;
	v8 =	vadd.f32 v15, v12;
	v10 =	vpop (erf)  }
0x49e: {  	v7 =	vmul.f32 v14, v3;
	v4 =	vmul.f32 v10, v4  }
0x49f: {  	v5 =	vmul.f32 v5, v8;
	v9 =	vadd.f32 v11, v9;
	v8 =	vld [tilespmem:s11+$0x4F40]  }
0x4a0: {  	v6 =	vadd.f32 v6, v16;
	v10 =	vld [tilespmem:s11+$0xEF40];
	v7 =	vadd.f32 $1.000000000e+00, v7;
	v11 =	vpop (erf);
	[tilespmem:s14+$0xFFFFFF90] =	vst v4  }
0x4a1: {  	v4 =	vmul.f32 v11, v5;
	v5 =	vld [tilespmem:s13+$0x5320]  }
0x4a2: {  	v6 =	vmul.f32 v9, v6;
	(erf) = vrcp.f32 v7;
	v7 =	vld [tilespmem:s13+$0xF320]  }
0x4a3: {  	v9 =	vpop (erf)  }
0x4a4: {  	[tilespmem:s14+$0x10] =	vst v4;
	v4 =	vmul.f32 v9, v6  }
0x4a5: {  	v6 =	vld [tilespmem:s12+$0x5320]  }
0x4a6: {  	v9 =	vld [tilespmem:s12+$0xF320];
	[tilespmem:s7+$0xFFFFFFC0] =	vst v4  }
0x4a7: {  	v4 =	vadd.f32 v10, v8;
	v8 =	vld [tilespmem:s17+$0x5350];
	v10 =	vmul.f32 v7, v5  }
0x4a8: {  	v3 =	vadd.f32 v14, v3;
	v11 =	vld [tilespmem:s17+$0xF350]  }
0x4a9: {  	v10 =	vadd.f32 $1.000000000e+00, v10  }
0x4aa: {  	s15 =	simm.s32 $0x200;
	s18 =	simm.s32 $0x400;
	v3 =	vmul.f32 v3, v4  }
0x4ab: {  	s19 =	sand.u32 $0x7800, s18;
	s15 =	sand.u32 $0x300, s15;
	v14 =	vld [tilespmem:s13+$0x4F20];
	v12 =	vpop (erf);
	(erf) = vrcp.f32 v10  }
0x4ac: {  	s16 =	sor.u32 s15, s19;
	v10 =	vld [tilespmem:s13+$0xEF20];
	v3 =	vmul.f32 v12, v3;
	v12 =	vmul.f32 v9, v6  }
0x4ad: {  	v18 =	vld [tilespmem:s16+$0xF300];
	v15 =	vmul.f32 v11, v8  }
0x4ae: {  	v17 =	vld [tilespmem:s17+$0x4F50];
	[tilespmem:s7+$0x40] =	vst v3;
	v3 =	vadd.f32 $1.000000000e+00, v12  }
0x4af: {  	v15 =	vadd.f32 $1.000000000e+00, v15;
	v12 =	vld [tilespmem:s11+$0x5350]  }
0x4b0: {  	v16 =	vld [tilespmem:s11+$0xF350];
	(erf) = vrcp.f32 v3  }
0x4b1: {  	s20 =	simm.s32 $0x280;
	v5 =	vadd.f32 v7, v5;
	v7 =	vld [tilespmem:s17+$0xEF50];
	v10 =	vadd.f32 v10, v14;
	(erf) = vrcp.f32 v15  }
0x4b2: {  	s29 =	sand.u32 $0x380, s20;
	v13 =	vld [tilespmem:s12+$0xEF20]  }
0x4b3: {  	s15 =	sor.u32 s19, s29;
	v4 =	vld [tilespmem:s12+$0x4F20];
	v5 =	vmul.f32 v5, v10  }
0x4b4: {  	v20 =	vld [tilespmem:s15+$0x5300];
	v19 =	vpop (erf)  }
0x4b5: {  	v15 =	vld [tilespmem:s16+$0x5300];
	v10 =	vmul.f32 v16, v12;
	v5 =	vmul.f32 v19, v5  }
0x4b6: {  	v52 =	vld [tilespmem:s15+$0xF300];
	v7 =	vadd.f32 v7, v17  }
0x4b7: {  	v8 =	vadd.f32 v11, v8;
	v3 =	vld [tilespmem:s11+$0x4F50];
	v10 =	vadd.f32 $1.000000000e+00, v10  }
0x4b8: {  	v6 =	vadd.f32 v9, v6;
	v4 =	vadd.f32 v13, v4;
	v14 =	vld [tilespmem:s11+$0xEF50];
	[tilespmem:s14+$0xFFFFFFA0] =	vst v5  }
0x4b9: {  	v7 =	vmul.f32 v8, v7;
	(erf) = vrcp.f32 v10;
	v10 =	vld [tilespmem:s13+$0x5330];
	v5 =	vpop (erf)  }
0x4ba: {  	v4 =	vmul.f32 v6, v4;
	v8 =	vmul.f32 v18, v15;
	v11 =	vld [tilespmem:s13+$0xF330];
	v13 =	vpop (erf)  }
0x4bb: {  	v9 =	vld [tilespmem:s15+$0x4F00];
	v7 =	vmul.f32 v13, v7  }
0x4bc: {  	v8 =	vadd.f32 $1.000000000e+00, v8;
	v4 =	vmul.f32 v5, v4;
	v5 =	vld [tilespmem:s16+$0xEF00]  }
0x4bd: {  	v17 =	vmul.f32 v52, v20;
	v13 =	vld [tilespmem:s16+$0x4F00];
	[tilespmem:s7+$0xFFFFFFD0] =	vst v7  }
0x4be: {  	(erf) = vrcp.f32 v8;
	v8 =	vld [tilespmem:s17+$0x5360]  }
0x4bf: {  	v3 =	vadd.f32 v14, v3;
	[tilespmem:s14+$0x20] =	vst v4;
	v7 =	vadd.f32 $1.000000000e+00, v17;
	v4 =	vmul.f32 v11, v10;
	v14 =	vld [tilespmem:s17+$0xF360]  }
0x4c0: {  	v6 =	vld [tilespmem:s15+$0xEF00]  }
0x4c1: {  	v12 =	vadd.f32 v16, v12;
	(erf) = vrcp.f32 v7;
	v4 =	vadd.f32 $1.000000000e+00, v4;
	_ =	sdelay $0x1  }
0x4c2: {  	v3 =	vmul.f32 v12, v3;
	v12 =	vld [tilespmem:s12+$0xF330];
	(erf) = vrcp.f32 v4  }
0x4c3: {  	v7 =	vld [tilespmem:s12+$0x5330];
	v4 =	vadd.f32 v5, v13;
	v5 =	vadd.f32 v18, v15;
	v15 =	vmul.f32 v14, v8  }
0x4c4: {  	v6 =	vadd.f32 v6, v9;
	v9 =	vld [tilespmem:s12+$0x4F30]  }
0x4c5: {  	v17 =	vadd.f32 v52, v20;
	v16 =	vpop (erf);
	v13 =	vld [tilespmem:s13+$0xEF30];
	v15 =	vadd.f32 $1.000000000e+00, v15  }
0x4c6: {  	v3 =	vmul.f32 v16, v3;
	v16 =	vld [tilespmem:s13+$0x4F30];
	v4 =	vmul.f32 v5, v4  }
0x4c7: {  	v54 =	vld [tilespmem:s17+$0x4F60];
	v6 =	vmul.f32 v17, v6;
	v53 =	vpop (erf)  }
0x4c8: {  	v10 =	vadd.f32 v11, v10;
	v11 =	vld [tilespmem:s17+$0xEF60];
	v5 =	vmul.f32 v12, v7;
	v4 =	vmul.f32 v53, v4  }
0x4c9: {  	s19 =	simm.s32 $0x19180;
	[tilespmem:s7+$0x50] =	vst v3;
	v3 =	vld [tilespmem:s12+$0xEF30];
	(erf) = vrcp.f32 v15;
	v15 =	vpop (erf)  }
0x4ca: {  	v17 =	vld [tilespmem:s11+$0x5360];
	v5 =	vadd.f32 $1.000000000e+00, v5;
	[tilespmem:s19+$0xFFFFFF80] =	vst v4;
	v4 =	vmul.f32 v15, v6  }
0x4cb: {  	v13 =	vadd.f32 v13, v16;
	v16 =	vld [tilespmem:s11+$0xF360]  }
0x4cc: {  	(erf) = vrcp.f32 v5;
	v5 =	vld [tilespmem:s16+$0x5310]  }
0x4cd: {  	v6 =	vmul.f32 v10, v13;
	v10 =	vld [tilespmem:s16+$0xF310];
	[tilespmem:s19+$0x0] =	vst v4  }
0x4ce: {  	v13 =	vld [tilespmem:s15+$0x5310];
	v4 =	vpop (erf)  }
0x4cf: {  	v11 =	vadd.f32 v11, v54;
	v8 =	vadd.f32 v14, v8;
	v4 =	vmul.f32 v4, v6;
	v6 =	vld [tilespmem:s15+$0xF310]  }
0x4d0: {  	v7 =	vadd.f32 v12, v7;
	v3 =	vadd.f32 v3, v9  }
0x4d1: {  	v8 =	vmul.f32 v8, v11;
	v12 =	vld [tilespmem:s15+$0x4F10];
	[tilespmem:s14+$0xFFFFFFB0] =	vst v4;
	v4 =	vmul.f32 v16, v17  }
0x4d2: {  	v3 =	vmul.f32 v7, v3;
	v7 =	vld [tilespmem:s15+$0xEF10];
	v11 =	vmul.f32 v10, v5  }
0x4d3: {  	v15 =	vpop (erf);
	v9 =	vld [tilespmem:s13+$0x5340];
	v4 =	vadd.f32 $1.000000000e+00, v4  }
0x4d4: {  	v8 =	vmul.f32 v15, v8;
	v11 =	vadd.f32 $1.000000000e+00, v11;
	v14 =	vld [tilespmem:s13+$0xF340];
	v55 =	vmul.f32 v6, v13  }
0x4d5: {  	v15 =	vld [tilespmem:s16+$0x4F10];
	(erf) = vrcp.f32 v4  }
0x4d6: {  	v56 =	vpop (erf);
	v59 =	vld [tilespmem:s13+$0x4F40];
	[tilespmem:s7+$0xFFFFFFE0] =	vst v8;
	v8 =	vadd.f32 $1.000000000e+00, v55;
	(erf) = vrcp.f32 v11  }
0x4d7: {  	v3 =	vmul.f32 v56, v3;
	v4 =	vld [tilespmem:s16+$0xEF10]  }
0x4d8: {  	v5 =	vadd.f32 v10, v5;
	v10 =	vld [tilespmem:s13+$0xEF40];
	(erf) = vrcp.f32 v8  }
0x4d9: {  	[tilespmem:s14+$0x30] =	vst v3;
	v3 =	vld [tilespmem:s17+$0xF370];
	v57 =	vmul.f32 v14, v9  }
0x4da: {  	v11 =	vld [tilespmem:s17+$0x5370]  }
0x4db: {  	v58 =	vld [tilespmem:s12+$0xF340];
	v18 =	vadd.f32 $1.000000000e+00, v57  }
0x4dc: {  	v8 =	vld [tilespmem:s12+$0x5340];
	v4 =	vadd.f32 v4, v15  }
0x4dd: {  	v7 =	vadd.f32 v7, v12;
	v6 =	vadd.f32 v6, v13;
	(erf) = vrcp.f32 v18  }
0x4de: {  	v4 =	vmul.f32 v5, v4;
	v60 =	vpop (erf)  }
0x4df: {  	v21 =	vld [tilespmem:s11+$0xEF60];
	v6 =	vmul.f32 v6, v7;
	v22 =	vpop (erf)  }
0x4e0: {  	v15 =	vld [tilespmem:s11+$0x4F60];
	v13 =	vmul.f32 v3, v11;
	v4 =	vmul.f32 v22, v4  }
0x4e1: {  	v10 =	vadd.f32 v10, v59;
	v5 =	vmul.f32 v58, v8;
	v61 =	vpop (erf)  }
0x4e2: {  	v12 =	vld [tilespmem:s12+$0x4F40];
	v9 =	vadd.f32 v14, v9;
	v13 =	vadd.f32 $1.000000000e+00, v13;
	[tilespmem:s19+$0xFFFFFF90] =	vst v4;
	v4 =	vmul.f32 v61, v6  }
0x4e3: {  	v7 =	vld [tilespmem:s12+$0xEF40];
	v5 =	vadd.f32 $1.000000000e+00, v5  }
0x4e4: {  	v14 =	vld [tilespmem:s17+$0xEF70];
	v9 =	vmul.f32 v9, v10;
	(erf) = vrcp.f32 v13  }
0x4e5: {  	v10 =	vadd.f32 v16, v17;
	v13 =	vld [tilespmem:s17+$0x4F70];
	v15 =	vadd.f32 v21, v15;
	(erf) = vrcp.f32 v5  }
0x4e6: {  	v5 =	vld [tilespmem:s16+$0x5320];
	[tilespmem:s19+$0x10] =	vst v4;
	v4 =	vpop (erf)  }
0x4e7: {  	v6 =	vld [tilespmem:s16+$0xF320];
	v4 =	vmul.f32 v4, v9;
	v9 =	vmul.f32 v10, v15  }
0x4e8: {  	v16 =	vld [tilespmem:s15+$0x5320]  }
0x4e9: {  	v12 =	vadd.f32 v7, v12;
	v3 =	vadd.f32 v3, v11;
	v10 =	vld [tilespmem:s15+$0xF320];
	v9 =	vmul.f32 v60, v9  }
0x4ea: {  	v13 =	vadd.f32 v14, v13;
	v11 =	vld [tilespmem:s15+$0xEF20];
	[tilespmem:s14+$0xFFFFFFC0] =	vst v4;
	v4 =	vadd.f32 v58, v8  }
0x4eb: {  	v7 =	vld [tilespmem:s13+$0x5350]  }
0x4ec: {  	v8 =	vld [tilespmem:s13+$0xF350];
	v4 =	vmul.f32 v4, v12;
	v12 =	vmul.f32 v6, v5  }
0x4ed: {  	v15 =	vld [tilespmem:s15+$0x4F20];
	[tilespmem:s7+$0x60] =	vst v9;
	v9 =	vpop (erf)  }
0x4ee: {  	v3 =	vmul.f32 v3, v13;
	v14 =	vld [tilespmem:s11+$0x5370];
	v17 =	vmul.f32 v10, v16;
	v63 =	vadd.f32 $1.000000000e+00, v12;
	v13 =	vpop (erf)  }
0x4ef: {  	v62 =	vld [tilespmem:s11+$0xF370];
	v4 =	vmul.f32 v13, v4  }
0x4f0: {  	v12 =	vld [tilespmem:s16+$0x4F20];
	v3 =	vmul.f32 v9, v3;
	v9 =	vadd.f32 $1.000000000e+00, v17;
	(erf) = vrcp.f32 v63  }
0x4f1: {  	v13 =	vld [tilespmem:s16+$0xEF20];
	v17 =	vmul.f32 v8, v7;
	[tilespmem:s14+$0x40] =	vst v4  }
0x4f2: {  	v16 =	vadd.f32 v10, v16;
	v11 =	vadd.f32 v11, v15;
	(erf) = vrcp.f32 v9;
	v4 =	vld [tilespmem:s12+$0x5350]  }
0x4f3: {  	v15 =	vadd.f32 $1.000000000e+00, v17;
	v10 =	vld [tilespmem:s12+$0xF350]  }
0x4f4: {  	s21 =	simm.s32 $0x380;
	s20 =	simm.s32 $0x4;
	s17 =	simm.s32 $0x19180;
	v11 =	vmul.f32 v16, v11;
	[tilespmem:s7+$0xFFFFFFF0] =	vst v3;
	v3 =	vadd.f32 v62, v14;
	v14 =	vmul.f32 v62, v14;
	v9 =	vld [tilespmem:s12+$0x4F50]  }
.LBB2_8:
0x4f5: {  	s22 =	sadd.s32 $0xFFFFFF80, s21;
	s24 =	sand.u32 $0x380, s21;
	s18 =	sadd.s32 $0x200, s18;
	v16 =	vld [tilespmem:s13+$0x4F50];
	(erf) = vrcp.f32 v15  }
0x4f6: {  	v5 =	vadd.f32 v6, v5;
	s25 =	sand.u32 $0x7800, s18;
	s22 =	sand.u32 $0x300, s22;
	v12 =	vadd.f32 v13, v12;
	v6 =	vld [tilespmem:s13+$0xEF50]  }
0x4f7: {  	v14 =	vadd.f32 $1.000000000e+00, v14;
	s23 =	sor.u32 s22, s25;
	s22 =	sor.u32 s25, s24;
	v13 =	vld [tilespmem:s12+$0xEF50]  }
0x4f8: {  	v15 =	vld [tilespmem:s23+$0x5300];
	v5 =	vmul.f32 v5, v12;
	v12 =	vadd.f32 v10, v4;
	v4 =	vmul.f32 v10, v4  }
0x4f9: {  	v10 =	vld [tilespmem:s23+$0xF300];
	v17 =	vpop (erf);
	(erf) = vrcp.f32 v14  }
0x4fa: {  	v14 =	vld [tilespmem:s22+$0x5300];
	v5 =	vmul.f32 v17, v5;
	v4 =	vadd.f32 $1.000000000e+00, v4  }
0x4fb: {  	v7 =	vadd.f32 v8, v7;
	v17 =	vld [tilespmem:s22+$0xF300];
	v18 =	vpop (erf);
	v6 =	vadd.f32 v6, v16  }
0x4fc: {  	v8 =	vld [tilespmem:s22+$0x4F00];
	[tilespmem:s19+$0xFFFFFFA0] =	vst v5;
	v5 =	vmul.f32 v18, v11;
	v13 =	vadd.f32 v13, v9;
	(erf) = vrcp.f32 v4  }
0x4fd: {  	s20 =	sadd.s32 $0x2, s20;
	v11 =	vld [tilespmem:s16+$0x5330];
	v4 =	vmul.f32 v7, v6  }
0x4fe: {  	p0 =	slt.u32 s20, $0x4E;
	v6 =	vmul.f32 v10, v15;
	v7 =	vld [tilespmem:s16+$0xF330];
	[tilespmem:s19+$0x20] =	vst v5;
	v5 =	vmul.f32 v12, v13;
	v9 =	vpop (erf)  }
0x4ff: {  	v12 =	vld [tilespmem:s22+$0xEF00];
	v18 =	vmul.f32 v9, v4  }
0x500: {  	v9 =	vld [tilespmem:s23+$0x4F00];
	v6 =	vadd.f32 $1.000000000e+00, v6;
	v13 =	vadd.f32 v17, v14;
	v14 =	vmul.f32 v17, v14  }
0x501: {  	v16 =	vld [tilespmem:s23+$0xEF00];
	[tilespmem:s14+$0xFFFFFFD0] =	vst v18  }
0x502: {  	v14 =	vadd.f32 $1.000000000e+00, v14;
	(erf) = vrcp.f32 v6;
	v6 =	vld [tilespmem:s13+$0x5360];
	v4 =	vpop (erf)  }
0x503: {  	v17 =	vmul.f32 v7, v11;
	v18 =	vld [tilespmem:s13+$0xF360]  }
0x504: {  	v8 =	vadd.f32 v12, v8;
	(erf) = vrcp.f32 v14;
	v12 =	vld [tilespmem:s15+$0x5330]  }
0x505: {  	v14 =	vadd.f32 $1.000000000e+00, v17;
	v17 =	vld [tilespmem:s15+$0xF330];
	v19 =	vpop (erf)  }
0x506: {  	v8 =	vmul.f32 v13, v8;
	v13 =	vld [tilespmem:s15+$0x4F30];
	v5 =	vmul.f32 v19, v5  }
0x507: {  	v19 =	vld [tilespmem:s16+$0x4F30];
	(erf) = vrcp.f32 v14  }
0x508: {  	v10 =	vadd.f32 v10, v15;
	v9 =	vadd.f32 v16, v9;
	v14 =	vld [tilespmem:s16+$0xEF30];
	v15 =	vmul.f32 v18, v6;
	[tilespmem:s14+$0x50] =	vst v5  }
0x509: {  	v5 =	vld [tilespmem:s15+$0xEF30]  }
0x50a: {  	v9 =	vmul.f32 v10, v9;
	v10 =	vmul.f32 v17, v12;
	v21 =	vadd.f32 $1.000000000e+00, v15;
	v16 =	vld [tilespmem:s12+$0x5360]  }
0x50b: {  	v12 =	vadd.f32 v17, v12;
	v20 =	vpop (erf);
	v17 =	vld [tilespmem:s12+$0xF360]  }
0x50c: {  	v9 =	vmul.f32 v20, v9;
	v10 =	vadd.f32 $1.000000000e+00, v10;
	v20 =	vld [tilespmem:s13+$0x4F60];
	(erf) = vrcp.f32 v21  }
0x50d: {  	s19 =	sadd.s32 $0x100, s19;
	v7 =	vadd.f32 v7, v11;
	v15 =	vpop (erf);
	v14 =	vadd.f32 v14, v19;
	v11 =	vld [tilespmem:s13+$0xEF60]  }
0x50e: {  	[tilespmem:s19+$0xFFFFFF80] =	vst v9;
	v15 =	vmul.f32 v15, v8;
	v5 =	vadd.f32 v5, v13;
	(erf) = vrcp.f32 v10;
	v9 =	vld [tilespmem:s12+$0x4F60]  }
0x50f: {  	v10 =	vld [tilespmem:s23+$0x5310];
	v7 =	vmul.f32 v7, v14  }
0x510: {  	v13 =	vld [tilespmem:s23+$0xF310];
	[tilespmem:s19+$0x0] =	vst v15;
	v5 =	vmul.f32 v12, v5;
	v8 =	vpop (erf);
	v12 =	vadd.f32 v17, v16;
	v14 =	vmul.f32 v17, v16  }
0x511: {  	v15 =	vld [tilespmem:s22+$0x5310];
	v7 =	vmul.f32 v8, v7  }
0x512: {  	v6 =	vadd.f32 v18, v6;
	v8 =	vld [tilespmem:s22+$0xF310];
	v11 =	vadd.f32 v11, v20  }
0x513: {  	v16 =	vld [tilespmem:s22+$0x4F10];
	[tilespmem:s17+$0xFFFFFFB0] =	vst v7;
	v7 =	vadd.f32 $1.000000000e+00, v14  }
0x514: {  	v14 =	vld [tilespmem:s16+$0x5340];
	v6 =	vmul.f32 v6, v11  }
0x515: {  	v11 =	vmul.f32 v13, v10;
	v17 =	vld [tilespmem:s16+$0xF340];
	v18 =	vpop (erf);
	(erf) = vrcp.f32 v7  }
0x516: {  	v7 =	vld [tilespmem:s22+$0xEF10];
	v6 =	vmul.f32 v18, v6  }
0x517: {  	v18 =	vld [tilespmem:s23+$0x4F10];
	v11 =	vadd.f32 $1.000000000e+00, v11;
	v19 =	vadd.f32 v8, v15;
	v8 =	vmul.f32 v8, v15;
	v15 =	vpop (erf)  }
0x518: {  	v20 =	vld [tilespmem:s23+$0xEF10];
	v5 =	vmul.f32 v15, v5;
	[tilespmem:s14+$0xFFFFFFE0] =	vst v6  }
0x519: {  	v6 =	vadd.f32 $1.000000000e+00, v8;
	(erf) = vrcp.f32 v11;
	v8 =	vld [tilespmem:s13+$0x5370]  }
0x51a: {  	v11 =	vmul.f32 v17, v14;
	[tilespmem:s17+$0x30] =	vst v5;
	v15 =	vld [tilespmem:s13+$0xF370]  }
0x51b: {  	v5 =	vadd.f32 v7, v16;
	(erf) = vrcp.f32 v6;
	v6 =	vld [tilespmem:s15+$0x5340]  }
0x51c: {  	v21 =	vadd.f32 $1.000000000e+00, v11;
	v11 =	vld [tilespmem:s15+$0xF340]  }
0x51d: {  	v5 =	vmul.f32 v19, v5;
	v16 =	vld [tilespmem:s15+$0x4F40]  }
0x51e: {  	v19 =	vld [tilespmem:s16+$0x4F40];
	(erf) = vrcp.f32 v21;
	v7 =	vpop (erf)  }
0x51f: {  	v10 =	vadd.f32 v13, v10;
	v18 =	vadd.f32 v20, v18;
	v13 =	vld [tilespmem:s16+$0xEF40];
	v20 =	vmul.f32 v15, v8  }
0x520: {  	v21 =	vld [tilespmem:s15+$0xEF40]  }
0x521: {  	v10 =	vmul.f32 v10, v18;
	v18 =	vmul.f32 v11, v6;
	v25 =	vadd.f32 $1.000000000e+00, v20;
	v22 =	vld [tilespmem:s12+$0xEF60]  }
0x522: {  	v11 =	vadd.f32 v11, v6;
	v23 =	vpop (erf);
	v24 =	vld [tilespmem:s11+$0x4F70]  }
0x523: {  	v6 =	vmul.f32 v23, v10;
	v10 =	vadd.f32 $1.000000000e+00, v18;
	v18 =	vld [tilespmem:s13+$0x4F70];
	(erf) = vrcp.f32 v25  }
0x524: {  	v23 =	vadd.f32 v17, v14;
	v20 =	vpop (erf);
	v13 =	vadd.f32 v13, v19;
	v17 =	vld [tilespmem:s13+$0xEF70];
	s13 =	smov.u32 s16;
	s16 =	smov.u32 s23  }
0x525: {  	[tilespmem:s19+$0xFFFFFF90] =	vst v6;
	v19 =	vmul.f32 v20, v5;
	v16 =	vadd.f32 v21, v16;
	(erf) = vrcp.f32 v10;
	v10 =	vld [tilespmem:s11+$0xEF70];
	s11 =	smov.u32 s12;
	s12 =	smov.u32 s15;
	s15 =	smov.u32 s22  }
0x526: {  	v5 =	vld [tilespmem:s16+$0x5320];
	v13 =	vmul.f32 v23, v13;
	v9 =	vadd.f32 v22, v9  }
0x527: {  	v6 =	vld [tilespmem:s16+$0xF320];
	[tilespmem:s19+$0x10] =	vst v19;
	v11 =	vmul.f32 v11, v16;
	v14 =	vpop (erf)  }
0x528: {  	v16 =	vld [tilespmem:s15+$0x5320];
	v13 =	vmul.f32 v14, v13;
	v9 =	vmul.f32 v12, v9  }
0x529: {  	v8 =	vadd.f32 v15, v8;
	v12 =	vld [tilespmem:s15+$0xF320];
	v14 =	vadd.f32 v17, v18  }
0x52a: {  	v15 =	vld [tilespmem:s15+$0x4F20];
	[tilespmem:s17+$0xFFFFFFC0] =	vst v13;
	v17 =	vmul.f32 v7, v9;
	v10 =	vadd.f32 v10, v24  }
0x52b: {  	v7 =	vld [tilespmem:s13+$0x5350];
	v13 =	vmul.f32 v8, v14  }
0x52c: {  	v14 =	vmul.f32 v6, v5;
	v8 =	vld [tilespmem:s13+$0xF350];
	[tilespmem:s14+$0x60] =	vst v17;
	v9 =	vpop (erf);
	v3 =	vmul.f32 v3, v10  }
0x52d: {  	v10 =	vld [tilespmem:s15+$0xEF20];
	v9 =	vmul.f32 v9, v13  }
0x52e: {  	v13 =	vadd.f32 $1.000000000e+00, v14;
	v14 =	vadd.f32 v12, v16;
	v16 =	vmul.f32 v12, v16;
	v12 =	vpop (erf);
	v17 =	vld [tilespmem:s11+$0x5370]  }
0x52f: {  	v3 =	vmul.f32 v4, v3;
	v11 =	vmul.f32 v12, v11;
	[tilespmem:s14+$0xFFFFFFF0] =	vst v9;
	v18 =	vld [tilespmem:s11+$0xF370]  }
.Ltmp3:
0x530: {  	v12 =	vld [tilespmem:s16+$0x4F20];
	v4 =	vadd.f32 $1.000000000e+00, v16;
	(erf) = vrcp.f32 v13;
	(pc) =	sbr.rel @p0 .LBB2_8-.Ltmp3, $4  }
0x531: {  	v13 =	vld [tilespmem:s16+$0xEF20];
	v9 =	vmul.f32 v8, v7;
	[tilespmem:s17+$0x40] =	vst v11  }
0x532: {  	v11 =	vadd.f32 v10, v15;
	(erf) = vrcp.f32 v4;
	v4 =	vld [tilespmem:s12+$0x5350];
	[tilespmem:s7+$0x70] =	vst v3;
	s7 =	smov.u32 s14;
	s14 =	smov.u32 s17;
	s17 =	smov.u32 s19  }
0x533: {  	v15 =	vadd.f32 $1.000000000e+00, v9;
	v10 =	vld [tilespmem:s12+$0xF350]  }
0x534: {  	s21 =	sadd.s32 $0x100, s21;
	v11 =	vmul.f32 v14, v11;
	v9 =	vld [tilespmem:s12+$0x4F50];
	v3 =	vadd.f32 v18, v17;
	v14 =	vmul.f32 v18, v17  }
0x535: {  	v16 =	vld [tilespmem:s13+$0x4F50];
	(erf) = vrcp.f32 v15  }
0x536: {  	v51 =	vld [tilespmem:s13+$0xEF50];
	_ =	sdelay $0x2  }
0x537: {  	v5 =	vadd.f32 v6, v5;
	v12 =	vadd.f32 v13, v12;
	_ =	sdelay $0x1  }
0x538: {  	v7 =	vadd.f32 v8, v7;
	v5 =	vmul.f32 v5, v12;
	v52 =	vadd.f32 v51, v16  }
0x539: {  	v53 =	vpop (erf)  }
0x53a: {  	v5 =	vmul.f32 v53, v5;
	v54 =	vpop (erf);
	v6 =	vmul.f32 v7, v52  }
0x53b: {  	v55 =	vpop (erf)  }
0x53c: {  	[tilespmem:s19+$0xFFFFFFA0] =	vst v5;
	v56 =	vmul.f32 v55, v6  }
0x53d: {  	v57 =	vld [tilespmem:s16+$0x5330]  }
0x53e: {  	v58 =	vmul.f32 v54, v11;
	v59 =	vld [tilespmem:s16+$0xF330];
	[tilespmem:s14+$0xFFFFFFD0] =	vst v56  }
0x53f: {  	v5 =	vld [tilespmem:s13+$0x5360]  }
0x540: {  	[tilespmem:s19+$0x20] =	vst v58;
	v61 =	vld [tilespmem:s13+$0xF360]  }
0x541: {  	v60 =	vmul.f32 v10, v4;
	v63 =	vld [tilespmem:s15+$0x5330]  }
0x542: {  	v62 =	vadd.f32 $1.000000000e+00, v14;
	v21 =	vld [tilespmem:s15+$0xF330]  }
0x543: {  	v11 =	vadd.f32 $1.000000000e+00, v60;
	v22 =	vmul.f32 v59, v57  }
0x544: {  	(erf) = vrcp.f32 v62  }
0x545: {  	v23 =	vld [tilespmem:s12+$0xEF50];
	(erf) = vrcp.f32 v11;
	v12 =	vadd.f32 $1.000000000e+00, v22;
	v24 =	vmul.f32 v61, v5  }
0x546: {  	v25 =	vld [tilespmem:s16+$0x4F30]  }
0x547: {  	v17 =	vld [tilespmem:s16+$0xEF30];
	v26 =	vmul.f32 v21, v63;
	(erf) = vrcp.f32 v12;
	v15 =	vadd.f32 $1.000000000e+00, v24;
	_ =	sdelay $0x1  }
0x548: {  	v18 =	vld [tilespmem:s13+$0x4F60];
	v12 =	vadd.f32 $1.000000000e+00, v26;
	(erf) = vrcp.f32 v15  }
0x549: {  	v28 =	vld [tilespmem:s13+$0xEF60]  }
0x54a: {  	v27 =	vadd.f32 v10, v4;
	v9 =	vadd.f32 v23, v9;
	v29 =	vld [tilespmem:s15+$0x4F30];
	(erf) = vrcp.f32 v12  }
0x54b: {  	v30 =	vld [tilespmem:s15+$0xEF30];
	v16 =	vadd.f32 v17, v25;
	v6 =	vadd.f32 v59, v57  }
0x54c: {  	v9 =	vmul.f32 v27, v9;
	v4 =	vpop (erf)  }
0x54d: {  	v6 =	vmul.f32 v6, v16;
	v31 =	vpop (erf)  }
0x54e: {  	v33 =	vadd.f32 v28, v18;
	v5 =	vadd.f32 v61, v5;
	v32 =	vmul.f32 v31, v9  }
0x54f: {  	v34 =	vadd.f32 v21, v63;
	v35 =	vpop (erf)  }
0x550: {  	v36 =	vadd.f32 v30, v29;
	v5 =	vmul.f32 v5, v33;
	[tilespmem:s14+$0x50] =	vst v32;
	v6 =	vmul.f32 v35, v6  }
0x551: {  	v37 =	vld [tilespmem:s12+$0x5360];
	v38 =	vpop (erf)  }
0x552: {  	v7 =	vmul.f32 v34, v36;
	v39 =	vld [tilespmem:s12+$0xF360];
	[tilespmem:s17+$0xFFFFFFB0] =	vst v6;
	v5 =	vmul.f32 v38, v5  }
0x553: {  	v6 =	vld [tilespmem:s16+$0x5340];
	v40 =	vpop (erf)  }
0x554: {  	v41 =	vld [tilespmem:s16+$0xF340];
	v7 =	vmul.f32 v40, v7;
	[tilespmem:s14+$0xFFFFFFE0] =	vst v5  }
0x555: {  	v5 =	vld [tilespmem:s13+$0x5370]  }
0x556: {  	[tilespmem:s17+$0x30] =	vst v7;
	v7 =	vld [tilespmem:s13+$0xF370]  }
0x557: {  	v42 =	vld [tilespmem:s15+$0x5340]  }
0x558: {  	v44 =	vld [tilespmem:s15+$0xF340]  }
0x559: {  	v43 =	vmul.f32 v39, v37;
	_ =	sdelay $0x1  }
0x55a: {  	v12 =	vadd.f32 $1.000000000e+00, v43;
	v45 =	vmul.f32 v41, v6  }
0x55b: {  	v50 =	vld [tilespmem:s12+$0x4F60];
	v46 =	vmul.f32 v7, v5  }
0x55c: {  	v51 =	vld [tilespmem:s12+$0xEF60];
	(erf) = vrcp.f32 v12;
	v14 =	vadd.f32 $1.000000000e+00, v45;
	v48 =	vmul.f32 v44, v42  }
0x55d: {  	v47 =	vld [tilespmem:s16+$0x4F40];
	v12 =	vadd.f32 $1.000000000e+00, v46  }
0x55e: {  	v49 =	vld [tilespmem:s16+$0xEF40];
	(erf) = vrcp.f32 v14;
	v14 =	vadd.f32 $1.000000000e+00, v48  }
0x55f: {  	(erf) = vrcp.f32 v12  }
0x560: {  	v52 =	vld [tilespmem:s15+$0x4F40];
	(erf) = vrcp.f32 v14  }
0x561: {  	v53 =	vld [tilespmem:s15+$0xEF40]  }
0x562: {  	v9 =	vadd.f32 v39, v37;
	v55 =	vadd.f32 v51, v50  }
0x563: {  	v15 =	vadd.f32 v49, v47;
	v6 =	vadd.f32 v41, v6  }
0x564: {  	v9 =	vmul.f32 v9, v55  }
0x565: {  	v6 =	vmul.f32 v6, v15;
	v54 =	vpop (erf)  }
0x566: {  	v8 =	vadd.f32 v44, v42;
	v57 =	vmul.f32 v54, v9;
	v12 =	vadd.f32 v53, v52  }
0x567: {  	v56 =	vpop (erf)  }
0x568: {  	[tilespmem:s14+$0x60] =	vst v57;
	v8 =	vmul.f32 v8, v12;
	v6 =	vmul.f32 v56, v6;
	v9 =	vpop (erf)  }
0x569: {  	v62 =	vld [tilespmem:s12+$0x5370];
	v59 =	vpop (erf)  }
0x56a: {  	v63 =	vld [tilespmem:s12+$0xF370];
	[tilespmem:s17+$0xFFFFFFC0] =	vst v6;
	v61 =	vmul.f32 v59, v8  }
0x56b: {  	v58 =	vld [tilespmem:s16+$0x5350]  }
0x56c: {  	v60 =	vld [tilespmem:s16+$0xF350];
	[tilespmem:s17+$0x40] =	vst v61  }
0x56d: {  	v6 =	vld [tilespmem:s15+$0x5350]  }
0x56e: {  	v24 =	vld [tilespmem:s15+$0xF350];
	_ =	sdelay $0x2  }
0x56f: {  	v25 =	vmul.f32 v60, v58  }
0x570: {  	v26 =	vmul.f32 v63, v62  }
0x571: {  	v14 =	vadd.f32 $1.000000000e+00, v25;
	v27 =	vmul.f32 v24, v6  }
0x572: {  	v15 =	vadd.f32 $1.000000000e+00, v26  }
0x573: {  	v28 =	vld [tilespmem:s16+$0x4F50];
	(erf) = vrcp.f32 v14;
	v29 =	vadd.f32 $1.000000000e+00, v27  }
0x574: {  	v30 =	vld [tilespmem:s16+$0xEF50];
	(erf) = vrcp.f32 v15  }
0x575: {  	v31 =	vld [tilespmem:s15+$0x4F50];
	(erf) = vrcp.f32 v29  }
0x576: {  	v32 =	vld [tilespmem:s15+$0xEF50];
	_ =	sdelay $0x2  }
0x577: {  	v16 =	vadd.f32 v30, v28;
	v10 =	vadd.f32 v60, v58;
	_ =	sdelay $0x1  }
0x578: {  	v10 =	vmul.f32 v10, v16;
	v6 =	vadd.f32 v24, v6;
	v33 =	vadd.f32 v32, v31  }
0x579: {  	v34 =	vpop (erf)  }
0x57a: {  	v6 =	vmul.f32 v6, v33;
	v10 =	vmul.f32 v34, v10;
	v35 =	vpop (erf)  }
0x57b: {  	v36 =	vpop (erf)  }
0x57c: {  	[tilespmem:s17+$0xFFFFFFD0] =	vst v10;
	v6 =	vmul.f32 v36, v6  }
0x57d: {  	v10 =	vld [tilespmem:s16+$0x5360]  }
0x57e: {  	v37 =	vld [tilespmem:s16+$0xF360];
	[tilespmem:s17+$0x50] =	vst v6  }
0x57f: {  	v6 =	vld [tilespmem:s15+$0x5360]  }
0x580: {  	v38 =	vld [tilespmem:s15+$0xF360];
	_ =	sdelay $0x2  }
0x581: {  	v39 =	vmul.f32 v37, v10;
	_ =	sdelay $0x1  }
0x582: {  	v15 =	vadd.f32 $1.000000000e+00, v39;
	v40 =	vmul.f32 v38, v6;
	_ =	sdelay $0x1  }
0x583: {  	v41 =	vld [tilespmem:s16+$0x4F60];
	(erf) = vrcp.f32 v15;
	v42 =	vadd.f32 $1.000000000e+00, v40  }
0x584: {  	v43 =	vld [tilespmem:s16+$0xEF60]  }
0x585: {  	v44 =	vld [tilespmem:s15+$0x4F60];
	(erf) = vrcp.f32 v42  }
0x586: {  	v45 =	vld [tilespmem:s15+$0xEF60];
	_ =	sdelay $0x2  }
0x587: {  	v16 =	vadd.f32 v43, v41;
	v10 =	vadd.f32 v37, v10;
	_ =	sdelay $0x1  }
0x588: {  	v10 =	vmul.f32 v10, v16;
	v6 =	vadd.f32 v38, v6;
	v46 =	vadd.f32 v45, v44  }
0x589: {  	v47 =	vpop (erf)  }
0x58a: {  	v6 =	vmul.f32 v6, v46;
	v10 =	vmul.f32 v47, v10  }
0x58b: {  	v48 =	vpop (erf)  }
0x58c: {  	[tilespmem:s17+$0xFFFFFFE0] =	vst v10;
	v6 =	vmul.f32 v48, v6  }
0x58d: {  	v10 =	vld [tilespmem:s16+$0x5370]  }
0x58e: {  	v49 =	vld [tilespmem:s16+$0xF370];
	[tilespmem:s17+$0x60] =	vst v6  }
0x58f: {  	v6 =	vld [tilespmem:s15+$0x5370]  }
0x590: {  	v50 =	vld [tilespmem:s15+$0xF370]  }
0x591: {  	v19 =	vld [tilespmem:s11+$0xEF70]  }
0x592: {  	v51 =	vld [tilespmem:s11+$0x4F70]  }
0x593: {  	v52 =	vld [tilespmem:s13+$0x4F70]  }
0x594: {  	v53 =	vld [tilespmem:s13+$0xEF70];
	v54 =	vmul.f32 v49, v10  }
0x595: {  	v20 =	vld [tilespmem:s12+$0x4F70];
	v21 =	vmul.f32 v50, v6  }
0x596: {  	v23 =	vld [tilespmem:s12+$0xEF70];
	v18 =	vadd.f32 $1.000000000e+00, v54  }
0x597: {  	v22 =	vld [tilespmem:s16+$0x4F70];
	v21 =	vadd.f32 $1.000000000e+00, v21  }
0x598: {  	v55 =	vld [tilespmem:s16+$0xEF70];
	(erf) = vrcp.f32 v18  }
0x599: {  	v56 =	vld [tilespmem:s15+$0x4F70];
	(erf) = vrcp.f32 v21  }
0x59a: {  	v8 =	vadd.f32 v63, v62;
	v57 =	vld [tilespmem:s15+$0xEF70]  }
0x59b: {  	v59 =	vadd.f32 v23, v20;
	v15 =	vadd.f32 v19, v51  }
0x59c: {  	v5 =	vadd.f32 v7, v5;
	v16 =	vadd.f32 v53, v52  }
0x59d: {  	v8 =	vmul.f32 v8, v59;
	v3 =	vmul.f32 v3, v15  }
0x59e: {  	v5 =	vmul.f32 v5, v16;
	v58 =	vadd.f32 v55, v22;
	v10 =	vadd.f32 v49, v10  }
0x59f: {  	v3 =	vmul.f32 v4, v3;
	v6 =	vadd.f32 v50, v6;
	v7 =	vadd.f32 v57, v56  }
0x5a0: {  	v5 =	vmul.f32 v9, v5;
	v10 =	vmul.f32 v10, v58  }
0x5a1: {  	[tilespmem:s7+$0x70] =	vst v3;
	v3 =	vmul.f32 v35, v8;
	v61 =	vmul.f32 v6, v7;
	v60 =	vpop (erf)  }
0x5a2: {  	[tilespmem:s14+$0xFFFFFFF0] =	vst v5;
	v4 =	vmul.f32 v60, v10;
	v62 =	vpop (erf)  }
0x5a3: {  	[tilespmem:s14+$0x70] =	vst v3;
	v63 =	vmul.f32 v62, v61  }
0x5a4: {  	[tilespmem:s17+$0xFFFFFFF0] =	vst v4  }
0x5a5: {  	[tilespmem:s17+$0x70] =	vst v63  }
0x5a6: {  	s25 =	simm.s32 $0x4;
	s7 =	rddreg [dreg:$0x5]  }
0x5a7: {  	[hbm4b:s7+s3] =	stream.linear.scatter [tilespmem:s9], [sflag:$0x3], $0x2800, $0x38;
	[tilespmem:$0x1DF00] =	vst v63  }
0x5a8: {  	_ =	swait.ge [sflag:s25], $0x2800  }
0x5a9: {  	[sflag:s25] =	ssyncset.done $0x0  }
0x5aa: {  	[sflag:s25] =	ssyncadd.s32 $0xFFFFD800  }
0x5ab: {  	_ =	swait.ge [sflag:s26], $0x2800  }
0x5ac: {  	s28 =	rddreg [dreg:$0x7]  }
0x5ad: {  	s29 =	rddreg [dreg:$0x6];
	s11 =	sadd.s32 $0x1, s28  }
0x5ae: {  	p0 =	sne.s32 s11, s29  }
.Ltmp4:
0x5af: {  	_ = 	snop;
	(pc) =	sbr.rel @p0 .LBB2_1-.Ltmp4, $3  }
0x5b0: {  	_ =	sdelay $0x1  }
0x5b1: {  	[sflag:s26] =	ssyncset.done $0x0  }
0x5b2: {  	[sflag:s26] =	ssyncadd.s32 $0xFFFFD800  }
0x5b3: {  	_ =	sfence.sel $0x180000  }
0x5b4: {  	[bflag:$0x0] =	sbarrier.arrive $0xFFFF  }
0x5b5: {  	_ =	strace $0x90000047  }
0x5b6: {  	s0 =	stileid.u32;
	[bflag:$0x2] =	sbarrier.arrive $0xFFFF  }
0x5b7: {  	p0 =	sne.s32 s0, $0x0;
	s0 =	rddreg [dreg:$0x2]  }
0x5b8: {  	s0 =	sadd.s32 @!p0 $0x100000, s0  }
0x5b9: {  	[sflag:s0] =	ssyncadd.tile.s32 @!p0 $0x1;
	_ =	shalt  }
.Lfunc_end2:
_tile_overlayer_lowered:
.L_overlay_start_2:
0x5ba: {  	(tag) =	ssettag $0x2  }
0x5bb: {  	s0 =	rddreg [dreg:$0x0];
	s2 =	stileid.u32  }
0x5bc: {  	s1 =	rddreg [dreg:$0x1];
	p0 =	sne.s32 s2, $0x0  }
0x5bd: {  	s3 =	rddreg [dreg:$0x2];
	[bflag:$0x3] =	sbarrier.arrive $0xFFFF;
	s2 =	simm.s32 @!p0 $0x1C05  }
0x5be: {  	[timem:s3], [sflag:s2] =	dma.local @!p0 [hbm:s0], s1  }
0x5bf: {  	s0 =	simm.s32 @!p0 $0x5  }
0x5c0: {  	_ =	swait.ge @!p0 [sflag:s0], s1  }
0x5c1: {  	s1 =	ssub.s32 @!p0 $0x0, s1;
	[sflag:s0] =	ssyncset.done @!p0 $0x0  }
0x5c2: {  	[sflag:s0] =	ssyncadd.s32 @!p0 s1  }
0x5c3: {  	[bflag:$0x3] =	sbarrier.arrive $0xFFFF  }
0x5c4: {  	_ =	shalt  }

</sc_bundles>
